<compile_context>
chip_gen: v7x
topology: tpu7x:2x2x1
jax: 0.10.2.dev20260603
libtpu: 0.0.44.dev20260713+nightly
codegen_flags: <defaults>
</compile_context>

<pallas_src>
import functools

import jax
import jax.numpy as jnp
from jax import lax
from jax.experimental import pallas as pl
from jax.experimental.pallas import tpu as pltpu
from jax.experimental.pallas import tpu_sc as plsc

HS = 128
HV = 128
FEAT = HS + 3 * HV
SEG = 16
OUT_F = HS + HV
NC, NSUB, L = 2, 16, 16
NW = NC * NSUB
CHUNK = 128


def _tc_norms(node_features):
    n = node_features.shape[0]
    blk = 8192
    steps = n // blk
    W = 3 * HV

    def body(hbm_ref, o_ref, buf, s0, s1):
        i = pl.program_id(0)

        def src(step):
            return hbm_ref.at[pl.ds(step * blk, blk), pl.ds(HS, W)]

        @pl.when(i == 0)
        def _():
            pltpu.async_copy(src(0), buf.at[0], s0)

        nxt = i + 1

        @pl.when(jnp.logical_and(nxt < steps, nxt % 2 == 0))
        def _():
            pltpu.async_copy(src(nxt), buf.at[0], s0)

        @pl.when(jnp.logical_and(nxt < steps, nxt % 2 == 1))
        def _():
            pltpu.async_copy(src(nxt), buf.at[1], s1)

        @pl.when(i % 2 == 0)
        def _():
            pltpu.make_async_copy(src(i), buf.at[0], s0).wait()

        @pl.when(i % 2 == 1)
        def _():
            pltpu.make_async_copy(src(i), buf.at[1], s1).wait()

        v = buf[i % 2]
        sq = v * v
        r = lax.broadcasted_iota(jnp.int32, (W, HV), 0)
        c = lax.broadcasted_iota(jnp.int32, (W, HV), 1)
        sel = jnp.where(r // 3 == c, 1.0, 0.0)
        ss = jnp.dot(sq, sel, preferred_element_type=jnp.float32)
        o_ref[...] = jnp.sqrt(ss)

    return pl.pallas_call(
        body,
        grid=(steps,),
        in_specs=[pl.BlockSpec(memory_space=pltpu.MemorySpace.HBM)],
        out_specs=pl.BlockSpec((blk, HV), lambda i: (i, 0)),
        out_shape=jax.ShapeDtypeStruct((n, HV), jnp.float32),
        scratch_shapes=[
            pltpu.VMEM((2, blk, W), jnp.float32),
            pltpu.SemaphoreType.DMA,
            pltpu.SemaphoreType.DMA,
        ],
    )(node_features)


def _sc_segsum(node_features, norms, seg_chunks):
    n = node_features.shape[0]
    rows_per_w = n // NW
    n_chunks = rows_per_w // CHUNK
    mesh = plsc.VectorSubcoreMesh(core_axis_name="c", subcore_axis_name="s")

    @functools.partial(
        pl.kernel,
        out_type=(
            jax.ShapeDtypeStruct((NW, SEG, HS), jnp.float32),
            jax.ShapeDtypeStruct((NW, SEG, HV), jnp.float32),
        ),
        mesh=mesh,
        compiler_params=pltpu.CompilerParams(needs_layout_passes=False),
        scratch_types=[
            pltpu.VMEM((CHUNK, HS), jnp.float32),
            pltpu.VMEM((CHUNK, HS), jnp.float32),
            pltpu.VMEM((CHUNK, HV), jnp.float32),
            pltpu.VMEM((CHUNK, HV), jnp.float32),
            pltpu.VMEM((n_chunks, CHUNK), jnp.int32),
            pltpu.VMEM((SEG, HS), jnp.float32),
            pltpu.VMEM_SHARED((NSUB * SEG, HS), jnp.float32),
            pltpu.VMEM_SHARED((NSUB * SEG, HV), jnp.float32),
            pltpu.SemaphoreType.DMA,
            pltpu.SemaphoreType.DMA,
            pltpu.SemaphoreType.DMA,
            pltpu.SemaphoreType.DMA,
            pltpu.SemaphoreType.DMA,
            pltpu.SemaphoreType.DMA,
            pltpu.SemaphoreType.DMA,
            pltpu.SemaphoreType.DMA,
        ],
    )
    def k(feat_hbm, norm_hbm, idx_hbm, outs_hbm, outn_hbm,
          bs0, bs1, bn0, bn1, ibuf, zbuf, acc_s, acc_n,
          sis0, sis1, sin0, sin1, sas0, sas1, san0, san1):
        cid = lax.axis_index("c")
        sid = lax.axis_index("s")
        wid = sid * NC + cid
        base = wid * rows_per_w
        sbufs, ssis, ssas = (bs0, bs1), (sis0, sis1), (sas0, sas1)
        nbufs, nsis, nsas = (bn0, bn1), (sin0, sin1), (san0, san1)

        def src_s(c):
            rb = base + c * CHUNK
            return feat_hbm.at[pl.ds(rb, CHUNK), pl.ds(0, HS)]

        def src_n(c):
            rb = base + c * CHUNK
            return norm_hbm.at[pl.ds(rb, CHUNK), :]

        pltpu.async_copy(src_s(0), bs0, sis0)
        pltpu.async_copy(src_n(0), bn0, sin0)
        pltpu.async_copy(src_s(1), bs1, sis1)
        pltpu.async_copy(src_n(1), bn1, sin1)

        pltpu.sync_copy(idx_hbm.at[wid], ibuf)
        off = (sid * SEG).astype(jnp.int32)
        for cc in range(n_chunks):
            for j in range(CHUNK // L):
                ibuf[cc, pl.ds(j * L, L)] = ibuf[cc, pl.ds(j * L, L)] + off

        zeros = jnp.zeros((L,), jnp.float32)
        for s in range(SEG):
            for j in range(HS // L):
                zbuf[s, pl.ds(j * L, L)] = zeros
        pltpu.sync_copy(zbuf, acc_s.at[pl.ds(sid * SEG, SEG)])
        pltpu.sync_copy(zbuf, acc_n.at[pl.ds(sid * SEG, SEG)])

        for c in range(n_chunks):
            slot = c % 2
            idx = ibuf.at[c]
            pltpu.make_async_copy(src_s(c), sbufs[slot], ssis[slot]).wait()
            adds = pltpu.async_copy(
                sbufs[slot], acc_s.at[idx], ssas[slot], add=True)
            pltpu.make_async_copy(src_n(c), nbufs[slot], nsis[slot]).wait()
            addn = pltpu.async_copy(
                nbufs[slot], acc_n.at[idx], nsas[slot], add=True)
            adds.wait()
            if c + 2 < n_chunks:
                pltpu.async_copy(src_s(c + 2), sbufs[slot], ssis[slot])
            addn.wait()
            if c + 2 < n_chunks:
                pltpu.async_copy(src_n(c + 2), nbufs[slot], nsis[slot])

        pltpu.sync_copy(acc_s.at[pl.ds(sid * SEG, SEG)], outs_hbm.at[wid])
        pltpu.sync_copy(acc_n.at[pl.ds(sid * SEG, SEG)], outn_hbm.at[wid])

    return k(node_features, norms, seg_chunks)


def _tc_finalize(part_s, part_n, seg_ids_2d):
    def body(ps_ref, pn_ref, idx_ref, out_ref):
        ssum = jnp.sum(ps_ref[...], axis=0)
        nsum = jnp.sum(pn_ref[...], axis=0)
        b = idx_ref[...]
        counts = []
        for s in range(SEG):
            counts.append(jnp.sum(jnp.where(b == s, 1.0, 0.0)))
        cnt = jnp.maximum(jnp.stack(counts), 1.0)[:, None]
        out_ref[...] = jnp.concatenate([ssum, nsum], axis=-1) / cnt

    return pl.pallas_call(
        body,
        out_shape=jax.ShapeDtypeStruct((SEG, OUT_F), jnp.float32),
    )(part_s, part_n, seg_ids_2d)


def kernel(node_features, batch_idx, num_samples):
    n = batch_idx.shape[0]
    seg_ids = (batch_idx + (num_samples - SEG)).astype(jnp.int32)
    seg_chunks = seg_ids.reshape(NW, n // (NW * CHUNK), CHUNK)
    norms = _tc_norms(node_features)
    part_s, part_n = _sc_segsum(node_features, norms, seg_chunks)
    return _tc_finalize(part_s, part_n, seg_ids.reshape(n // 128, 128))

# --- scband reference (transcript-rebuilt; emitter-appended) ---
"""Pipeline reference for scband-invariant-pooling-58523224375462 (READ-ONLY COPY).

The authoritative reference and input builder live on the scoring server;
editing this copy changes nothing except your own understanding.
"""

import jax, jax.numpy as jnp
import numpy as np

HIDDEN_SCALARS = 128
HIDDEN_VECTORS = 128
TOTAL_ATOMS = 32768
NUM_SAMPLES = 16

def setup_inputs(seed: int = 0) -> dict:
    key = jax.random.key(seed)
    k1, k2 = jax.random.split(key)
    node_features = jax.random.normal(k1, (TOTAL_ATOMS, HIDDEN_SCALARS + HIDDEN_VECTORS * 3), dtype=jnp.float32)
    batch_idx = jnp.sort(jax.random.randint(k2, (TOTAL_ATOMS,), 0, NUM_SAMPLES, dtype=jnp.int64))
    return {"node_features": node_features, "batch_idx": batch_idx, "num_samples": NUM_SAMPLES}

def _scatter_mean(data, seg_ids, num_segments):
    sums = jax.ops.segment_sum(data, seg_ids, num_segments=num_segments)
    counts = jax.ops.segment_sum(jnp.ones((data.shape[0],), dtype=data.dtype), seg_ids, num_segments=num_segments)
    counts = jnp.clip(counts, 1.0, None)[:, None]
    return sums / counts

def reference(node_features, batch_idx, num_samples):
    scalars = node_features[:, :HIDDEN_SCALARS]
    vectors = node_features[:, HIDDEN_SCALARS:].reshape(-1, HIDDEN_VECTORS, 3)
    seg_ids = batch_idx + (num_samples - NUM_SAMPLES)
    pooled_scalars = _scatter_mean(scalars, seg_ids, NUM_SAMPLES)
    vector_norms = jnp.sqrt(jnp.sum(vectors * vectors, axis=-1))
    pooled_norms = _scatter_mean(vector_norms, seg_ids, NUM_SAMPLES)
    return jnp.concatenate([pooled_scalars, pooled_norms], axis=-1)

if __name__ == "__main__":
    import jax
    _d = setup_inputs()
    print(jax.jit(kernel)(*tuple(_d.values())))

</pallas_src>

<mosaic_0001>
#map = affine_map<(d0, d1) -> (0, 0)>
#map1 = affine_map<(d0, d1) -> (0, 0, 0)>
module attributes {stable_mosaic.version = 14 : i64} {
  func.func @k(%arg0: i32, %arg1: i32, %arg2: memref<32768x512xf32, #tpu.memory_space<hbm>>, %arg3: memref<32768x128xf32, #tpu.memory_space<hbm>>, %arg4: memref<32x8x128xi32, #tpu.memory_space<hbm>>, %arg5: memref<32x16x128xf32, #tpu.memory_space<hbm>>, %arg6: memref<32x16x128xf32, #tpu.memory_space<hbm>>, %arg7: memref<128x128xf32, #tpu.memory_space<vmem>>, %arg8: memref<128x128xf32, #tpu.memory_space<vmem>>, %arg9: memref<128x128xf32, #tpu.memory_space<vmem>>, %arg10: memref<128x128xf32, #tpu.memory_space<vmem>>, %arg11: memref<8x128xi32, #tpu.memory_space<vmem>>, %arg12: memref<16x128xf32, #tpu.memory_space<vmem>>, %arg13: memref<256x128xf32, #tpu.memory_space<vmem_shared>>, %arg14: memref<256x128xf32, #tpu.memory_space<vmem_shared>>, %arg15: memref<!tpu.dma_semaphore, #tpu.memory_space<semaphore_mem>>, %arg16: memref<!tpu.dma_semaphore, #tpu.memory_space<semaphore_mem>>, %arg17: memref<!tpu.dma_semaphore, #tpu.memory_space<semaphore_mem>>, %arg18: memref<!tpu.dma_semaphore, #tpu.memory_space<semaphore_mem>>, %arg19: memref<!tpu.dma_semaphore, #tpu.memory_space<semaphore_mem>>, %arg20: memref<!tpu.dma_semaphore, #tpu.memory_space<semaphore_mem>>, %arg21: memref<!tpu.dma_semaphore, #tpu.memory_space<semaphore_mem>>, %arg22: memref<!tpu.dma_semaphore, #tpu.memory_space<semaphore_mem>>) attributes {dimension_semantics = [#tpu.dimension_semantics<core_parallel>, #tpu.dimension_semantics<subcore_parallel>], iteration_bounds = array<i64: 2, 16>, scalar_prefetch = 0 : i64, scratch_operands = 16 : i64, tpu.core_type = #tpu.core_type<sc_vector_subcore>, window_params = [{transform_indices = #map}, {transform_indices = #map}, {transform_indices = #map1}, {transform_indices = #map1}, {transform_indices = #map1}]} {
    %mul3A = arith.constant 2 : i32
    %mul3A_0 = arith.muli %arg1, %mul3A : i32
    %add3A = arith.addi %mul3A_0, %arg0 : i32
    %mul3A_1 = arith.constant 1024 : i32
    %mul3A_2 = arith.muli %add3A, %mul3A_1 : i32
    %add3A_3 = arith.constant 0 : i32
    %add3A_4 = arith.addi %mul3A_2, %add3A_3 : i32
    %dma_start3A = arith.constant 0 : i32
    %dma_start3A_5 = tpu.memref_slice %arg2[%add3A_4, %dma_start3A] : memref<32768x512xf32, #tpu.memory_space<hbm>> -> memref<128x128xf32, #tpu.memory_space<hbm>>
    %dma_start3A_6 = arith.constant 0 : i32
    %dma_start3A_7 = tpu.memref_slice %arg2[%add3A_4, %dma_start3A_6] : memref<32768x512xf32, #tpu.memory_space<hbm>> -> memref<128x128xf32, #tpu.memory_space<hbm>>
    tpu.enqueue_dma source(%dma_start3A_7 : memref<128x128xf32, #tpu.memory_space<hbm>>) target(%arg7 : memref<128x128xf32, #tpu.memory_space<vmem>>) target_semaphore(%arg15 : memref<!tpu.dma_semaphore, #tpu.memory_space<semaphore_mem>>)
    %add3A_8 = arith.constant 0 : i32
    %add3A_9 = arith.addi %mul3A_2, %add3A_8 : i32
    %dma_start3A_10 = arith.constant 0 : i32
    %dma_start3A_11 = tpu.memref_slice %arg3[%add3A_9, %dma_start3A_10] : memref<32768x128xf32, #tpu.memory_space<hbm>> -> memref<128x128xf32, #tpu.memory_space<hbm>>
    %dma_start3A_12 = arith.constant 0 : i32
    %dma_start3A_13 = tpu.memref_slice %arg3[%add3A_9, %dma_start3A_12] : memref<32768x128xf32, #tpu.memory_space<hbm>> -> memref<128x128xf32, #tpu.memory_space<hbm>>
    tpu.enqueue_dma source(%dma_start3A_13 : memref<128x128xf32, #tpu.memory_space<hbm>>) target(%arg9 : memref<128x128xf32, #tpu.memory_space<vmem>>) target_semaphore(%arg17 : memref<!tpu.dma_semaphore, #tpu.memory_space<semaphore_mem>>)
    %add3A_14 = arith.constant 128 : i32
    %add3A_15 = arith.addi %mul3A_2, %add3A_14 : i32
    %dma_start3A_16 = arith.constant 0 : i32
    %dma_start3A_17 = tpu.memref_slice %arg2[%add3A_15, %dma_start3A_16] : memref<32768x512xf32, #tpu.memory_space<hbm>> -> memref<128x128xf32, #tpu.memory_space<hbm>>
    %dma_start3A_18 = arith.constant 0 : i32
    %dma_start3A_19 = tpu.memref_slice %arg2[%add3A_15, %dma_start3A_18] : memref<32768x512xf32, #tpu.memory_space<hbm>> -> memref<128x128xf32, #tpu.memory_space<hbm>>
    tpu.enqueue_dma source(%dma_start3A_19 : memref<128x128xf32, #tpu.memory_space<hbm>>) target(%arg8 : memref<128x128xf32, #tpu.memory_space<vmem>>) target_semaphore(%arg16 : memref<!tpu.dma_semaphore, #tpu.memory_space<semaphore_mem>>)
    %add3A_20 = arith.constant 128 : i32
    %add3A_21 = arith.addi %mul3A_2, %add3A_20 : i32
    %dma_start3A_22 = arith.constant 0 : i32
    %dma_start3A_23 = tpu.memref_slice %arg3[%add3A_21, %dma_start3A_22] : memref<32768x128xf32, #tpu.memory_space<hbm>> -> memref<128x128xf32, #tpu.memory_space<hbm>>
    %dma_start3A_24 = arith.constant 0 : i32
    %dma_start3A_25 = tpu.memref_slice %arg3[%add3A_21, %dma_start3A_24] : memref<32768x128xf32, #tpu.memory_space<hbm>> -> memref<128x128xf32, #tpu.memory_space<hbm>>
    tpu.enqueue_dma source(%dma_start3A_25 : memref<128x128xf32, #tpu.memory_space<hbm>>) target(%arg10 : memref<128x128xf32, #tpu.memory_space<vmem>>) target_semaphore(%arg18 : memref<!tpu.dma_semaphore, #tpu.memory_space<semaphore_mem>>)
    "tpu.region"() ({
      %run_scoped3A = tpu.sem_alloc : memref<!tpu.dma_semaphore, #tpu.memory_space<semaphore_mem>>
      %dma_start3A_1578 = arith.constant 0 : i32
      %dma_start3A_1579 = arith.constant 0 : i32
      %dma_start3A_1580 = tpu.memref_slice %arg4[%add3A, %dma_start3A_1578, %dma_start3A_1579] : memref<32x8x128xi32, #tpu.memory_space<hbm>> -> memref<1x8x128xi32, #tpu.memory_space<hbm>>
      %dma_start3A_1581 = tpu.memref_squeeze %dma_start3A_1580 : memref<1x8x128xi32, #tpu.memory_space<hbm>> -> memref<8x128xi32, #tpu.memory_space<hbm>>
      %dma_start3A_1582 = arith.constant 0 : i32
      %dma_start3A_1583 = arith.constant 0 : i32
      %dma_start3A_1584 = tpu.memref_slice %arg4[%add3A, %dma_start3A_1582, %dma_start3A_1583] : memref<32x8x128xi32, #tpu.memory_space<hbm>> -> memref<1x8x128xi32, #tpu.memory_space<hbm>>
      %dma_start3A_1585 = tpu.memref_squeeze %dma_start3A_1584 : memref<1x8x128xi32, #tpu.memory_space<hbm>> -> memref<8x128xi32, #tpu.memory_space<hbm>>
      tpu.enqueue_dma source(%dma_start3A_1585 : memref<8x128xi32, #tpu.memory_space<hbm>>) target(%arg11 : memref<8x128xi32, #tpu.memory_space<vmem>>) target_semaphore(%run_scoped3A : memref<!tpu.dma_semaphore, #tpu.memory_space<semaphore_mem>>)
      %dma_wait3A_1586 = arith.constant 0 : i32
      %dma_wait3A_1587 = arith.constant 0 : i32
      %dma_wait3A_1588 = tpu.memref_slice %arg4[%add3A, %dma_wait3A_1586, %dma_wait3A_1587] : memref<32x8x128xi32, #tpu.memory_space<hbm>> -> memref<1x8x128xi32, #tpu.memory_space<hbm>>
      %dma_wait3A_1589 = tpu.memref_squeeze %dma_wait3A_1588 : memref<1x8x128xi32, #tpu.memory_space<hbm>> -> memref<8x128xi32, #tpu.memory_space<hbm>>
      %dma_wait3A_1590 = arith.constant 0 : i32
      %dma_wait3A_1591 = arith.constant 0 : i32
      %dma_wait3A_1592 = tpu.memref_slice %arg4[%add3A, %dma_wait3A_1590, %dma_wait3A_1591] : memref<32x8x128xi32, #tpu.memory_space<hbm>> -> memref<1x8x128xi32, #tpu.memory_space<hbm>>
      %dma_wait3A_1593 = tpu.memref_squeeze %dma_wait3A_1592 : memref<1x8x128xi32, #tpu.memory_space<hbm>> -> memref<8x128xi32, #tpu.memory_space<hbm>>
      tpu.wait_dma2 semaphore(%run_scoped3A : memref<!tpu.dma_semaphore, #tpu.memory_space<semaphore_mem>>) src(%dma_wait3A_1593 : memref<8x128xi32, #tpu.memory_space<hbm>>) dst(%arg11 : memref<8x128xi32, #tpu.memory_space<vmem>>)
      tpu.yield
    }) : () -> ()
    %mul3A_26 = arith.constant 16 : i32
    %mul3A_27 = arith.muli %arg1, %mul3A_26 : i32
    %get3A = arith.constant 0 : i32
    %get3A_28 = arith.index_cast %get3A : i32 to index
    %get3A_29 = arith.constant 0 : index
    %get3A_30 = tpu.vector_load %arg11[%get3A_28, %get3A_29] {strides = array<i32>} : memref<8x128xi32, #tpu.memory_space<vmem>>, vector<16xi32>,
    %add3A_31 = vector.broadcast %mul3A_27 : i32 to vector<16xi32>
    %add3A_32 = arith.addi %get3A_30, %add3A_31 : vector<16xi32>
    %swap3A = arith.constant 0 : i32
    %swap3A_33 = arith.index_cast %swap3A : i32 to index
    %swap3A_34 = arith.constant 0 : index
    %swap3A_35 = tpu.vector_load %arg11[%swap3A_33, %swap3A_34] {strides = array<i32>} : memref<8x128xi32, #tpu.memory_space<vmem>>, vector<16xi32>,
    tpu.vector_store %arg11[%swap3A_33, %swap3A_34], %add3A_32 {strides = array<i32>} : memref<8x128xi32, #tpu.memory_space<vmem>>, vector<16xi32>,
    %get3A_36 = arith.constant 0 : i32
    %get3A_37 = arith.index_cast %get3A_36 : i32 to index
    %get3A_38 = arith.constant 16 : index
    %get3A_39 = tpu.vector_load %arg11[%get3A_37, %get3A_38] {strides = array<i32>} : memref<8x128xi32, #tpu.memory_space<vmem>>, vector<16xi32>,
    %add3A_40 = vector.broadcast %mul3A_27 : i32 to vector<16xi32>
    %add3A_41 = arith.addi %get3A_39, %add3A_40 : vector<16xi32>
    %swap3A_42 = arith.constant 0 : i32
    %swap3A_43 = arith.index_cast %swap3A_42 : i32 to index
    %swap3A_44 = arith.constant 16 : index
    %swap3A_45 = tpu.vector_load %arg11[%swap3A_43, %swap3A_44] {strides = array<i32>} : memref<8x128xi32, #tpu.memory_space<vmem>>, vector<16xi32>,
    tpu.vector_store %arg11[%swap3A_43, %swap3A_44], %add3A_41 {strides = array<i32>} : memref<8x128xi32, #tpu.memory_space<vmem>>, vector<16xi32>,
    %get3A_46 = arith.constant 0 : i32
    %get3A_47 = arith.index_cast %get3A_46 : i32 to index
    %get3A_48 = arith.constant 32 : index
    %get3A_49 = tpu.vector_load %arg11[%get3A_47, %get3A_48] {strides = array<i32>} : memref<8x128xi32, #tpu.memory_space<vmem>>, vector<16xi32>,
    %add3A_50 = vector.broadcast %mul3A_27 : i32 to vector<16xi32>
    %add3A_51 = arith.addi %get3A_49, %add3A_50 : vector<16xi32>
    %swap3A_52 = arith.constant 0 : i32
    %swap3A_53 = arith.index_cast %swap3A_52 : i32 to index
    %swap3A_54 = arith.constant 32 : index
    %swap3A_55 = tpu.vector_load %arg11[%swap3A_53, %swap3A_54] {strides = array<i32>} : memref<8x128xi32, #tpu.memory_space<vmem>>, vector<16xi32>,
    tpu.vector_store %arg11[%swap3A_53, %swap3A_54], %add3A_51 {strides = array<i32>} : memref<8x128xi32, #tpu.memory_space<vmem>>, vector<16xi32>,
    %get3A_56 = arith.constant 0 : i32
    %get3A_57 = arith.index_cast %get3A_56 : i32 to index
    %get3A_58 = arith.constant 48 : index
    %get3A_59 = tpu.vector_load %arg11[%get3A_57, %get3A_58] {strides = array<i32>} : memref<8x128xi32, #tpu.memory_space<vmem>>, vector<16xi32>,
    %add3A_60 = vector.broadcast %mul3A_27 : i32 to vector<16xi32>
    %add3A_61 = arith.addi %get3A_59, %add3A_60 : vector<16xi32>
    %swap3A_62 = arith.constant 0 : i32
    %swap3A_63 = arith.index_cast %swap3A_62 : i32 to index
    %swap3A_64 = arith.constant 48 : index
    %swap3A_65 = tpu.vector_load %arg11[%swap3A_63, %swap3A_64] {strides = array<i32>} : memref<8x128xi32, #tpu.memory_space<vmem>>, vector<16xi32>,
    tpu.vector_store %arg11[%swap3A_63, %swap3A_64], %add3A_61 {strides = array<i32>} : memref<8x128xi32, #tpu.memory_space<vmem>>, vector<16xi32>,
    %get3A_66 = arith.constant 0 : i32
    %get3A_67 = arith.index_cast %get3A_66 : i32 to index
    %get3A_68 = arith.constant 64 : index
    %get3A_69 = tpu.vector_load %arg11[%get3A_67, %get3A_68] {strides = array<i32>} : memref<8x128xi32, #tpu.memory_space<vmem>>, vector<16xi32>,
    %add3A_70 = vector.broadcast %mul3A_27 : i32 to vector<16xi32>
    %add3A_71 = arith.addi %get3A_69, %add3A_70 : vector<16xi32>
    %swap3A_72 = arith.constant 0 : i32
    %swap3A_73 = arith.index_cast %swap3A_72 : i32 to index
    %swap3A_74 = arith.constant 64 : index
    %swap3A_75 = tpu.vector_load %arg11[%swap3A_73, %swap3A_74] {strides = array<i32>} : memref<8x128xi32, #tpu.memory_space<vmem>>, vector<16xi32>,
    tpu.vector_store %arg11[%swap3A_73, %swap3A_74], %add3A_71 {strides = array<i32>} : memref<8x128xi32, #tpu.memory_space<vmem>>, vector<16xi32>,
    %get3A_76 = arith.constant 0 : i32
    %get3A_77 = arith.index_cast %get3A_76 : i32 to index
    %get3A_78 = arith.constant 80 : index
    %get3A_79 = tpu.vector_load %arg11[%get3A_77, %get3A_78] {strides = array<i32>} : memref<8x128xi32, #tpu.memory_space<vmem>>, vector<16xi32>,
    %add3A_80 = vector.broadcast %mul3A_27 : i32 to vector<16xi32>
    %add3A_81 = arith.addi %get3A_79, %add3A_80 : vector<16xi32>
    %swap3A_82 = arith.constant 0 : i32
    %swap3A_83 = arith.index_cast %swap3A_82 : i32 to index
    %swap3A_84 = arith.constant 80 : index
    %swap3A_85 = tpu.vector_load %arg11[%swap3A_83, %swap3A_84] {strides = array<i32>} : memref<8x128xi32, #tpu.memory_space<vmem>>, vector<16xi32>,
    tpu.vector_store %arg11[%swap3A_83, %swap3A_84], %add3A_81 {strides = array<i32>} : memref<8x128xi32, #tpu.memory_space<vmem>>, vector<16xi32>,
    %get3A_86 = arith.constant 0 : i32
    %get3A_87 = arith.index_cast %get3A_86 : i32 to index
    %get3A_88 = arith.constant 96 : index
    %get3A_89 = tpu.vector_load %arg11[%get3A_87, %get3A_88] {strides = array<i32>} : memref<8x128xi32, #tpu.memory_space<vmem>>, vector<16xi32>,
    %add3A_90 = vector.broadcast %mul3A_27 : i32 to vector<16xi32>
    %add3A_91 = arith.addi %get3A_89, %add3A_90 : vector<16xi32>
    %swap3A_92 = arith.constant 0 : i32
    %swap3A_93 = arith.index_cast %swap3A_92 : i32 to index
    %swap3A_94 = arith.constant 96 : index
    %swap3A_95 = tpu.vector_load %arg11[%swap3A_93, %swap3A_94] {strides = array<i32>} : memref<8x128xi32, #tpu.memory_space<vmem>>, vector<16xi32>,
    tpu.vector_store %arg11[%swap3A_93, %swap3A_94], %add3A_91 {strides = array<i32>} : memref<8x128xi32, #tpu.memory_space<vmem>>, vector<16xi32>,
    %get3A_96 = arith.constant 0 : i32
    %get3A_97 = arith.index_cast %get3A_96 : i32 to index
    %get3A_98 = arith.constant 112 : index
    %get3A_99 = tpu.vector_load %arg11[%get3A_97, %get3A_98] {strides = array<i32>} : memref<8x128xi32, #tpu.memory_space<vmem>>, vector<16xi32>,
    %add3A_100 = vector.broadcast %mul3A_27 : i32 to vector<16xi32>
    %add3A_101 = arith.addi %get3A_99, %add3A_100 : vector<16xi32>
    %swap3A_102 = arith.constant 0 : i32
    %swap3A_103 = arith.index_cast %swap3A_102 : i32 to index
    %swap3A_104 = arith.constant 112 : index
    %swap3A_105 = tpu.vector_load %arg11[%swap3A_103, %swap3A_104] {strides = array<i32>} : memref<8x128xi32, #tpu.memory_space<vmem>>, vector<16xi32>,
    tpu.vector_store %arg11[%swap3A_103, %swap3A_104], %add3A_101 {strides = array<i32>} : memref<8x128xi32, #tpu.memory_space<vmem>>, vector<16xi32>,
    %get3A_106 = arith.constant 1 : i32
    %get3A_107 = arith.index_cast %get3A_106 : i32 to index
    %get3A_108 = arith.constant 0 : index
    %get3A_109 = tpu.vector_load %arg11[%get3A_107, %get3A_108] {strides = array<i32>} : memref<8x128xi32, #tpu.memory_space<vmem>>, vector<16xi32>,
    %add3A_110 = vector.broadcast %mul3A_27 : i32 to vector<16xi32>
    %add3A_111 = arith.addi %get3A_109, %add3A_110 : vector<16xi32>
    %swap3A_112 = arith.constant 1 : i32
    %swap3A_113 = arith.index_cast %swap3A_112 : i32 to index
    %swap3A_114 = arith.constant 0 : index
    %swap3A_115 = tpu.vector_load %arg11[%swap3A_113, %swap3A_114] {strides = array<i32>} : memref<8x128xi32, #tpu.memory_space<vmem>>, vector<16xi32>,
    tpu.vector_store %arg11[%swap3A_113, %swap3A_114], %add3A_111 {strides = array<i32>} : memref<8x128xi32, #tpu.memory_space<vmem>>, vector<16xi32>,
    %get3A_116 = arith.constant 1 : i32
    %get3A_117 = arith.index_cast %get3A_116 : i32 to index
    %get3A_118 = arith.constant 16 : index
    %get3A_119 = tpu.vector_load %arg11[%get3A_117, %get3A_118] {strides = array<i32>} : memref<8x128xi32, #tpu.memory_space<vmem>>, vector<16xi32>,
    %add3A_120 = vector.broadcast %mul3A_27 : i32 to vector<16xi32>
    %add3A_121 = arith.addi %get3A_119, %add3A_120 : vector<16xi32>
    %swap3A_122 = arith.constant 1 : i32
    %swap3A_123 = arith.index_cast %swap3A_122 : i32 to index
    %swap3A_124 = arith.constant 16 : index
    %swap3A_125 = tpu.vector_load %arg11[%swap3A_123, %swap3A_124] {strides = array<i32>} : memref<8x128xi32, #tpu.memory_space<vmem>>, vector<16xi32>,
    tpu.vector_store %arg11[%swap3A_123, %swap3A_124], %add3A_121 {strides = array<i32>} : memref<8x128xi32, #tpu.memory_space<vmem>>, vector<16xi32>,
    %get3A_126 = arith.constant 1 : i32
    %get3A_127 = arith.index_cast %get3A_126 : i32 to index
    %get3A_128 = arith.constant 32 : index
    %get3A_129 = tpu.vector_load %arg11[%get3A_127, %get3A_128] {strides = array<i32>} : memref<8x128xi32, #tpu.memory_space<vmem>>, vector<16xi32>,
    %add3A_130 = vector.broadcast %mul3A_27 : i32 to vector<16xi32>
    %add3A_131 = arith.addi %get3A_129, %add3A_130 : vector<16xi32>
    %swap3A_132 = arith.constant 1 : i32
    %swap3A_133 = arith.index_cast %swap3A_132 : i32 to index
    %swap3A_134 = arith.constant 32 : index
    %swap3A_135 = tpu.vector_load %arg11[%swap3A_133, %swap3A_134] {strides = array<i32>} : memref<8x128xi32, #tpu.memory_space<vmem>>, vector<16xi32>,
    tpu.vector_store %arg11[%swap3A_133, %swap3A_134], %add3A_131 {strides = array<i32>} : memref<8x128xi32, #tpu.memory_space<vmem>>, vector<16xi32>,
    %get3A_136 = arith.constant 1 : i32
    %get3A_137 = arith.index_cast %get3A_136 : i32 to index
    %get3A_138 = arith.constant 48 : index
    %get3A_139 = tpu.vector_load %arg11[%get3A_137, %get3A_138] {strides = array<i32>} : memref<8x128xi32, #tpu.memory_space<vmem>>, vector<16xi32>,
    %add3A_140 = vector.broadcast %mul3A_27 : i32 to vector<16xi32>
    %add3A_141 = arith.addi %get3A_139, %add3A_140 : vector<16xi32>
    %swap3A_142 = arith.constant 1 : i32
    %swap3A_143 = arith.index_cast %swap3A_142 : i32 to index
    %swap3A_144 = arith.constant 48 : index
    %swap3A_145 = tpu.vector_load %arg11[%swap3A_143, %swap3A_144] {strides = array<i32>} : memref<8x128xi32, #tpu.memory_space<vmem>>, vector<16xi32>,
    tpu.vector_store %arg11[%swap3A_143, %swap3A_144], %add3A_141 {strides = array<i32>} : memref<8x128xi32, #tpu.memory_space<vmem>>, vector<16xi32>,
    %get3A_146 = arith.constant 1 : i32
    %get3A_147 = arith.index_cast %get3A_146 : i32 to index
    %get3A_148 = arith.constant 64 : index
    %get3A_149 = tpu.vector_load %arg11[%get3A_147, %get3A_148] {strides = array<i32>} : memref<8x128xi32, #tpu.memory_space<vmem>>, vector<16xi32>,
    %add3A_150 = vector.broadcast %mul3A_27 : i32 to vector<16xi32>
    %add3A_151 = arith.addi %get3A_149, %add3A_150 : vector<16xi32>
    %swap3A_152 = arith.constant 1 : i32
    %swap3A_153 = arith.index_cast %swap3A_152 : i32 to index
    %swap3A_154 = arith.constant 64 : index
    %swap3A_155 = tpu.vector_load %arg11[%swap3A_153, %swap3A_154] {strides = array<i32>} : memref<8x128xi32, #tpu.memory_space<vmem>>, vector<16xi32>,
    tpu.vector_store %arg11[%swap3A_153, %swap3A_154], %add3A_151 {strides = array<i32>} : memref<8x128xi32, #tpu.memory_space<vmem>>, vector<16xi32>,
    %get3A_156 = arith.constant 1 : i32
    %get3A_157 = arith.index_cast %get3A_156 : i32 to index
    %get3A_158 = arith.constant 80 : index
    %get3A_159 = tpu.vector_load %arg11[%get3A_157, %get3A_158] {strides = array<i32>} : memref<8x128xi32, #tpu.memory_space<vmem>>, vector<16xi32>,
    %add3A_160 = vector.broadcast %mul3A_27 : i32 to vector<16xi32>
    %add3A_161 = arith.addi %get3A_159, %add3A_160 : vector<16xi32>
    %swap3A_162 = arith.constant 1 : i32
    %swap3A_163 = arith.index_cast %swap3A_162 : i32 to index
    %swap3A_164 = arith.constant 80 : index
    %swap3A_165 = tpu.vector_load %arg11[%swap3A_163, %swap3A_164] {strides = array<i32>} : memref<8x128xi32, #tpu.memory_space<vmem>>, vector<16xi32>,
    tpu.vector_store %arg11[%swap3A_163, %swap3A_164], %add3A_161 {strides = array<i32>} : memref<8x128xi32, #tpu.memory_space<vmem>>, vector<16xi32>,
    %get3A_166 = arith.constant 1 : i32
    %get3A_167 = arith.index_cast %get3A_166 : i32 to index
    %get3A_168 = arith.constant 96 : index
    %get3A_169 = tpu.vector_load %arg11[%get3A_167, %get3A_168] {strides = array<i32>} : memref<8x128xi32, #tpu.memory_space<vmem>>, vector<16xi32>,
    %add3A_170 = vector.broadcast %mul3A_27 : i32 to vector<16xi32>
    %add3A_171 = arith.addi %get3A_169, %add3A_170 : vector<16xi32>
    %swap3A_172 = arith.constant 1 : i32
    %swap3A_173 = arith.index_cast %swap3A_172 : i32 to index
    %swap3A_174 = arith.constant 96 : index
    %swap3A_175 = tpu.vector_load %arg11[%swap3A_173, %swap3A_174] {strides = array<i32>} : memref<8x128xi32, #tpu.memory_space<vmem>>, vector<16xi32>,
    tpu.vector_store %arg11[%swap3A_173, %swap3A_174], %add3A_171 {strides = array<i32>} : memref<8x128xi32, #tpu.memory_space<vmem>>, vector<16xi32>,
    %get3A_176 = arith.constant 1 : i32
    %get3A_177 = arith.index_cast %get3A_176 : i32 to index
    %get3A_178 = arith.constant 112 : index
    %get3A_179 = tpu.vector_load %arg11[%get3A_177, %get3A_178] {strides = array<i32>} : memref<8x128xi32, #tpu.memory_space<vmem>>, vector<16xi32>,
    %add3A_180 = vector.broadcast %mul3A_27 : i32 to vector<16xi32>
    %add3A_181 = arith.addi %get3A_179, %add3A_180 : vector<16xi32>
    %swap3A_182 = arith.constant 1 : i32
    %swap3A_183 = arith.index_cast %swap3A_182 : i32 to index
    %swap3A_184 = arith.constant 112 : index
    %swap3A_185 = tpu.vector_load %arg11[%swap3A_183, %swap3A_184] {strides = array<i32>} : memref<8x128xi32, #tpu.memory_space<vmem>>, vector<16xi32>,
    tpu.vector_store %arg11[%swap3A_183, %swap3A_184], %add3A_181 {strides = array<i32>} : memref<8x128xi32, #tpu.memory_space<vmem>>, vector<16xi32>,
    %get3A_186 = arith.constant 2 : i32
    %get3A_187 = arith.index_cast %get3A_186 : i32 to index
    %get3A_188 = arith.constant 0 : index
    %get3A_189 = tpu.vector_load %arg11[%get3A_187, %get3A_188] {strides = array<i32>} : memref<8x128xi32, #tpu.memory_space<vmem>>, vector<16xi32>,
    %add3A_190 = vector.broadcast %mul3A_27 : i32 to vector<16xi32>
    %add3A_191 = arith.addi %get3A_189, %add3A_190 : vector<16xi32>
    %swap3A_192 = arith.constant 2 : i32
    %swap3A_193 = arith.index_cast %swap3A_192 : i32 to index
    %swap3A_194 = arith.constant 0 : index
    %swap3A_195 = tpu.vector_load %arg11[%swap3A_193, %swap3A_194] {strides = array<i32>} : memref<8x128xi32, #tpu.memory_space<vmem>>, vector<16xi32>,
    tpu.vector_store %arg11[%swap3A_193, %swap3A_194], %add3A_191 {strides = array<i32>} : memref<8x128xi32, #tpu.memory_space<vmem>>, vector<16xi32>,
    %get3A_196 = arith.constant 2 : i32
    %get3A_197 = arith.index_cast %get3A_196 : i32 to index
    %get3A_198 = arith.constant 16 : index
    %get3A_199 = tpu.vector_load %arg11[%get3A_197, %get3A_198] {strides = array<i32>} : memref<8x128xi32, #tpu.memory_space<vmem>>, vector<16xi32>,
    %add3A_200 = vector.broadcast %mul3A_27 : i32 to vector<16xi32>
    %add3A_201 = arith.addi %get3A_199, %add3A_200 : vector<16xi32>
    %swap3A_202 = arith.constant 2 : i32
    %swap3A_203 = arith.index_cast %swap3A_202 : i32 to index
    %swap3A_204 = arith.constant 16 : index
    %swap3A_205 = tpu.vector_load %arg11[%swap3A_203, %swap3A_204] {strides = array<i32>} : memref<8x128xi32, #tpu.memory_space<vmem>>, vector<16xi32>,
    tpu.vector_store %arg11[%swap3A_203, %swap3A_204], %add3A_201 {strides = array<i32>} : memref<8x128xi32, #tpu.memory_space<vmem>>, vector<16xi32>,
    %get3A_206 = arith.constant 2 : i32
    %get3A_207 = arith.index_cast %get3A_206 : i32 to index
    %get3A_208 = arith.constant 32 : index
    %get3A_209 = tpu.vector_load %arg11[%get3A_207, %get3A_208] {strides = array<i32>} : memref<8x128xi32, #tpu.memory_space<vmem>>, vector<16xi32>,
    %add3A_210 = vector.broadcast %mul3A_27 : i32 to vector<16xi32>
    %add3A_211 = arith.addi %get3A_209, %add3A_210 : vector<16xi32>
    %swap3A_212 = arith.constant 2 : i32
    %swap3A_213 = arith.index_cast %swap3A_212 : i32 to index
    %swap3A_214 = arith.constant 32 : index
    %swap3A_215 = tpu.vector_load %arg11[%swap3A_213, %swap3A_214] {strides = array<i32>} : memref<8x128xi32, #tpu.memory_space<vmem>>, vector<16xi32>,
    tpu.vector_store %arg11[%swap3A_213, %swap3A_214], %add3A_211 {strides = array<i32>} : memref<8x128xi32, #tpu.memory_space<vmem>>, vector<16xi32>,
    %get3A_216 = arith.constant 2 : i32
    %get3A_217 = arith.index_cast %get3A_216 : i32 to index
    %get3A_218 = arith.constant 48 : index
    %get3A_219 = tpu.vector_load %arg11[%get3A_217, %get3A_218] {strides = array<i32>} : memref<8x128xi32, #tpu.memory_space<vmem>>, vector<16xi32>,
    %add3A_220 = vector.broadcast %mul3A_27 : i32 to vector<16xi32>
    %add3A_221 = arith.addi %get3A_219, %add3A_220 : vector<16xi32>
    %swap3A_222 = arith.constant 2 : i32
    %swap3A_223 = arith.index_cast %swap3A_222 : i32 to index
    %swap3A_224 = arith.constant 48 : index
    %swap3A_225 = tpu.vector_load %arg11[%swap3A_223, %swap3A_224] {strides = array<i32>} : memref<8x128xi32, #tpu.memory_space<vmem>>, vector<16xi32>,
    tpu.vector_store %arg11[%swap3A_223, %swap3A_224], %add3A_221 {strides = array<i32>} : memref<8x128xi32, #tpu.memory_space<vmem>>, vector<16xi32>,
    %get3A_226 = arith.constant 2 : i32
    %get3A_227 = arith.index_cast %get3A_226 : i32 to index
    %get3A_228 = arith.constant 64 : index
    %get3A_229 = tpu.vector_load %arg11[%get3A_227, %get3A_228] {strides = array<i32>} : memref<8x128xi32, #tpu.memory_space<vmem>>, vector<16xi32>,
    %add3A_230 = vector.broadcast %mul3A_27 : i32 to vector<16xi32>
    %add3A_231 = arith.addi %get3A_229, %add3A_230 : vector<16xi32>
    %swap3A_232 = arith.constant 2 : i32
    %swap3A_233 = arith.index_cast %swap3A_232 : i32 to index
    %swap3A_234 = arith.constant 64 : index
    %swap3A_235 = tpu.vector_load %arg11[%swap3A_233, %swap3A_234] {strides = array<i32>} : memref<8x128xi32, #tpu.memory_space<vmem>>, vector<16xi32>,
    tpu.vector_store %arg11[%swap3A_233, %swap3A_234], %add3A_231 {strides = array<i32>} : memref<8x128xi32, #tpu.memory_space<vmem>>, vector<16xi32>,
    %get3A_236 = arith.constant 2 : i32
    %get3A_237 = arith.index_cast %get3A_236 : i32 to index
    %get3A_238 = arith.constant 80 : index
    %get3A_239 = tpu.vector_load %arg11[%get3A_237, %get3A_238] {strides = array<i32>} : memref<8x128xi32, #tpu.memory_space<vmem>>, vector<16xi32>,
    %add3A_240 = vector.broadcast %mul3A_27 : i32 to vector<16xi32>
    %add3A_241 = arith.addi %get3A_239, %add3A_240 : vector<16xi32>
    %swap3A_242 = arith.constant 2 : i32
    %swap3A_243 = arith.index_cast %swap3A_242 : i32 to index
    %swap3A_244 = arith.constant 80 : index
    %swap3A_245 = tpu.vector_load %arg11[%swap3A_243, %swap3A_244] {strides = array<i32>} : memref<8x128xi32, #tpu.memory_space<vmem>>, vector<16xi32>,
    tpu.vector_store %arg11[%swap3A_243, %swap3A_244], %add3A_241 {strides = array<i32>} : memref<8x128xi32, #tpu.memory_space<vmem>>, vector<16xi32>,
    %get3A_246 = arith.constant 2 : i32
    %get3A_247 = arith.index_cast %get3A_246 : i32 to index
    %get3A_248 = arith.constant 96 : index
    %get3A_249 = tpu.vector_load %arg11[%get3A_247, %get3A_248] {strides = array<i32>} : memref<8x128xi32, #tpu.memory_space<vmem>>, vector<16xi32>,
    %add3A_250 = vector.broadcast %mul3A_27 : i32 to vector<16xi32>
    %add3A_251 = arith.addi %get3A_249, %add3A_250 : vector<16xi32>
    %swap3A_252 = arith.constant 2 : i32
    %swap3A_253 = arith.index_cast %swap3A_252 : i32 to index
    %swap3A_254 = arith.constant 96 : index
    %swap3A_255 = tpu.vector_load %arg11[%swap3A_253, %swap3A_254] {strides = array<i32>} : memref<8x128xi32, #tpu.memory_space<vmem>>, vector<16xi32>,
    tpu.vector_store %arg11[%swap3A_253, %swap3A_254], %add3A_251 {strides = array<i32>} : memref<8x128xi32, #tpu.memory_space<vmem>>, vector<16xi32>,
    %get3A_256 = arith.constant 2 : i32
    %get3A_257 = arith.index_cast %get3A_256 : i32 to index
    %get3A_258 = arith.constant 112 : index
    %get3A_259 = tpu.vector_load %arg11[%get3A_257, %get3A_258] {strides = array<i32>} : memref<8x128xi32, #tpu.memory_space<vmem>>, vector<16xi32>,
    %add3A_260 = vector.broadcast %mul3A_27 : i32 to vector<16xi32>
    %add3A_261 = arith.addi %get3A_259, %add3A_260 : vector<16xi32>
    %swap3A_262 = arith.constant 2 : i32
    %swap3A_263 = arith.index_cast %swap3A_262 : i32 to index
    %swap3A_264 = arith.constant 112 : index
    %swap3A_265 = tpu.vector_load %arg11[%swap3A_263, %swap3A_264] {strides = array<i32>} : memref<8x128xi32, #tpu.memory_space<vmem>>, vector<16xi32>,
    tpu.vector_store %arg11[%swap3A_263, %swap3A_264], %add3A_261 {strides = array<i32>} : memref<8x128xi32, #tpu.memory_space<vmem>>, vector<16xi32>,
    %get3A_266 = arith.constant 3 : i32
    %get3A_267 = arith.index_cast %get3A_266 : i32 to index
    %get3A_268 = arith.constant 0 : index
    %get3A_269 = tpu.vector_load %arg11[%get3A_267, %get3A_268] {strides = array<i32>} : memref<8x128xi32, #tpu.memory_space<vmem>>, vector<16xi32>,
    %add3A_270 = vector.broadcast %mul3A_27 : i32 to vector<16xi32>
    %add3A_271 = arith.addi %get3A_269, %add3A_270 : vector<16xi32>
    %swap3A_272 = arith.constant 3 : i32
    %swap3A_273 = arith.index_cast %swap3A_272 : i32 to index
    %swap3A_274 = arith.constant 0 : index
    %swap3A_275 = tpu.vector_load %arg11[%swap3A_273, %swap3A_274] {strides = array<i32>} : memref<8x128xi32, #tpu.memory_space<vmem>>, vector<16xi32>,
    tpu.vector_store %arg11[%swap3A_273, %swap3A_274], %add3A_271 {strides = array<i32>} : memref<8x128xi32, #tpu.memory_space<vmem>>, vector<16xi32>,
    %get3A_276 = arith.constant 3 : i32
    %get3A_277 = arith.index_cast %get3A_276 : i32 to index
    %get3A_278 = arith.constant 16 : index
    %get3A_279 = tpu.vector_load %arg11[%get3A_277, %get3A_278] {strides = array<i32>} : memref<8x128xi32, #tpu.memory_space<vmem>>, vector<16xi32>,
    %add3A_280 = vector.broadcast %mul3A_27 : i32 to vector<16xi32>
    %add3A_281 = arith.addi %get3A_279, %add3A_280 : vector<16xi32>
    %swap3A_282 = arith.constant 3 : i32
    %swap3A_283 = arith.index_cast %swap3A_282 : i32 to index
    %swap3A_284 = arith.constant 16 : index
    %swap3A_285 = tpu.vector_load %arg11[%swap3A_283, %swap3A_284] {strides = array<i32>} : memref<8x128xi32, #tpu.memory_space<vmem>>, vector<16xi32>,
    tpu.vector_store %arg11[%swap3A_283, %swap3A_284], %add3A_281 {strides = array<i32>} : memref<8x128xi32, #tpu.memory_space<vmem>>, vector<16xi32>,
    %get3A_286 = arith.constant 3 : i32
    %get3A_287 = arith.index_cast %get3A_286 : i32 to index
    %get3A_288 = arith.constant 32 : index
    %get3A_289 = tpu.vector_load %arg11[%get3A_287, %get3A_288] {strides = array<i32>} : memref<8x128xi32, #tpu.memory_space<vmem>>, vector<16xi32>,
    %add3A_290 = vector.broadcast %mul3A_27 : i32 to vector<16xi32>
    %add3A_291 = arith.addi %get3A_289, %add3A_290 : vector<16xi32>
    %swap3A_292 = arith.constant 3 : i32
    %swap3A_293 = arith.index_cast %swap3A_292 : i32 to index
    %swap3A_294 = arith.constant 32 : index
    %swap3A_295 = tpu.vector_load %arg11[%swap3A_293, %swap3A_294] {strides = array<i32>} : memref<8x128xi32, #tpu.memory_space<vmem>>, vector<16xi32>,
    tpu.vector_store %arg11[%swap3A_293, %swap3A_294], %add3A_291 {strides = array<i32>} : memref<8x128xi32, #tpu.memory_space<vmem>>, vector<16xi32>,
    %get3A_296 = arith.constant 3 : i32
    %get3A_297 = arith.index_cast %get3A_296 : i32 to index
    %get3A_298 = arith.constant 48 : index
    %get3A_299 = tpu.vector_load %arg11[%get3A_297, %get3A_298] {strides = array<i32>} : memref<8x128xi32, #tpu.memory_space<vmem>>, vector<16xi32>,
    %add3A_300 = vector.broadcast %mul3A_27 : i32 to vector<16xi32>
    %add3A_301 = arith.addi %get3A_299, %add3A_300 : vector<16xi32>
    %swap3A_302 = arith.constant 3 : i32
    %swap3A_303 = arith.index_cast %swap3A_302 : i32 to index
    %swap3A_304 = arith.constant 48 : index
    %swap3A_305 = tpu.vector_load %arg11[%swap3A_303, %swap3A_304] {strides = array<i32>} : memref<8x128xi32, #tpu.memory_space<vmem>>, vector<16xi32>,
    tpu.vector_store %arg11[%swap3A_303, %swap3A_304], %add3A_301 {strides = array<i32>} : memref<8x128xi32, #tpu.memory_space<vmem>>, vector<16xi32>,
    %get3A_306 = arith.constant 3 : i32
    %get3A_307 = arith.index_cast %get3A_306 : i32 to index
    %get3A_308 = arith.constant 64 : index
    %get3A_309 = tpu.vector_load %arg11[%get3A_307, %get3A_308] {strides = array<i32>} : memref<8x128xi32, #tpu.memory_space<vmem>>, vector<16xi32>,
    %add3A_310 = vector.broadcast %mul3A_27 : i32 to vector<16xi32>
    %add3A_311 = arith.addi %get3A_309, %add3A_310 : vector<16xi32>
    %swap3A_312 = arith.constant 3 : i32
    %swap3A_313 = arith.index_cast %swap3A_312 : i32 to index
    %swap3A_314 = arith.constant 64 : index
    %swap3A_315 = tpu.vector_load %arg11[%swap3A_313, %swap3A_314] {strides = array<i32>} : memref<8x128xi32, #tpu.memory_space<vmem>>, vector<16xi32>,
    tpu.vector_store %arg11[%swap3A_313, %swap3A_314], %add3A_311 {strides = array<i32>} : memref<8x128xi32, #tpu.memory_space<vmem>>, vector<16xi32>,
    %get3A_316 = arith.constant 3 : i32
    %get3A_317 = arith.index_cast %get3A_316 : i32 to index
    %get3A_318 = arith.constant 80 : index
    %get3A_319 = tpu.vector_load %arg11[%get3A_317, %get3A_318] {strides = array<i32>} : memref<8x128xi32, #tpu.memory_space<vmem>>, vector<16xi32>,
    %add3A_320 = vector.broadcast %mul3A_27 : i32 to vector<16xi32>
    %add3A_321 = arith.addi %get3A_319, %add3A_320 : vector<16xi32>
    %swap3A_322 = arith.constant 3 : i32
    %swap3A_323 = arith.index_cast %swap3A_322 : i32 to index
    %swap3A_324 = arith.constant 80 : index
    %swap3A_325 = tpu.vector_load %arg11[%swap3A_323, %swap3A_324] {strides = array<i32>} : memref<8x128xi32, #tpu.memory_space<vmem>>, vector<16xi32>,
    tpu.vector_store %arg11[%swap3A_323, %swap3A_324], %add3A_321 {strides = array<i32>} : memref<8x128xi32, #tpu.memory_space<vmem>>, vector<16xi32>,
    %get3A_326 = arith.constant 3 : i32
    %get3A_327 = arith.index_cast %get3A_326 : i32 to index
    %get3A_328 = arith.constant 96 : index
    %get3A_329 = tpu.vector_load %arg11[%get3A_327, %get3A_328] {strides = array<i32>} : memref<8x128xi32, #tpu.memory_space<vmem>>, vector<16xi32>,
    %add3A_330 = vector.broadcast %mul3A_27 : i32 to vector<16xi32>
    %add3A_331 = arith.addi %get3A_329, %add3A_330 : vector<16xi32>
    %swap3A_332 = arith.constant 3 : i32
    %swap3A_333 = arith.index_cast %swap3A_332 : i32 to index
    %swap3A_334 = arith.constant 96 : index
    %swap3A_335 = tpu.vector_load %arg11[%swap3A_333, %swap3A_334] {strides = array<i32>} : memref<8x128xi32, #tpu.memory_space<vmem>>, vector<16xi32>,
    tpu.vector_store %arg11[%swap3A_333, %swap3A_334], %add3A_331 {strides = array<i32>} : memref<8x128xi32, #tpu.memory_space<vmem>>, vector<16xi32>,
    %get3A_336 = arith.constant 3 : i32
    %get3A_337 = arith.index_cast %get3A_336 : i32 to index
    %get3A_338 = arith.constant 112 : index
    %get3A_339 = tpu.vector_load %arg11[%get3A_337, %get3A_338] {strides = array<i32>} : memref<8x128xi32, #tpu.memory_space<vmem>>, vector<16xi32>,
    %add3A_340 = vector.broadcast %mul3A_27 : i32 to vector<16xi32>
    %add3A_341 = arith.addi %get3A_339, %add3A_340 : vector<16xi32>
    %swap3A_342 = arith.constant 3 : i32
    %swap3A_343 = arith.index_cast %swap3A_342 : i32 to index
    %swap3A_344 = arith.constant 112 : index
    %swap3A_345 = tpu.vector_load %arg11[%swap3A_343, %swap3A_344] {strides = array<i32>} : memref<8x128xi32, #tpu.memory_space<vmem>>, vector<16xi32>,
    tpu.vector_store %arg11[%swap3A_343, %swap3A_344], %add3A_341 {strides = array<i32>} : memref<8x128xi32, #tpu.memory_space<vmem>>, vector<16xi32>,
    %get3A_346 = arith.constant 4 : i32
    %get3A_347 = arith.index_cast %get3A_346 : i32 to index
    %get3A_348 = arith.constant 0 : index
    %get3A_349 = tpu.vector_load %arg11[%get3A_347, %get3A_348] {strides = array<i32>} : memref<8x128xi32, #tpu.memory_space<vmem>>, vector<16xi32>,
    %add3A_350 = vector.broadcast %mul3A_27 : i32 to vector<16xi32>
    %add3A_351 = arith.addi %get3A_349, %add3A_350 : vector<16xi32>
    %swap3A_352 = arith.constant 4 : i32
    %swap3A_353 = arith.index_cast %swap3A_352 : i32 to index
    %swap3A_354 = arith.constant 0 : index
    %swap3A_355 = tpu.vector_load %arg11[%swap3A_353, %swap3A_354] {strides = array<i32>} : memref<8x128xi32, #tpu.memory_space<vmem>>, vector<16xi32>,
    tpu.vector_store %arg11[%swap3A_353, %swap3A_354], %add3A_351 {strides = array<i32>} : memref<8x128xi32, #tpu.memory_space<vmem>>, vector<16xi32>,
    %get3A_356 = arith.constant 4 : i32
    %get3A_357 = arith.index_cast %get3A_356 : i32 to index
    %get3A_358 = arith.constant 16 : index
    %get3A_359 = tpu.vector_load %arg11[%get3A_357, %get3A_358] {strides = array<i32>} : memref<8x128xi32, #tpu.memory_space<vmem>>, vector<16xi32>,
    %add3A_360 = vector.broadcast %mul3A_27 : i32 to vector<16xi32>
    %add3A_361 = arith.addi %get3A_359, %add3A_360 : vector<16xi32>
    %swap3A_362 = arith.constant 4 : i32
    %swap3A_363 = arith.index_cast %swap3A_362 : i32 to index
    %swap3A_364 = arith.constant 16 : index
    %swap3A_365 = tpu.vector_load %arg11[%swap3A_363, %swap3A_364] {strides = array<i32>} : memref<8x128xi32, #tpu.memory_space<vmem>>, vector<16xi32>,
    tpu.vector_store %arg11[%swap3A_363, %swap3A_364], %add3A_361 {strides = array<i32>} : memref<8x128xi32, #tpu.memory_space<vmem>>, vector<16xi32>,
    %get3A_366 = arith.constant 4 : i32
    %get3A_367 = arith.index_cast %get3A_366 : i32 to index
    %get3A_368 = arith.constant 32 : index
    %get3A_369 = tpu.vector_load %arg11[%get3A_367, %get3A_368] {strides = array<i32>} : memref<8x128xi32, #tpu.memory_space<vmem>>, vector<16xi32>,
    %add3A_370 = vector.broadcast %mul3A_27 : i32 to vector<16xi32>
    %add3A_371 = arith.addi %get3A_369, %add3A_370 : vector<16xi32>
    %swap3A_372 = arith.constant 4 : i32
    %swap3A_373 = arith.index_cast %swap3A_372 : i32 to index
    %swap3A_374 = arith.constant 32 : index
    %swap3A_375 = tpu.vector_load %arg11[%swap3A_373, %swap3A_374] {strides = array<i32>} : memref<8x128xi32, #tpu.memory_space<vmem>>, vector<16xi32>,
    tpu.vector_store %arg11[%swap3A_373, %swap3A_374], %add3A_371 {strides = array<i32>} : memref<8x128xi32, #tpu.memory_space<vmem>>, vector<16xi32>,
    %get3A_376 = arith.constant 4 : i32
    %get3A_377 = arith.index_cast %get3A_376 : i32 to index
    %get3A_378 = arith.constant 48 : index
    %get3A_379 = tpu.vector_load %arg11[%get3A_377, %get3A_378] {strides = array<i32>} : memref<8x128xi32, #tpu.memory_space<vmem>>, vector<16xi32>,
    %add3A_380 = vector.broadcast %mul3A_27 : i32 to vector<16xi32>
    %add3A_381 = arith.addi %get3A_379, %add3A_380 : vector<16xi32>
    %swap3A_382 = arith.constant 4 : i32
    %swap3A_383 = arith.index_cast %swap3A_382 : i32 to index
    %swap3A_384 = arith.constant 48 : index
    %swap3A_385 = tpu.vector_load %arg11[%swap3A_383, %swap3A_384] {strides = array<i32>} : memref<8x128xi32, #tpu.memory_space<vmem>>, vector<16xi32>,
    tpu.vector_store %arg11[%swap3A_383, %swap3A_384], %add3A_381 {strides = array<i32>} : memref<8x128xi32, #tpu.memory_space<vmem>>, vector<16xi32>,
    %get3A_386 = arith.constant 4 : i32
    %get3A_387 = arith.index_cast %get3A_386 : i32 to index
    %get3A_388 = arith.constant 64 : index
    %get3A_389 = tpu.vector_load %arg11[%get3A_387, %get3A_388] {strides = array<i32>} : memref<8x128xi32, #tpu.memory_space<vmem>>, vector<16xi32>,
    %add3A_390 = vector.broadcast %mul3A_27 : i32 to vector<16xi32>
    %add3A_391 = arith.addi %get3A_389, %add3A_390 : vector<16xi32>
    %swap3A_392 = arith.constant 4 : i32
    %swap3A_393 = arith.index_cast %swap3A_392 : i32 to index
    %swap3A_394 = arith.constant 64 : index
    %swap3A_395 = tpu.vector_load %arg11[%swap3A_393, %swap3A_394] {strides = array<i32>} : memref<8x128xi32, #tpu.memory_space<vmem>>, vector<16xi32>,
    tpu.vector_store %arg11[%swap3A_393, %swap3A_394], %add3A_391 {strides = array<i32>} : memref<8x128xi32, #tpu.memory_space<vmem>>, vector<16xi32>,
    %get3A_396 = arith.constant 4 : i32
    %get3A_397 = arith.index_cast %get3A_396 : i32 to index
    %get3A_398 = arith.constant 80 : index
    %get3A_399 = tpu.vector_load %arg11[%get3A_397, %get3A_398] {strides = array<i32>} : memref<8x128xi32, #tpu.memory_space<vmem>>, vector<16xi32>,
    %add3A_400 = vector.broadcast %mul3A_27 : i32 to vector<16xi32>
    %add3A_401 = arith.addi %get3A_399, %add3A_400 : vector<16xi32>
    %swap3A_402 = arith.constant 4 : i32
    %swap3A_403 = arith.index_cast %swap3A_402 : i32 to index
    %swap3A_404 = arith.constant 80 : index
    %swap3A_405 = tpu.vector_load %arg11[%swap3A_403, %swap3A_404] {strides = array<i32>} : memref<8x128xi32, #tpu.memory_space<vmem>>, vector<16xi32>,
    tpu.vector_store %arg11[%swap3A_403, %swap3A_404], %add3A_401 {strides = array<i32>} : memref<8x128xi32, #tpu.memory_space<vmem>>, vector<16xi32>,
    %get3A_406 = arith.constant 4 : i32
    %get3A_407 = arith.index_cast %get3A_406 : i32 to index
    %get3A_408 = arith.constant 96 : index
    %get3A_409 = tpu.vector_load %arg11[%get3A_407, %get3A_408] {strides = array<i32>} : memref<8x128xi32, #tpu.memory_space<vmem>>, vector<16xi32>,
    %add3A_410 = vector.broadcast %mul3A_27 : i32 to vector<16xi32>
    %add3A_411 = arith.addi %get3A_409, %add3A_410 : vector<16xi32>
    %swap3A_412 = arith.constant 4 : i32
    %swap3A_413 = arith.index_cast %swap3A_412 : i32 to index
    %swap3A_414 = arith.constant 96 : index
    %swap3A_415 = tpu.vector_load %arg11[%swap3A_413, %swap3A_414] {strides = array<i32>} : memref<8x128xi32, #tpu.memory_space<vmem>>, vector<16xi32>,
    tpu.vector_store %arg11[%swap3A_413, %swap3A_414], %add3A_411 {strides = array<i32>} : memref<8x128xi32, #tpu.memory_space<vmem>>, vector<16xi32>,
    %get3A_416 = arith.constant 4 : i32
    %get3A_417 = arith.index_cast %get3A_416 : i32 to index
    %get3A_418 = arith.constant 112 : index
    %get3A_419 = tpu.vector_load %arg11[%get3A_417, %get3A_418] {strides = array<i32>} : memref<8x128xi32, #tpu.memory_space<vmem>>, vector<16xi32>,
    %add3A_420 = vector.broadcast %mul3A_27 : i32 to vector<16xi32>
    %add3A_421 = arith.addi %get3A_419, %add3A_420 : vector<16xi32>
    %swap3A_422 = arith.constant 4 : i32
    %swap3A_423 = arith.index_cast %swap3A_422 : i32 to index
    %swap3A_424 = arith.constant 112 : index
    %swap3A_425 = tpu.vector_load %arg11[%swap3A_423, %swap3A_424] {strides = array<i32>} : memref<8x128xi32, #tpu.memory_space<vmem>>, vector<16xi32>,
    tpu.vector_store %arg11[%swap3A_423, %swap3A_424], %add3A_421 {strides = array<i32>} : memref<8x128xi32, #tpu.memory_space<vmem>>, vector<16xi32>,
    %get3A_426 = arith.constant 5 : i32
    %get3A_427 = arith.index_cast %get3A_426 : i32 to index
    %get3A_428 = arith.constant 0 : index
    %get3A_429 = tpu.vector_load %arg11[%get3A_427, %get3A_428] {strides = array<i32>} : memref<8x128xi32, #tpu.memory_space<vmem>>, vector<16xi32>,
    %add3A_430 = vector.broadcast %mul3A_27 : i32 to vector<16xi32>
    %add3A_431 = arith.addi %get3A_429, %add3A_430 : vector<16xi32>
    %swap3A_432 = arith.constant 5 : i32
    %swap3A_433 = arith.index_cast %swap3A_432 : i32 to index
    %swap3A_434 = arith.constant 0 : index
    %swap3A_435 = tpu.vector_load %arg11[%swap3A_433, %swap3A_434] {strides = array<i32>} : memref<8x128xi32, #tpu.memory_space<vmem>>, vector<16xi32>,
    tpu.vector_store %arg11[%swap3A_433, %swap3A_434], %add3A_431 {strides = array<i32>} : memref<8x128xi32, #tpu.memory_space<vmem>>, vector<16xi32>,
    %get3A_436 = arith.constant 5 : i32
    %get3A_437 = arith.index_cast %get3A_436 : i32 to index
    %get3A_438 = arith.constant 16 : index
    %get3A_439 = tpu.vector_load %arg11[%get3A_437, %get3A_438] {strides = array<i32>} : memref<8x128xi32, #tpu.memory_space<vmem>>, vector<16xi32>,
    %add3A_440 = vector.broadcast %mul3A_27 : i32 to vector<16xi32>
    %add3A_441 = arith.addi %get3A_439, %add3A_440 : vector<16xi32>
    %swap3A_442 = arith.constant 5 : i32
    %swap3A_443 = arith.index_cast %swap3A_442 : i32 to index
    %swap3A_444 = arith.constant 16 : index
    %swap3A_445 = tpu.vector_load %arg11[%swap3A_443, %swap3A_444] {strides = array<i32>} : memref<8x128xi32, #tpu.memory_space<vmem>>, vector<16xi32>,
    tpu.vector_store %arg11[%swap3A_443, %swap3A_444], %add3A_441 {strides = array<i32>} : memref<8x128xi32, #tpu.memory_space<vmem>>, vector<16xi32>,
    %get3A_446 = arith.constant 5 : i32
    %get3A_447 = arith.index_cast %get3A_446 : i32 to index
    %get3A_448 = arith.constant 32 : index
    %get3A_449 = tpu.vector_load %arg11[%get3A_447, %get3A_448] {strides = array<i32>} : memref<8x128xi32, #tpu.memory_space<vmem>>, vector<16xi32>,
    %add3A_450 = vector.broadcast %mul3A_27 : i32 to vector<16xi32>
    %add3A_451 = arith.addi %get3A_449, %add3A_450 : vector<16xi32>
    %swap3A_452 = arith.constant 5 : i32
    %swap3A_453 = arith.index_cast %swap3A_452 : i32 to index
    %swap3A_454 = arith.constant 32 : index
    %swap3A_455 = tpu.vector_load %arg11[%swap3A_453, %swap3A_454] {strides = array<i32>} : memref<8x128xi32, #tpu.memory_space<vmem>>, vector<16xi32>,
    tpu.vector_store %arg11[%swap3A_453, %swap3A_454], %add3A_451 {strides = array<i32>} : memref<8x128xi32, #tpu.memory_space<vmem>>, vector<16xi32>,
    %get3A_456 = arith.constant 5 : i32
    %get3A_457 = arith.index_cast %get3A_456 : i32 to index
    %get3A_458 = arith.constant 48 : index
    %get3A_459 = tpu.vector_load %arg11[%get3A_457, %get3A_458] {strides = array<i32>} : memref<8x128xi32, #tpu.memory_space<vmem>>, vector<16xi32>,
    %add3A_460 = vector.broadcast %mul3A_27 : i32 to vector<16xi32>
    %add3A_461 = arith.addi %get3A_459, %add3A_460 : vector<16xi32>
    %swap3A_462 = arith.constant 5 : i32
    %swap3A_463 = arith.index_cast %swap3A_462 : i32 to index
    %swap3A_464 = arith.constant 48 : index
    %swap3A_465 = tpu.vector_load %arg11[%swap3A_463, %swap3A_464] {strides = array<i32>} : memref<8x128xi32, #tpu.memory_space<vmem>>, vector<16xi32>,
    tpu.vector_store %arg11[%swap3A_463, %swap3A_464], %add3A_461 {strides = array<i32>} : memref<8x128xi32, #tpu.memory_space<vmem>>, vector<16xi32>,
    %get3A_466 = arith.constant 5 : i32
    %get3A_467 = arith.index_cast %get3A_466 : i32 to index
    %get3A_468 = arith.constant 64 : index
    %get3A_469 = tpu.vector_load %arg11[%get3A_467, %get3A_468] {strides = array<i32>} : memref<8x128xi32, #tpu.memory_space<vmem>>, vector<16xi32>,
    %add3A_470 = vector.broadcast %mul3A_27 : i32 to vector<16xi32>
    %add3A_471 = arith.addi %get3A_469, %add3A_470 : vector<16xi32>
    %swap3A_472 = arith.constant 5 : i32
    %swap3A_473 = arith.index_cast %swap3A_472 : i32 to index
    %swap3A_474 = arith.constant 64 : index
    %swap3A_475 = tpu.vector_load %arg11[%swap3A_473, %swap3A_474] {strides = array<i32>} : memref<8x128xi32, #tpu.memory_space<vmem>>, vector<16xi32>,
    tpu.vector_store %arg11[%swap3A_473, %swap3A_474], %add3A_471 {strides = array<i32>} : memref<8x128xi32, #tpu.memory_space<vmem>>, vector<16xi32>,
    %get3A_476 = arith.constant 5 : i32
    %get3A_477 = arith.index_cast %get3A_476 : i32 to index
    %get3A_478 = arith.constant 80 : index
    %get3A_479 = tpu.vector_load %arg11[%get3A_477, %get3A_478] {strides = array<i32>} : memref<8x128xi32, #tpu.memory_space<vmem>>, vector<16xi32>,
    %add3A_480 = vector.broadcast %mul3A_27 : i32 to vector<16xi32>
    %add3A_481 = arith.addi %get3A_479, %add3A_480 : vector<16xi32>
    %swap3A_482 = arith.constant 5 : i32
    %swap3A_483 = arith.index_cast %swap3A_482 : i32 to index
    %swap3A_484 = arith.constant 80 : index
    %swap3A_485 = tpu.vector_load %arg11[%swap3A_483, %swap3A_484] {strides = array<i32>} : memref<8x128xi32, #tpu.memory_space<vmem>>, vector<16xi32>,
    tpu.vector_store %arg11[%swap3A_483, %swap3A_484], %add3A_481 {strides = array<i32>} : memref<8x128xi32, #tpu.memory_space<vmem>>, vector<16xi32>,
    %get3A_486 = arith.constant 5 : i32
    %get3A_487 = arith.index_cast %get3A_486 : i32 to index
    %get3A_488 = arith.constant 96 : index
    %get3A_489 = tpu.vector_load %arg11[%get3A_487, %get3A_488] {strides = array<i32>} : memref<8x128xi32, #tpu.memory_space<vmem>>, vector<16xi32>,
    %add3A_490 = vector.broadcast %mul3A_27 : i32 to vector<16xi32>
    %add3A_491 = arith.addi %get3A_489, %add3A_490 : vector<16xi32>
    %swap3A_492 = arith.constant 5 : i32
    %swap3A_493 = arith.index_cast %swap3A_492 : i32 to index
    %swap3A_494 = arith.constant 96 : index
    %swap3A_495 = tpu.vector_load %arg11[%swap3A_493, %swap3A_494] {strides = array<i32>} : memref<8x128xi32, #tpu.memory_space<vmem>>, vector<16xi32>,
    tpu.vector_store %arg11[%swap3A_493, %swap3A_494], %add3A_491 {strides = array<i32>} : memref<8x128xi32, #tpu.memory_space<vmem>>, vector<16xi32>,
    %get3A_496 = arith.constant 5 : i32
    %get3A_497 = arith.index_cast %get3A_496 : i32 to index
    %get3A_498 = arith.constant 112 : index
    %get3A_499 = tpu.vector_load %arg11[%get3A_497, %get3A_498] {strides = array<i32>} : memref<8x128xi32, #tpu.memory_space<vmem>>, vector<16xi32>,
    %add3A_500 = vector.broadcast %mul3A_27 : i32 to vector<16xi32>
    %add3A_501 = arith.addi %get3A_499, %add3A_500 : vector<16xi32>
    %swap3A_502 = arith.constant 5 : i32
    %swap3A_503 = arith.index_cast %swap3A_502 : i32 to index
    %swap3A_504 = arith.constant 112 : index
    %swap3A_505 = tpu.vector_load %arg11[%swap3A_503, %swap3A_504] {strides = array<i32>} : memref<8x128xi32, #tpu.memory_space<vmem>>, vector<16xi32>,
    tpu.vector_store %arg11[%swap3A_503, %swap3A_504], %add3A_501 {strides = array<i32>} : memref<8x128xi32, #tpu.memory_space<vmem>>, vector<16xi32>,
    %get3A_506 = arith.constant 6 : i32
    %get3A_507 = arith.index_cast %get3A_506 : i32 to index
    %get3A_508 = arith.constant 0 : index
    %get3A_509 = tpu.vector_load %arg11[%get3A_507, %get3A_508] {strides = array<i32>} : memref<8x128xi32, #tpu.memory_space<vmem>>, vector<16xi32>,
    %add3A_510 = vector.broadcast %mul3A_27 : i32 to vector<16xi32>
    %add3A_511 = arith.addi %get3A_509, %add3A_510 : vector<16xi32>
    %swap3A_512 = arith.constant 6 : i32
    %swap3A_513 = arith.index_cast %swap3A_512 : i32 to index
    %swap3A_514 = arith.constant 0 : index
    %swap3A_515 = tpu.vector_load %arg11[%swap3A_513, %swap3A_514] {strides = array<i32>} : memref<8x128xi32, #tpu.memory_space<vmem>>, vector<16xi32>,
    tpu.vector_store %arg11[%swap3A_513, %swap3A_514], %add3A_511 {strides = array<i32>} : memref<8x128xi32, #tpu.memory_space<vmem>>, vector<16xi32>,
    %get3A_516 = arith.constant 6 : i32
    %get3A_517 = arith.index_cast %get3A_516 : i32 to index
    %get3A_518 = arith.constant 16 : index
    %get3A_519 = tpu.vector_load %arg11[%get3A_517, %get3A_518] {strides = array<i32>} : memref<8x128xi32, #tpu.memory_space<vmem>>, vector<16xi32>,
    %add3A_520 = vector.broadcast %mul3A_27 : i32 to vector<16xi32>
    %add3A_521 = arith.addi %get3A_519, %add3A_520 : vector<16xi32>
    %swap3A_522 = arith.constant 6 : i32
    %swap3A_523 = arith.index_cast %swap3A_522 : i32 to index
    %swap3A_524 = arith.constant 16 : index
    %swap3A_525 = tpu.vector_load %arg11[%swap3A_523, %swap3A_524] {strides = array<i32>} : memref<8x128xi32, #tpu.memory_space<vmem>>, vector<16xi32>,
    tpu.vector_store %arg11[%swap3A_523, %swap3A_524], %add3A_521 {strides = array<i32>} : memref<8x128xi32, #tpu.memory_space<vmem>>, vector<16xi32>,
    %get3A_526 = arith.constant 6 : i32
    %get3A_527 = arith.index_cast %get3A_526 : i32 to index
    %get3A_528 = arith.constant 32 : index
    %get3A_529 = tpu.vector_load %arg11[%get3A_527, %get3A_528] {strides = array<i32>} : memref<8x128xi32, #tpu.memory_space<vmem>>, vector<16xi32>,
    %add3A_530 = vector.broadcast %mul3A_27 : i32 to vector<16xi32>
    %add3A_531 = arith.addi %get3A_529, %add3A_530 : vector<16xi32>
    %swap3A_532 = arith.constant 6 : i32
    %swap3A_533 = arith.index_cast %swap3A_532 : i32 to index
    %swap3A_534 = arith.constant 32 : index
    %swap3A_535 = tpu.vector_load %arg11[%swap3A_533, %swap3A_534] {strides = array<i32>} : memref<8x128xi32, #tpu.memory_space<vmem>>, vector<16xi32>,
    tpu.vector_store %arg11[%swap3A_533, %swap3A_534], %add3A_531 {strides = array<i32>} : memref<8x128xi32, #tpu.memory_space<vmem>>, vector<16xi32>,
    %get3A_536 = arith.constant 6 : i32
    %get3A_537 = arith.index_cast %get3A_536 : i32 to index
    %get3A_538 = arith.constant 48 : index
    %get3A_539 = tpu.vector_load %arg11[%get3A_537, %get3A_538] {strides = array<i32>} : memref<8x128xi32, #tpu.memory_space<vmem>>, vector<16xi32>,
    %add3A_540 = vector.broadcast %mul3A_27 : i32 to vector<16xi32>
    %add3A_541 = arith.addi %get3A_539, %add3A_540 : vector<16xi32>
    %swap3A_542 = arith.constant 6 : i32
    %swap3A_543 = arith.index_cast %swap3A_542 : i32 to index
    %swap3A_544 = arith.constant 48 : index
    %swap3A_545 = tpu.vector_load %arg11[%swap3A_543, %swap3A_544] {strides = array<i32>} : memref<8x128xi32, #tpu.memory_space<vmem>>, vector<16xi32>,
    tpu.vector_store %arg11[%swap3A_543, %swap3A_544], %add3A_541 {strides = array<i32>} : memref<8x128xi32, #tpu.memory_space<vmem>>, vector<16xi32>,
    %get3A_546 = arith.constant 6 : i32
    %get3A_547 = arith.index_cast %get3A_546 : i32 to index
    %get3A_548 = arith.constant 64 : index
    %get3A_549 = tpu.vector_load %arg11[%get3A_547, %get3A_548] {strides = array<i32>} : memref<8x128xi32, #tpu.memory_space<vmem>>, vector<16xi32>,
    %add3A_550 = vector.broadcast %mul3A_27 : i32 to vector<16xi32>
    %add3A_551 = arith.addi %get3A_549, %add3A_550 : vector<16xi32>
    %swap3A_552 = arith.constant 6 : i32
    %swap3A_553 = arith.index_cast %swap3A_552 : i32 to index
    %swap3A_554 = arith.constant 64 : index
    %swap3A_555 = tpu.vector_load %arg11[%swap3A_553, %swap3A_554] {strides = array<i32>} : memref<8x128xi32, #tpu.memory_space<vmem>>, vector<16xi32>,
    tpu.vector_store %arg11[%swap3A_553, %swap3A_554], %add3A_551 {strides = array<i32>} : memref<8x128xi32, #tpu.memory_space<vmem>>, vector<16xi32>,
    %get3A_556 = arith.constant 6 : i32
    %get3A_557 = arith.index_cast %get3A_556 : i32 to index
    %get3A_558 = arith.constant 80 : index
    %get3A_559 = tpu.vector_load %arg11[%get3A_557, %get3A_558] {strides = array<i32>} : memref<8x128xi32, #tpu.memory_space<vmem>>, vector<16xi32>,
    %add3A_560 = vector.broadcast %mul3A_27 : i32 to vector<16xi32>
    %add3A_561 = arith.addi %get3A_559, %add3A_560 : vector<16xi32>
    %swap3A_562 = arith.constant 6 : i32
    %swap3A_563 = arith.index_cast %swap3A_562 : i32 to index
    %swap3A_564 = arith.constant 80 : index
    %swap3A_565 = tpu.vector_load %arg11[%swap3A_563, %swap3A_564] {strides = array<i32>} : memref<8x128xi32, #tpu.memory_space<vmem>>, vector<16xi32>,
    tpu.vector_store %arg11[%swap3A_563, %swap3A_564], %add3A_561 {strides = array<i32>} : memref<8x128xi32, #tpu.memory_space<vmem>>, vector<16xi32>,
    %get3A_566 = arith.constant 6 : i32
    %get3A_567 = arith.index_cast %get3A_566 : i32 to index
    %get3A_568 = arith.constant 96 : index
    %get3A_569 = tpu.vector_load %arg11[%get3A_567, %get3A_568] {strides = array<i32>} : memref<8x128xi32, #tpu.memory_space<vmem>>, vector<16xi32>,
    %add3A_570 = vector.broadcast %mul3A_27 : i32 to vector<16xi32>
    %add3A_571 = arith.addi %get3A_569, %add3A_570 : vector<16xi32>
    %swap3A_572 = arith.constant 6 : i32
    %swap3A_573 = arith.index_cast %swap3A_572 : i32 to index
    %swap3A_574 = arith.constant 96 : index
    %swap3A_575 = tpu.vector_load %arg11[%swap3A_573, %swap3A_574] {strides = array<i32>} : memref<8x128xi32, #tpu.memory_space<vmem>>, vector<16xi32>,
    tpu.vector_store %arg11[%swap3A_573, %swap3A_574], %add3A_571 {strides = array<i32>} : memref<8x128xi32, #tpu.memory_space<vmem>>, vector<16xi32>,
    %get3A_576 = arith.constant 6 : i32
    %get3A_577 = arith.index_cast %get3A_576 : i32 to index
    %get3A_578 = arith.constant 112 : index
    %get3A_579 = tpu.vector_load %arg11[%get3A_577, %get3A_578] {strides = array<i32>} : memref<8x128xi32, #tpu.memory_space<vmem>>, vector<16xi32>,
    %add3A_580 = vector.broadcast %mul3A_27 : i32 to vector<16xi32>
    %add3A_581 = arith.addi %get3A_579, %add3A_580 : vector<16xi32>
    %swap3A_582 = arith.constant 6 : i32
    %swap3A_583 = arith.index_cast %swap3A_582 : i32 to index
    %swap3A_584 = arith.constant 112 : index
    %swap3A_585 = tpu.vector_load %arg11[%swap3A_583, %swap3A_584] {strides = array<i32>} : memref<8x128xi32, #tpu.memory_space<vmem>>, vector<16xi32>,
    tpu.vector_store %arg11[%swap3A_583, %swap3A_584], %add3A_581 {strides = array<i32>} : memref<8x128xi32, #tpu.memory_space<vmem>>, vector<16xi32>,
    %get3A_586 = arith.constant 7 : i32
    %get3A_587 = arith.index_cast %get3A_586 : i32 to index
    %get3A_588 = arith.constant 0 : index
    %get3A_589 = tpu.vector_load %arg11[%get3A_587, %get3A_588] {strides = array<i32>} : memref<8x128xi32, #tpu.memory_space<vmem>>, vector<16xi32>,
    %add3A_590 = vector.broadcast %mul3A_27 : i32 to vector<16xi32>
    %add3A_591 = arith.addi %get3A_589, %add3A_590 : vector<16xi32>
    %swap3A_592 = arith.constant 7 : i32
    %swap3A_593 = arith.index_cast %swap3A_592 : i32 to index
    %swap3A_594 = arith.constant 0 : index
    %swap3A_595 = tpu.vector_load %arg11[%swap3A_593, %swap3A_594] {strides = array<i32>} : memref<8x128xi32, #tpu.memory_space<vmem>>, vector<16xi32>,
    tpu.vector_store %arg11[%swap3A_593, %swap3A_594], %add3A_591 {strides = array<i32>} : memref<8x128xi32, #tpu.memory_space<vmem>>, vector<16xi32>,
    %get3A_596 = arith.constant 7 : i32
    %get3A_597 = arith.index_cast %get3A_596 : i32 to index
    %get3A_598 = arith.constant 16 : index
    %get3A_599 = tpu.vector_load %arg11[%get3A_597, %get3A_598] {strides = array<i32>} : memref<8x128xi32, #tpu.memory_space<vmem>>, vector<16xi32>,
    %add3A_600 = vector.broadcast %mul3A_27 : i32 to vector<16xi32>
    %add3A_601 = arith.addi %get3A_599, %add3A_600 : vector<16xi32>
    %swap3A_602 = arith.constant 7 : i32
    %swap3A_603 = arith.index_cast %swap3A_602 : i32 to index
    %swap3A_604 = arith.constant 16 : index
    %swap3A_605 = tpu.vector_load %arg11[%swap3A_603, %swap3A_604] {strides = array<i32>} : memref<8x128xi32, #tpu.memory_space<vmem>>, vector<16xi32>,
    tpu.vector_store %arg11[%swap3A_603, %swap3A_604], %add3A_601 {strides = array<i32>} : memref<8x128xi32, #tpu.memory_space<vmem>>, vector<16xi32>,
    %get3A_606 = arith.constant 7 : i32
    %get3A_607 = arith.index_cast %get3A_606 : i32 to index
    %get3A_608 = arith.constant 32 : index
    %get3A_609 = tpu.vector_load %arg11[%get3A_607, %get3A_608] {strides = array<i32>} : memref<8x128xi32, #tpu.memory_space<vmem>>, vector<16xi32>,
    %add3A_610 = vector.broadcast %mul3A_27 : i32 to vector<16xi32>
    %add3A_611 = arith.addi %get3A_609, %add3A_610 : vector<16xi32>
    %swap3A_612 = arith.constant 7 : i32
    %swap3A_613 = arith.index_cast %swap3A_612 : i32 to index
    %swap3A_614 = arith.constant 32 : index
    %swap3A_615 = tpu.vector_load %arg11[%swap3A_613, %swap3A_614] {strides = array<i32>} : memref<8x128xi32, #tpu.memory_space<vmem>>, vector<16xi32>,
    tpu.vector_store %arg11[%swap3A_613, %swap3A_614], %add3A_611 {strides = array<i32>} : memref<8x128xi32, #tpu.memory_space<vmem>>, vector<16xi32>,
    %get3A_616 = arith.constant 7 : i32
    %get3A_617 = arith.index_cast %get3A_616 : i32 to index
    %get3A_618 = arith.constant 48 : index
    %get3A_619 = tpu.vector_load %arg11[%get3A_617, %get3A_618] {strides = array<i32>} : memref<8x128xi32, #tpu.memory_space<vmem>>, vector<16xi32>,
    %add3A_620 = vector.broadcast %mul3A_27 : i32 to vector<16xi32>
    %add3A_621 = arith.addi %get3A_619, %add3A_620 : vector<16xi32>
    %swap3A_622 = arith.constant 7 : i32
    %swap3A_623 = arith.index_cast %swap3A_622 : i32 to index
    %swap3A_624 = arith.constant 48 : index
    %swap3A_625 = tpu.vector_load %arg11[%swap3A_623, %swap3A_624] {strides = array<i32>} : memref<8x128xi32, #tpu.memory_space<vmem>>, vector<16xi32>,
    tpu.vector_store %arg11[%swap3A_623, %swap3A_624], %add3A_621 {strides = array<i32>} : memref<8x128xi32, #tpu.memory_space<vmem>>, vector<16xi32>,
    %get3A_626 = arith.constant 7 : i32
    %get3A_627 = arith.index_cast %get3A_626 : i32 to index
    %get3A_628 = arith.constant 64 : index
    %get3A_629 = tpu.vector_load %arg11[%get3A_627, %get3A_628] {strides = array<i32>} : memref<8x128xi32, #tpu.memory_space<vmem>>, vector<16xi32>,
    %add3A_630 = vector.broadcast %mul3A_27 : i32 to vector<16xi32>
    %add3A_631 = arith.addi %get3A_629, %add3A_630 : vector<16xi32>
    %swap3A_632 = arith.constant 7 : i32
    %swap3A_633 = arith.index_cast %swap3A_632 : i32 to index
    %swap3A_634 = arith.constant 64 : index
    %swap3A_635 = tpu.vector_load %arg11[%swap3A_633, %swap3A_634] {strides = array<i32>} : memref<8x128xi32, #tpu.memory_space<vmem>>, vector<16xi32>,
    tpu.vector_store %arg11[%swap3A_633, %swap3A_634], %add3A_631 {strides = array<i32>} : memref<8x128xi32, #tpu.memory_space<vmem>>, vector<16xi32>,
    %get3A_636 = arith.constant 7 : i32
    %get3A_637 = arith.index_cast %get3A_636 : i32 to index
    %get3A_638 = arith.constant 80 : index
    %get3A_639 = tpu.vector_load %arg11[%get3A_637, %get3A_638] {strides = array<i32>} : memref<8x128xi32, #tpu.memory_space<vmem>>, vector<16xi32>,
    %add3A_640 = vector.broadcast %mul3A_27 : i32 to vector<16xi32>
    %add3A_641 = arith.addi %get3A_639, %add3A_640 : vector<16xi32>
    %swap3A_642 = arith.constant 7 : i32
    %swap3A_643 = arith.index_cast %swap3A_642 : i32 to index
    %swap3A_644 = arith.constant 80 : index
    %swap3A_645 = tpu.vector_load %arg11[%swap3A_643, %swap3A_644] {strides = array<i32>} : memref<8x128xi32, #tpu.memory_space<vmem>>, vector<16xi32>,
    tpu.vector_store %arg11[%swap3A_643, %swap3A_644], %add3A_641 {strides = array<i32>} : memref<8x128xi32, #tpu.memory_space<vmem>>, vector<16xi32>,
    %get3A_646 = arith.constant 7 : i32
    %get3A_647 = arith.index_cast %get3A_646 : i32 to index
    %get3A_648 = arith.constant 96 : index
    %get3A_649 = tpu.vector_load %arg11[%get3A_647, %get3A_648] {strides = array<i32>} : memref<8x128xi32, #tpu.memory_space<vmem>>, vector<16xi32>,
    %add3A_650 = vector.broadcast %mul3A_27 : i32 to vector<16xi32>
    %add3A_651 = arith.addi %get3A_649, %add3A_650 : vector<16xi32>
    %swap3A_652 = arith.constant 7 : i32
    %swap3A_653 = arith.index_cast %swap3A_652 : i32 to index
    %swap3A_654 = arith.constant 96 : index
    %swap3A_655 = tpu.vector_load %arg11[%swap3A_653, %swap3A_654] {strides = array<i32>} : memref<8x128xi32, #tpu.memory_space<vmem>>, vector<16xi32>,
    tpu.vector_store %arg11[%swap3A_653, %swap3A_654], %add3A_651 {strides = array<i32>} : memref<8x128xi32, #tpu.memory_space<vmem>>, vector<16xi32>,
    %get3A_656 = arith.constant 7 : i32
    %get3A_657 = arith.index_cast %get3A_656 : i32 to index
    %get3A_658 = arith.constant 112 : index
    %get3A_659 = tpu.vector_load %arg11[%get3A_657, %get3A_658] {strides = array<i32>} : memref<8x128xi32, #tpu.memory_space<vmem>>, vector<16xi32>,
    %add3A_660 = vector.broadcast %mul3A_27 : i32 to vector<16xi32>
    %add3A_661 = arith.addi %get3A_659, %add3A_660 : vector<16xi32>
    %swap3A_662 = arith.constant 7 : i32
    %swap3A_663 = arith.index_cast %swap3A_662 : i32 to index
    %swap3A_664 = arith.constant 112 : index
    %swap3A_665 = tpu.vector_load %arg11[%swap3A_663, %swap3A_664] {strides = array<i32>} : memref<8x128xi32, #tpu.memory_space<vmem>>, vector<16xi32>,
    tpu.vector_store %arg11[%swap3A_663, %swap3A_664], %add3A_661 {strides = array<i32>} : memref<8x128xi32, #tpu.memory_space<vmem>>, vector<16xi32>,
    %broadcast_in_dim3A = arith.constant 0.000000e+00 : f32
    %broadcast_in_dim3A_666 = vector.broadcast %broadcast_in_dim3A : f32 to vector<16xf32>
    %swap3A_667 = arith.constant 0 : i32
    %swap3A_668 = arith.index_cast %swap3A_667 : i32 to index
    %swap3A_669 = arith.constant 0 : index
    %swap3A_670 = tpu.vector_load %arg12[%swap3A_668, %swap3A_669] {strides = array<i32>} : memref<16x128xf32, #tpu.memory_space<vmem>>, vector<16xf32>,
    tpu.vector_store %arg12[%swap3A_668, %swap3A_669], %broadcast_in_dim3A_666 {strides = array<i32>} : memref<16x128xf32, #tpu.memory_space<vmem>>, vector<16xf32>,
    %swap3A_671 = arith.constant 0 : i32
    %swap3A_672 = arith.index_cast %swap3A_671 : i32 to index
    %swap3A_673 = arith.constant 16 : index
    %swap3A_674 = tpu.vector_load %arg12[%swap3A_672, %swap3A_673] {strides = array<i32>} : memref<16x128xf32, #tpu.memory_space<vmem>>, vector<16xf32>,
    tpu.vector_store %arg12[%swap3A_672, %swap3A_673], %broadcast_in_dim3A_666 {strides = array<i32>} : memref<16x128xf32, #tpu.memory_space<vmem>>, vector<16xf32>,
    %swap3A_675 = arith.constant 0 : i32
    %swap3A_676 = arith.index_cast %swap3A_675 : i32 to index
    %swap3A_677 = arith.constant 32 : index
    %swap3A_678 = tpu.vector_load %arg12[%swap3A_676, %swap3A_677] {strides = array<i32>} : memref<16x128xf32, #tpu.memory_space<vmem>>, vector<16xf32>,
    tpu.vector_store %arg12[%swap3A_676, %swap3A_677], %broadcast_in_dim3A_666 {strides = array<i32>} : memref<16x128xf32, #tpu.memory_space<vmem>>, vector<16xf32>,
    %swap3A_679 = arith.constant 0 : i32
    %swap3A_680 = arith.index_cast %swap3A_679 : i32 to index
    %swap3A_681 = arith.constant 48 : index
    %swap3A_682 = tpu.vector_load %arg12[%swap3A_680, %swap3A_681] {strides = array<i32>} : memref<16x128xf32, #tpu.memory_space<vmem>>, vector<16xf32>,
    tpu.vector_store %arg12[%swap3A_680, %swap3A_681], %broadcast_in_dim3A_666 {strides = array<i32>} : memref<16x128xf32, #tpu.memory_space<vmem>>, vector<16xf32>,
    %swap3A_683 = arith.constant 0 : i32
    %swap3A_684 = arith.index_cast %swap3A_683 : i32 to index
    %swap3A_685 = arith.constant 64 : index
    %swap3A_686 = tpu.vector_load %arg12[%swap3A_684, %swap3A_685] {strides = array<i32>} : memref<16x128xf32, #tpu.memory_space<vmem>>, vector<16xf32>,
    tpu.vector_store %arg12[%swap3A_684, %swap3A_685], %broadcast_in_dim3A_666 {strides = array<i32>} : memref<16x128xf32, #tpu.memory_space<vmem>>, vector<16xf32>,
    %swap3A_687 = arith.constant 0 : i32
    %swap3A_688 = arith.index_cast %swap3A_687 : i32 to index
    %swap3A_689 = arith.constant 80 : index
    %swap3A_690 = tpu.vector_load %arg12[%swap3A_688, %swap3A_689] {strides = array<i32>} : memref<16x128xf32, #tpu.memory_space<vmem>>, vector<16xf32>,
    tpu.vector_store %arg12[%swap3A_688, %swap3A_689], %broadcast_in_dim3A_666 {strides = array<i32>} : memref<16x128xf32, #tpu.memory_space<vmem>>, vector<16xf32>,
    %swap3A_691 = arith.constant 0 : i32
    %swap3A_692 = arith.index_cast %swap3A_691 : i32 to index
    %swap3A_693 = arith.constant 96 : index
    %swap3A_694 = tpu.vector_load %arg12[%swap3A_692, %swap3A_693] {strides = array<i32>} : memref<16x128xf32, #tpu.memory_space<vmem>>, vector<16xf32>,
    tpu.vector_store %arg12[%swap3A_692, %swap3A_693], %broadcast_in_dim3A_666 {strides = array<i32>} : memref<16x128xf32, #tpu.memory_space<vmem>>, vector<16xf32>,
    %swap3A_695 = arith.constant 0 : i32
    %swap3A_696 = arith.index_cast %swap3A_695 : i32 to index
    %swap3A_697 = arith.constant 112 : index
    %swap3A_698 = tpu.vector_load %arg12[%swap3A_696, %swap3A_697] {strides = array<i32>} : memref<16x128xf32, #tpu.memory_space<vmem>>, vector<16xf32>,
    tpu.vector_store %arg12[%swap3A_696, %swap3A_697], %broadcast_in_dim3A_666 {strides = array<i32>} : memref<16x128xf32, #tpu.memory_space<vmem>>, vector<16xf32>,
    %swap3A_699 = arith.constant 1 : i32
    %swap3A_700 = arith.index_cast %swap3A_699 : i32 to index
    %swap3A_701 = arith.constant 0 : index
    %swap3A_702 = tpu.vector_load %arg12[%swap3A_700, %swap3A_701] {strides = array<i32>} : memref<16x128xf32, #tpu.memory_space<vmem>>, vector<16xf32>,
    tpu.vector_store %arg12[%swap3A_700, %swap3A_701], %broadcast_in_dim3A_666 {strides = array<i32>} : memref<16x128xf32, #tpu.memory_space<vmem>>, vector<16xf32>,
    %swap3A_703 = arith.constant 1 : i32
    %swap3A_704 = arith.index_cast %swap3A_703 : i32 to index
    %swap3A_705 = arith.constant 16 : index
    %swap3A_706 = tpu.vector_load %arg12[%swap3A_704, %swap3A_705] {strides = array<i32>} : memref<16x128xf32, #tpu.memory_space<vmem>>, vector<16xf32>,
    tpu.vector_store %arg12[%swap3A_704, %swap3A_705], %broadcast_in_dim3A_666 {strides = array<i32>} : memref<16x128xf32, #tpu.memory_space<vmem>>, vector<16xf32>,
    %swap3A_707 = arith.constant 1 : i32
    %swap3A_708 = arith.index_cast %swap3A_707 : i32 to index
    %swap3A_709 = arith.constant 32 : index
    %swap3A_710 = tpu.vector_load %arg12[%swap3A_708, %swap3A_709] {strides = array<i32>} : memref<16x128xf32, #tpu.memory_space<vmem>>, vector<16xf32>,
    tpu.vector_store %arg12[%swap3A_708, %swap3A_709], %broadcast_in_dim3A_666 {strides = array<i32>} : memref<16x128xf32, #tpu.memory_space<vmem>>, vector<16xf32>,
    %swap3A_711 = arith.constant 1 : i32
    %swap3A_712 = arith.index_cast %swap3A_711 : i32 to index
    %swap3A_713 = arith.constant 48 : index
    %swap3A_714 = tpu.vector_load %arg12[%swap3A_712, %swap3A_713] {strides = array<i32>} : memref<16x128xf32, #tpu.memory_space<vmem>>, vector<16xf32>,
    tpu.vector_store %arg12[%swap3A_712, %swap3A_713], %broadcast_in_dim3A_666 {strides = array<i32>} : memref<16x128xf32, #tpu.memory_space<vmem>>, vector<16xf32>,
    %swap3A_715 = arith.constant 1 : i32
    %swap3A_716 = arith.index_cast %swap3A_715 : i32 to index
    %swap3A_717 = arith.constant 64 : index
    %swap3A_718 = tpu.vector_load %arg12[%swap3A_716, %swap3A_717] {strides = array<i32>} : memref<16x128xf32, #tpu.memory_space<vmem>>, vector<16xf32>,
    tpu.vector_store %arg12[%swap3A_716, %swap3A_717], %broadcast_in_dim3A_666 {strides = array<i32>} : memref<16x128xf32, #tpu.memory_space<vmem>>, vector<16xf32>,
    %swap3A_719 = arith.constant 1 : i32
    %swap3A_720 = arith.index_cast %swap3A_719 : i32 to index
    %swap3A_721 = arith.constant 80 : index
    %swap3A_722 = tpu.vector_load %arg12[%swap3A_720, %swap3A_721] {strides = array<i32>} : memref<16x128xf32, #tpu.memory_space<vmem>>, vector<16xf32>,
    tpu.vector_store %arg12[%swap3A_720, %swap3A_721], %broadcast_in_dim3A_666 {strides = array<i32>} : memref<16x128xf32, #tpu.memory_space<vmem>>, vector<16xf32>,
    %swap3A_723 = arith.constant 1 : i32
    %swap3A_724 = arith.index_cast %swap3A_723 : i32 to index
    %swap3A_725 = arith.constant 96 : index
    %swap3A_726 = tpu.vector_load %arg12[%swap3A_724, %swap3A_725] {strides = array<i32>} : memref<16x128xf32, #tpu.memory_space<vmem>>, vector<16xf32>,
    tpu.vector_store %arg12[%swap3A_724, %swap3A_725], %broadcast_in_dim3A_666 {strides = array<i32>} : memref<16x128xf32, #tpu.memory_space<vmem>>, vector<16xf32>,
    %swap3A_727 = arith.constant 1 : i32
    %swap3A_728 = arith.index_cast %swap3A_727 : i32 to index
    %swap3A_729 = arith.constant 112 : index
    %swap3A_730 = tpu.vector_load %arg12[%swap3A_728, %swap3A_729] {strides = array<i32>} : memref<16x128xf32, #tpu.memory_space<vmem>>, vector<16xf32>,
    tpu.vector_store %arg12[%swap3A_728, %swap3A_729], %broadcast_in_dim3A_666 {strides = array<i32>} : memref<16x128xf32, #tpu.memory_space<vmem>>, vector<16xf32>,
    %swap3A_731 = arith.constant 2 : i32
    %swap3A_732 = arith.index_cast %swap3A_731 : i32 to index
    %swap3A_733 = arith.constant 0 : index
    %swap3A_734 = tpu.vector_load %arg12[%swap3A_732, %swap3A_733] {strides = array<i32>} : memref<16x128xf32, #tpu.memory_space<vmem>>, vector<16xf32>,
    tpu.vector_store %arg12[%swap3A_732, %swap3A_733], %broadcast_in_dim3A_666 {strides = array<i32>} : memref<16x128xf32, #tpu.memory_space<vmem>>, vector<16xf32>,
    %swap3A_735 = arith.constant 2 : i32
    %swap3A_736 = arith.index_cast %swap3A_735 : i32 to index
    %swap3A_737 = arith.constant 16 : index
    %swap3A_738 = tpu.vector_load %arg12[%swap3A_736, %swap3A_737] {strides = array<i32>} : memref<16x128xf32, #tpu.memory_space<vmem>>, vector<16xf32>,
    tpu.vector_store %arg12[%swap3A_736, %swap3A_737], %broadcast_in_dim3A_666 {strides = array<i32>} : memref<16x128xf32, #tpu.memory_space<vmem>>, vector<16xf32>,
    %swap3A_739 = arith.constant 2 : i32
    %swap3A_740 = arith.index_cast %swap3A_739 : i32 to index
    %swap3A_741 = arith.constant 32 : index
    %swap3A_742 = tpu.vector_load %arg12[%swap3A_740, %swap3A_741] {strides = array<i32>} : memref<16x128xf32, #tpu.memory_space<vmem>>, vector<16xf32>,
    tpu.vector_store %arg12[%swap3A_740, %swap3A_741], %broadcast_in_dim3A_666 {strides = array<i32>} : memref<16x128xf32, #tpu.memory_space<vmem>>, vector<16xf32>,
    %swap3A_743 = arith.constant 2 : i32
    %swap3A_744 = arith.index_cast %swap3A_743 : i32 to index
    %swap3A_745 = arith.constant 48 : index
    %swap3A_746 = tpu.vector_load %arg12[%swap3A_744, %swap3A_745] {strides = array<i32>} : memref<16x128xf32, #tpu.memory_space<vmem>>, vector<16xf32>,
    tpu.vector_store %arg12[%swap3A_744, %swap3A_745], %broadcast_in_dim3A_666 {strides = array<i32>} : memref<16x128xf32, #tpu.memory_space<vmem>>, vector<16xf32>,
    %swap3A_747 = arith.constant 2 : i32
    %swap3A_748 = arith.index_cast %swap3A_747 : i32 to index
    %swap3A_749 = arith.constant 64 : index
    %swap3A_750 = tpu.vector_load %arg12[%swap3A_748, %swap3A_749] {strides = array<i32>} : memref<16x128xf32, #tpu.memory_space<vmem>>, vector<16xf32>,
    tpu.vector_store %arg12[%swap3A_748, %swap3A_749], %broadcast_in_dim3A_666 {strides = array<i32>} : memref<16x128xf32, #tpu.memory_space<vmem>>, vector<16xf32>,
    %swap3A_751 = arith.constant 2 : i32
    %swap3A_752 = arith.index_cast %swap3A_751 : i32 to index
    %swap3A_753 = arith.constant 80 : index
    %swap3A_754 = tpu.vector_load %arg12[%swap3A_752, %swap3A_753] {strides = array<i32>} : memref<16x128xf32, #tpu.memory_space<vmem>>, vector<16xf32>,
    tpu.vector_store %arg12[%swap3A_752, %swap3A_753], %broadcast_in_dim3A_666 {strides = array<i32>} : memref<16x128xf32, #tpu.memory_space<vmem>>, vector<16xf32>,
    %swap3A_755 = arith.constant 2 : i32
    %swap3A_756 = arith.index_cast %swap3A_755 : i32 to index
    %swap3A_757 = arith.constant 96 : index
    %swap3A_758 = tpu.vector_load %arg12[%swap3A_756, %swap3A_757] {strides = array<i32>} : memref<16x128xf32, #tpu.memory_space<vmem>>, vector<16xf32>,
    tpu.vector_store %arg12[%swap3A_756, %swap3A_757], %broadcast_in_dim3A_666 {strides = array<i32>} : memref<16x128xf32, #tpu.memory_space<vmem>>, vector<16xf32>,
    %swap3A_759 = arith.constant 2 : i32
    %swap3A_760 = arith.index_cast %swap3A_759 : i32 to index
    %swap3A_761 = arith.constant 112 : index
    %swap3A_762 = tpu.vector_load %arg12[%swap3A_760, %swap3A_761] {strides = array<i32>} : memref<16x128xf32, #tpu.memory_space<vmem>>, vector<16xf32>,
    tpu.vector_store %arg12[%swap3A_760, %swap3A_761], %broadcast_in_dim3A_666 {strides = array<i32>} : memref<16x128xf32, #tpu.memory_space<vmem>>, vector<16xf32>,
    %swap3A_763 = arith.constant 3 : i32
    %swap3A_764 = arith.index_cast %swap3A_763 : i32 to index
    %swap3A_765 = arith.constant 0 : index
    %swap3A_766 = tpu.vector_load %arg12[%swap3A_764, %swap3A_765] {strides = array<i32>} : memref<16x128xf32, #tpu.memory_space<vmem>>, vector<16xf32>,
    tpu.vector_store %arg12[%swap3A_764, %swap3A_765], %broadcast_in_dim3A_666 {strides = array<i32>} : memref<16x128xf32, #tpu.memory_space<vmem>>, vector<16xf32>,
    %swap3A_767 = arith.constant 3 : i32
    %swap3A_768 = arith.index_cast %swap3A_767 : i32 to index
    %swap3A_769 = arith.constant 16 : index
    %swap3A_770 = tpu.vector_load %arg12[%swap3A_768, %swap3A_769] {strides = array<i32>} : memref<16x128xf32, #tpu.memory_space<vmem>>, vector<16xf32>,
    tpu.vector_store %arg12[%swap3A_768, %swap3A_769], %broadcast_in_dim3A_666 {strides = array<i32>} : memref<16x128xf32, #tpu.memory_space<vmem>>, vector<16xf32>,
    %swap3A_771 = arith.constant 3 : i32
    %swap3A_772 = arith.index_cast %swap3A_771 : i32 to index
    %swap3A_773 = arith.constant 32 : index
    %swap3A_774 = tpu.vector_load %arg12[%swap3A_772, %swap3A_773] {strides = array<i32>} : memref<16x128xf32, #tpu.memory_space<vmem>>, vector<16xf32>,
    tpu.vector_store %arg12[%swap3A_772, %swap3A_773], %broadcast_in_dim3A_666 {strides = array<i32>} : memref<16x128xf32, #tpu.memory_space<vmem>>, vector<16xf32>,
    %swap3A_775 = arith.constant 3 : i32
    %swap3A_776 = arith.index_cast %swap3A_775 : i32 to index
    %swap3A_777 = arith.constant 48 : index
    %swap3A_778 = tpu.vector_load %arg12[%swap3A_776, %swap3A_777] {strides = array<i32>} : memref<16x128xf32, #tpu.memory_space<vmem>>, vector<16xf32>,
    tpu.vector_store %arg12[%swap3A_776, %swap3A_777], %broadcast_in_dim3A_666 {strides = array<i32>} : memref<16x128xf32, #tpu.memory_space<vmem>>, vector<16xf32>,
    %swap3A_779 = arith.constant 3 : i32
    %swap3A_780 = arith.index_cast %swap3A_779 : i32 to index
    %swap3A_781 = arith.constant 64 : index
    %swap3A_782 = tpu.vector_load %arg12[%swap3A_780, %swap3A_781] {strides = array<i32>} : memref<16x128xf32, #tpu.memory_space<vmem>>, vector<16xf32>,
    tpu.vector_store %arg12[%swap3A_780, %swap3A_781], %broadcast_in_dim3A_666 {strides = array<i32>} : memref<16x128xf32, #tpu.memory_space<vmem>>, vector<16xf32>,
    %swap3A_783 = arith.constant 3 : i32
    %swap3A_784 = arith.index_cast %swap3A_783 : i32 to index
    %swap3A_785 = arith.constant 80 : index
    %swap3A_786 = tpu.vector_load %arg12[%swap3A_784, %swap3A_785] {strides = array<i32>} : memref<16x128xf32, #tpu.memory_space<vmem>>, vector<16xf32>,
    tpu.vector_store %arg12[%swap3A_784, %swap3A_785], %broadcast_in_dim3A_666 {strides = array<i32>} : memref<16x128xf32, #tpu.memory_space<vmem>>, vector<16xf32>,
    %swap3A_787 = arith.constant 3 : i32
    %swap3A_788 = arith.index_cast %swap3A_787 : i32 to index
    %swap3A_789 = arith.constant 96 : index
    %swap3A_790 = tpu.vector_load %arg12[%swap3A_788, %swap3A_789] {strides = array<i32>} : memref<16x128xf32, #tpu.memory_space<vmem>>, vector<16xf32>,
    tpu.vector_store %arg12[%swap3A_788, %swap3A_789], %broadcast_in_dim3A_666 {strides = array<i32>} : memref<16x128xf32, #tpu.memory_space<vmem>>, vector<16xf32>,
    %swap3A_791 = arith.constant 3 : i32
    %swap3A_792 = arith.index_cast %swap3A_791 : i32 to index
    %swap3A_793 = arith.constant 112 : index
    %swap3A_794 = tpu.vector_load %arg12[%swap3A_792, %swap3A_793] {strides = array<i32>} : memref<16x128xf32, #tpu.memory_space<vmem>>, vector<16xf32>,
    tpu.vector_store %arg12[%swap3A_792, %swap3A_793], %broadcast_in_dim3A_666 {strides = array<i32>} : memref<16x128xf32, #tpu.memory_space<vmem>>, vector<16xf32>,
    %swap3A_795 = arith.constant 4 : i32
    %swap3A_796 = arith.index_cast %swap3A_795 : i32 to index
    %swap3A_797 = arith.constant 0 : index
    %swap3A_798 = tpu.vector_load %arg12[%swap3A_796, %swap3A_797] {strides = array<i32>} : memref<16x128xf32, #tpu.memory_space<vmem>>, vector<16xf32>,
    tpu.vector_store %arg12[%swap3A_796, %swap3A_797], %broadcast_in_dim3A_666 {strides = array<i32>} : memref<16x128xf32, #tpu.memory_space<vmem>>, vector<16xf32>,
    %swap3A_799 = arith.constant 4 : i32
    %swap3A_800 = arith.index_cast %swap3A_799 : i32 to index
    %swap3A_801 = arith.constant 16 : index
    %swap3A_802 = tpu.vector_load %arg12[%swap3A_800, %swap3A_801] {strides = array<i32>} : memref<16x128xf32, #tpu.memory_space<vmem>>, vector<16xf32>,
    tpu.vector_store %arg12[%swap3A_800, %swap3A_801], %broadcast_in_dim3A_666 {strides = array<i32>} : memref<16x128xf32, #tpu.memory_space<vmem>>, vector<16xf32>,
    %swap3A_803 = arith.constant 4 : i32
    %swap3A_804 = arith.index_cast %swap3A_803 : i32 to index
    %swap3A_805 = arith.constant 32 : index
    %swap3A_806 = tpu.vector_load %arg12[%swap3A_804, %swap3A_805] {strides = array<i32>} : memref<16x128xf32, #tpu.memory_space<vmem>>, vector<16xf32>,
    tpu.vector_store %arg12[%swap3A_804, %swap3A_805], %broadcast_in_dim3A_666 {strides = array<i32>} : memref<16x128xf32, #tpu.memory_space<vmem>>, vector<16xf32>,
    %swap3A_807 = arith.constant 4 : i32
    %swap3A_808 = arith.index_cast %swap3A_807 : i32 to index
    %swap3A_809 = arith.constant 48 : index
    %swap3A_810 = tpu.vector_load %arg12[%swap3A_808, %swap3A_809] {strides = array<i32>} : memref<16x128xf32, #tpu.memory_space<vmem>>, vector<16xf32>,
    tpu.vector_store %arg12[%swap3A_808, %swap3A_809], %broadcast_in_dim3A_666 {strides = array<i32>} : memref<16x128xf32, #tpu.memory_space<vmem>>, vector<16xf32>,
    %swap3A_811 = arith.constant 4 : i32
    %swap3A_812 = arith.index_cast %swap3A_811 : i32 to index
    %swap3A_813 = arith.constant 64 : index
    %swap3A_814 = tpu.vector_load %arg12[%swap3A_812, %swap3A_813] {strides = array<i32>} : memref<16x128xf32, #tpu.memory_space<vmem>>, vector<16xf32>,
    tpu.vector_store %arg12[%swap3A_812, %swap3A_813], %broadcast_in_dim3A_666 {strides = array<i32>} : memref<16x128xf32, #tpu.memory_space<vmem>>, vector<16xf32>,
    %swap3A_815 = arith.constant 4 : i32
    %swap3A_816 = arith.index_cast %swap3A_815 : i32 to index
    %swap3A_817 = arith.constant 80 : index
    %swap3A_818 = tpu.vector_load %arg12[%swap3A_816, %swap3A_817] {strides = array<i32>} : memref<16x128xf32, #tpu.memory_space<vmem>>, vector<16xf32>,
    tpu.vector_store %arg12[%swap3A_816, %swap3A_817], %broadcast_in_dim3A_666 {strides = array<i32>} : memref<16x128xf32, #tpu.memory_space<vmem>>, vector<16xf32>,
    %swap3A_819 = arith.constant 4 : i32
    %swap3A_820 = arith.index_cast %swap3A_819 : i32 to index
    %swap3A_821 = arith.constant 96 : index
    %swap3A_822 = tpu.vector_load %arg12[%swap3A_820, %swap3A_821] {strides = array<i32>} : memref<16x128xf32, #tpu.memory_space<vmem>>, vector<16xf32>,
    tpu.vector_store %arg12[%swap3A_820, %swap3A_821], %broadcast_in_dim3A_666 {strides = array<i32>} : memref<16x128xf32, #tpu.memory_space<vmem>>, vector<16xf32>,
    %swap3A_823 = arith.constant 4 : i32
    %swap3A_824 = arith.index_cast %swap3A_823 : i32 to index
    %swap3A_825 = arith.constant 112 : index
    %swap3A_826 = tpu.vector_load %arg12[%swap3A_824, %swap3A_825] {strides = array<i32>} : memref<16x128xf32, #tpu.memory_space<vmem>>, vector<16xf32>,
    tpu.vector_store %arg12[%swap3A_824, %swap3A_825], %broadcast_in_dim3A_666 {strides = array<i32>} : memref<16x128xf32, #tpu.memory_space<vmem>>, vector<16xf32>,
    %swap3A_827 = arith.constant 5 : i32
    %swap3A_828 = arith.index_cast %swap3A_827 : i32 to index
    %swap3A_829 = arith.constant 0 : index
    %swap3A_830 = tpu.vector_load %arg12[%swap3A_828, %swap3A_829] {strides = array<i32>} : memref<16x128xf32, #tpu.memory_space<vmem>>, vector<16xf32>,
    tpu.vector_store %arg12[%swap3A_828, %swap3A_829], %broadcast_in_dim3A_666 {strides = array<i32>} : memref<16x128xf32, #tpu.memory_space<vmem>>, vector<16xf32>,
    %swap3A_831 = arith.constant 5 : i32
    %swap3A_832 = arith.index_cast %swap3A_831 : i32 to index
    %swap3A_833 = arith.constant 16 : index
    %swap3A_834 = tpu.vector_load %arg12[%swap3A_832, %swap3A_833] {strides = array<i32>} : memref<16x128xf32, #tpu.memory_space<vmem>>, vector<16xf32>,
    tpu.vector_store %arg12[%swap3A_832, %swap3A_833], %broadcast_in_dim3A_666 {strides = array<i32>} : memref<16x128xf32, #tpu.memory_space<vmem>>, vector<16xf32>,
    %swap3A_835 = arith.constant 5 : i32
    %swap3A_836 = arith.index_cast %swap3A_835 : i32 to index
    %swap3A_837 = arith.constant 32 : index
    %swap3A_838 = tpu.vector_load %arg12[%swap3A_836, %swap3A_837] {strides = array<i32>} : memref<16x128xf32, #tpu.memory_space<vmem>>, vector<16xf32>,
    tpu.vector_store %arg12[%swap3A_836, %swap3A_837], %broadcast_in_dim3A_666 {strides = array<i32>} : memref<16x128xf32, #tpu.memory_space<vmem>>, vector<16xf32>,
    %swap3A_839 = arith.constant 5 : i32
    %swap3A_840 = arith.index_cast %swap3A_839 : i32 to index
    %swap3A_841 = arith.constant 48 : index
    %swap3A_842 = tpu.vector_load %arg12[%swap3A_840, %swap3A_841] {strides = array<i32>} : memref<16x128xf32, #tpu.memory_space<vmem>>, vector<16xf32>,
    tpu.vector_store %arg12[%swap3A_840, %swap3A_841], %broadcast_in_dim3A_666 {strides = array<i32>} : memref<16x128xf32, #tpu.memory_space<vmem>>, vector<16xf32>,
    %swap3A_843 = arith.constant 5 : i32
    %swap3A_844 = arith.index_cast %swap3A_843 : i32 to index
    %swap3A_845 = arith.constant 64 : index
    %swap3A_846 = tpu.vector_load %arg12[%swap3A_844, %swap3A_845] {strides = array<i32>} : memref<16x128xf32, #tpu.memory_space<vmem>>, vector<16xf32>,
    tpu.vector_store %arg12[%swap3A_844, %swap3A_845], %broadcast_in_dim3A_666 {strides = array<i32>} : memref<16x128xf32, #tpu.memory_space<vmem>>, vector<16xf32>,
    %swap3A_847 = arith.constant 5 : i32
    %swap3A_848 = arith.index_cast %swap3A_847 : i32 to index
    %swap3A_849 = arith.constant 80 : index
    %swap3A_850 = tpu.vector_load %arg12[%swap3A_848, %swap3A_849] {strides = array<i32>} : memref<16x128xf32, #tpu.memory_space<vmem>>, vector<16xf32>,
    tpu.vector_store %arg12[%swap3A_848, %swap3A_849], %broadcast_in_dim3A_666 {strides = array<i32>} : memref<16x128xf32, #tpu.memory_space<vmem>>, vector<16xf32>,
    %swap3A_851 = arith.constant 5 : i32
    %swap3A_852 = arith.index_cast %swap3A_851 : i32 to index
    %swap3A_853 = arith.constant 96 : index
    %swap3A_854 = tpu.vector_load %arg12[%swap3A_852, %swap3A_853] {strides = array<i32>} : memref<16x128xf32, #tpu.memory_space<vmem>>, vector<16xf32>,
    tpu.vector_store %arg12[%swap3A_852, %swap3A_853], %broadcast_in_dim3A_666 {strides = array<i32>} : memref<16x128xf32, #tpu.memory_space<vmem>>, vector<16xf32>,
    %swap3A_855 = arith.constant 5 : i32
    %swap3A_856 = arith.index_cast %swap3A_855 : i32 to index
    %swap3A_857 = arith.constant 112 : index
    %swap3A_858 = tpu.vector_load %arg12[%swap3A_856, %swap3A_857] {strides = array<i32>} : memref<16x128xf32, #tpu.memory_space<vmem>>, vector<16xf32>,
    tpu.vector_store %arg12[%swap3A_856, %swap3A_857], %broadcast_in_dim3A_666 {strides = array<i32>} : memref<16x128xf32, #tpu.memory_space<vmem>>, vector<16xf32>,
    %swap3A_859 = arith.constant 6 : i32
    %swap3A_860 = arith.index_cast %swap3A_859 : i32 to index
    %swap3A_861 = arith.constant 0 : index
    %swap3A_862 = tpu.vector_load %arg12[%swap3A_860, %swap3A_861] {strides = array<i32>} : memref<16x128xf32, #tpu.memory_space<vmem>>, vector<16xf32>,
    tpu.vector_store %arg12[%swap3A_860, %swap3A_861], %broadcast_in_dim3A_666 {strides = array<i32>} : memref<16x128xf32, #tpu.memory_space<vmem>>, vector<16xf32>,
    %swap3A_863 = arith.constant 6 : i32
    %swap3A_864 = arith.index_cast %swap3A_863 : i32 to index
    %swap3A_865 = arith.constant 16 : index
    %swap3A_866 = tpu.vector_load %arg12[%swap3A_864, %swap3A_865] {strides = array<i32>} : memref<16x128xf32, #tpu.memory_space<vmem>>, vector<16xf32>,
    tpu.vector_store %arg12[%swap3A_864, %swap3A_865], %broadcast_in_dim3A_666 {strides = array<i32>} : memref<16x128xf32, #tpu.memory_space<vmem>>, vector<16xf32>,
    %swap3A_867 = arith.constant 6 : i32
    %swap3A_868 = arith.index_cast %swap3A_867 : i32 to index
    %swap3A_869 = arith.constant 32 : index
    %swap3A_870 = tpu.vector_load %arg12[%swap3A_868, %swap3A_869] {strides = array<i32>} : memref<16x128xf32, #tpu.memory_space<vmem>>, vector<16xf32>,
    tpu.vector_store %arg12[%swap3A_868, %swap3A_869], %broadcast_in_dim3A_666 {strides = array<i32>} : memref<16x128xf32, #tpu.memory_space<vmem>>, vector<16xf32>,
    %swap3A_871 = arith.constant 6 : i32
    %swap3A_872 = arith.index_cast %swap3A_871 : i32 to index
    %swap3A_873 = arith.constant 48 : index
    %swap3A_874 = tpu.vector_load %arg12[%swap3A_872, %swap3A_873] {strides = array<i32>} : memref<16x128xf32, #tpu.memory_space<vmem>>, vector<16xf32>,
    tpu.vector_store %arg12[%swap3A_872, %swap3A_873], %broadcast_in_dim3A_666 {strides = array<i32>} : memref<16x128xf32, #tpu.memory_space<vmem>>, vector<16xf32>,
    %swap3A_875 = arith.constant 6 : i32
    %swap3A_876 = arith.index_cast %swap3A_875 : i32 to index
    %swap3A_877 = arith.constant 64 : index
    %swap3A_878 = tpu.vector_load %arg12[%swap3A_876, %swap3A_877] {strides = array<i32>} : memref<16x128xf32, #tpu.memory_space<vmem>>, vector<16xf32>,
    tpu.vector_store %arg12[%swap3A_876, %swap3A_877], %broadcast_in_dim3A_666 {strides = array<i32>} : memref<16x128xf32, #tpu.memory_space<vmem>>, vector<16xf32>,
    %swap3A_879 = arith.constant 6 : i32
    %swap3A_880 = arith.index_cast %swap3A_879 : i32 to index
    %swap3A_881 = arith.constant 80 : index
    %swap3A_882 = tpu.vector_load %arg12[%swap3A_880, %swap3A_881] {strides = array<i32>} : memref<16x128xf32, #tpu.memory_space<vmem>>, vector<16xf32>,
    tpu.vector_store %arg12[%swap3A_880, %swap3A_881], %broadcast_in_dim3A_666 {strides = array<i32>} : memref<16x128xf32, #tpu.memory_space<vmem>>, vector<16xf32>,
    %swap3A_883 = arith.constant 6 : i32
    %swap3A_884 = arith.index_cast %swap3A_883 : i32 to index
    %swap3A_885 = arith.constant 96 : index
    %swap3A_886 = tpu.vector_load %arg12[%swap3A_884, %swap3A_885] {strides = array<i32>} : memref<16x128xf32, #tpu.memory_space<vmem>>, vector<16xf32>,
    tpu.vector_store %arg12[%swap3A_884, %swap3A_885], %broadcast_in_dim3A_666 {strides = array<i32>} : memref<16x128xf32, #tpu.memory_space<vmem>>, vector<16xf32>,
    %swap3A_887 = arith.constant 6 : i32
    %swap3A_888 = arith.index_cast %swap3A_887 : i32 to index
    %swap3A_889 = arith.constant 112 : index
    %swap3A_890 = tpu.vector_load %arg12[%swap3A_888, %swap3A_889] {strides = array<i32>} : memref<16x128xf32, #tpu.memory_space<vmem>>, vector<16xf32>,
    tpu.vector_store %arg12[%swap3A_888, %swap3A_889], %broadcast_in_dim3A_666 {strides = array<i32>} : memref<16x128xf32, #tpu.memory_space<vmem>>, vector<16xf32>,
    %swap3A_891 = arith.constant 7 : i32
    %swap3A_892 = arith.index_cast %swap3A_891 : i32 to index
    %swap3A_893 = arith.constant 0 : index
    %swap3A_894 = tpu.vector_load %arg12[%swap3A_892, %swap3A_893] {strides = array<i32>} : memref<16x128xf32, #tpu.memory_space<vmem>>, vector<16xf32>,
    tpu.vector_store %arg12[%swap3A_892, %swap3A_893], %broadcast_in_dim3A_666 {strides = array<i32>} : memref<16x128xf32, #tpu.memory_space<vmem>>, vector<16xf32>,
    %swap3A_895 = arith.constant 7 : i32
    %swap3A_896 = arith.index_cast %swap3A_895 : i32 to index
    %swap3A_897 = arith.constant 16 : index
    %swap3A_898 = tpu.vector_load %arg12[%swap3A_896, %swap3A_897] {strides = array<i32>} : memref<16x128xf32, #tpu.memory_space<vmem>>, vector<16xf32>,
    tpu.vector_store %arg12[%swap3A_896, %swap3A_897], %broadcast_in_dim3A_666 {strides = array<i32>} : memref<16x128xf32, #tpu.memory_space<vmem>>, vector<16xf32>,
    %swap3A_899 = arith.constant 7 : i32
    %swap3A_900 = arith.index_cast %swap3A_899 : i32 to index
    %swap3A_901 = arith.constant 32 : index
    %swap3A_902 = tpu.vector_load %arg12[%swap3A_900, %swap3A_901] {strides = array<i32>} : memref<16x128xf32, #tpu.memory_space<vmem>>, vector<16xf32>,
    tpu.vector_store %arg12[%swap3A_900, %swap3A_901], %broadcast_in_dim3A_666 {strides = array<i32>} : memref<16x128xf32, #tpu.memory_space<vmem>>, vector<16xf32>,
    %swap3A_903 = arith.constant 7 : i32
    %swap3A_904 = arith.index_cast %swap3A_903 : i32 to index
    %swap3A_905 = arith.constant 48 : index
    %swap3A_906 = tpu.vector_load %arg12[%swap3A_904, %swap3A_905] {strides = array<i32>} : memref<16x128xf32, #tpu.memory_space<vmem>>, vector<16xf32>,
    tpu.vector_store %arg12[%swap3A_904, %swap3A_905], %broadcast_in_dim3A_666 {strides = array<i32>} : memref<16x128xf32, #tpu.memory_space<vmem>>, vector<16xf32>,
    %swap3A_907 = arith.constant 7 : i32
    %swap3A_908 = arith.index_cast %swap3A_907 : i32 to index
    %swap3A_909 = arith.constant 64 : index
    %swap3A_910 = tpu.vector_load %arg12[%swap3A_908, %swap3A_909] {strides = array<i32>} : memref<16x128xf32, #tpu.memory_space<vmem>>, vector<16xf32>,
    tpu.vector_store %arg12[%swap3A_908, %swap3A_909], %broadcast_in_dim3A_666 {strides = array<i32>} : memref<16x128xf32, #tpu.memory_space<vmem>>, vector<16xf32>,
    %swap3A_911 = arith.constant 7 : i32
    %swap3A_912 = arith.index_cast %swap3A_911 : i32 to index
    %swap3A_913 = arith.constant 80 : index
    %swap3A_914 = tpu.vector_load %arg12[%swap3A_912, %swap3A_913] {strides = array<i32>} : memref<16x128xf32, #tpu.memory_space<vmem>>, vector<16xf32>,
    tpu.vector_store %arg12[%swap3A_912, %swap3A_913], %broadcast_in_dim3A_666 {strides = array<i32>} : memref<16x128xf32, #tpu.memory_space<vmem>>, vector<16xf32>,
    %swap3A_915 = arith.constant 7 : i32
    %swap3A_916 = arith.index_cast %swap3A_915 : i32 to index
    %swap3A_917 = arith.constant 96 : index
    %swap3A_918 = tpu.vector_load %arg12[%swap3A_916, %swap3A_917] {strides = array<i32>} : memref<16x128xf32, #tpu.memory_space<vmem>>, vector<16xf32>,
    tpu.vector_store %arg12[%swap3A_916, %swap3A_917], %broadcast_in_dim3A_666 {strides = array<i32>} : memref<16x128xf32, #tpu.memory_space<vmem>>, vector<16xf32>,
    %swap3A_919 = arith.constant 7 : i32
    %swap3A_920 = arith.index_cast %swap3A_919 : i32 to index
    %swap3A_921 = arith.constant 112 : index
    %swap3A_922 = tpu.vector_load %arg12[%swap3A_920, %swap3A_921] {strides = array<i32>} : memref<16x128xf32, #tpu.memory_space<vmem>>, vector<16xf32>,
    tpu.vector_store %arg12[%swap3A_920, %swap3A_921], %broadcast_in_dim3A_666 {strides = array<i32>} : memref<16x128xf32, #tpu.memory_space<vmem>>, vector<16xf32>,
    %swap3A_923 = arith.constant 8 : i32
    %swap3A_924 = arith.index_cast %swap3A_923 : i32 to index
    %swap3A_925 = arith.constant 0 : index
    %swap3A_926 = tpu.vector_load %arg12[%swap3A_924, %swap3A_925] {strides = array<i32>} : memref<16x128xf32, #tpu.memory_space<vmem>>, vector<16xf32>,
    tpu.vector_store %arg12[%swap3A_924, %swap3A_925], %broadcast_in_dim3A_666 {strides = array<i32>} : memref<16x128xf32, #tpu.memory_space<vmem>>, vector<16xf32>,
    %swap3A_927 = arith.constant 8 : i32
    %swap3A_928 = arith.index_cast %swap3A_927 : i32 to index
    %swap3A_929 = arith.constant 16 : index
    %swap3A_930 = tpu.vector_load %arg12[%swap3A_928, %swap3A_929] {strides = array<i32>} : memref<16x128xf32, #tpu.memory_space<vmem>>, vector<16xf32>,
    tpu.vector_store %arg12[%swap3A_928, %swap3A_929], %broadcast_in_dim3A_666 {strides = array<i32>} : memref<16x128xf32, #tpu.memory_space<vmem>>, vector<16xf32>,
    %swap3A_931 = arith.constant 8 : i32
    %swap3A_932 = arith.index_cast %swap3A_931 : i32 to index
    %swap3A_933 = arith.constant 32 : index
    %swap3A_934 = tpu.vector_load %arg12[%swap3A_932, %swap3A_933] {strides = array<i32>} : memref<16x128xf32, #tpu.memory_space<vmem>>, vector<16xf32>,
    tpu.vector_store %arg12[%swap3A_932, %swap3A_933], %broadcast_in_dim3A_666 {strides = array<i32>} : memref<16x128xf32, #tpu.memory_space<vmem>>, vector<16xf32>,
    %swap3A_935 = arith.constant 8 : i32
    %swap3A_936 = arith.index_cast %swap3A_935 : i32 to index
    %swap3A_937 = arith.constant 48 : index
    %swap3A_938 = tpu.vector_load %arg12[%swap3A_936, %swap3A_937] {strides = array<i32>} : memref<16x128xf32, #tpu.memory_space<vmem>>, vector<16xf32>,
    tpu.vector_store %arg12[%swap3A_936, %swap3A_937], %broadcast_in_dim3A_666 {strides = array<i32>} : memref<16x128xf32, #tpu.memory_space<vmem>>, vector<16xf32>,
    %swap3A_939 = arith.constant 8 : i32
    %swap3A_940 = arith.index_cast %swap3A_939 : i32 to index
    %swap3A_941 = arith.constant 64 : index
    %swap3A_942 = tpu.vector_load %arg12[%swap3A_940, %swap3A_941] {strides = array<i32>} : memref<16x128xf32, #tpu.memory_space<vmem>>, vector<16xf32>,
    tpu.vector_store %arg12[%swap3A_940, %swap3A_941], %broadcast_in_dim3A_666 {strides = array<i32>} : memref<16x128xf32, #tpu.memory_space<vmem>>, vector<16xf32>,
    %swap3A_943 = arith.constant 8 : i32
    %swap3A_944 = arith.index_cast %swap3A_943 : i32 to index
    %swap3A_945 = arith.constant 80 : index
    %swap3A_946 = tpu.vector_load %arg12[%swap3A_944, %swap3A_945] {strides = array<i32>} : memref<16x128xf32, #tpu.memory_space<vmem>>, vector<16xf32>,
    tpu.vector_store %arg12[%swap3A_944, %swap3A_945], %broadcast_in_dim3A_666 {strides = array<i32>} : memref<16x128xf32, #tpu.memory_space<vmem>>, vector<16xf32>,
    %swap3A_947 = arith.constant 8 : i32
    %swap3A_948 = arith.index_cast %swap3A_947 : i32 to index
    %swap3A_949 = arith.constant 96 : index
    %swap3A_950 = tpu.vector_load %arg12[%swap3A_948, %swap3A_949] {strides = array<i32>} : memref<16x128xf32, #tpu.memory_space<vmem>>, vector<16xf32>,
    tpu.vector_store %arg12[%swap3A_948, %swap3A_949], %broadcast_in_dim3A_666 {strides = array<i32>} : memref<16x128xf32, #tpu.memory_space<vmem>>, vector<16xf32>,
    %swap3A_951 = arith.constant 8 : i32
    %swap3A_952 = arith.index_cast %swap3A_951 : i32 to index
    %swap3A_953 = arith.constant 112 : index
    %swap3A_954 = tpu.vector_load %arg12[%swap3A_952, %swap3A_953] {strides = array<i32>} : memref<16x128xf32, #tpu.memory_space<vmem>>, vector<16xf32>,
    tpu.vector_store %arg12[%swap3A_952, %swap3A_953], %broadcast_in_dim3A_666 {strides = array<i32>} : memref<16x128xf32, #tpu.memory_space<vmem>>, vector<16xf32>,
    %swap3A_955 = arith.constant 9 : i32
    %swap3A_956 = arith.index_cast %swap3A_955 : i32 to index
    %swap3A_957 = arith.constant 0 : index
    %swap3A_958 = tpu.vector_load %arg12[%swap3A_956, %swap3A_957] {strides = array<i32>} : memref<16x128xf32, #tpu.memory_space<vmem>>, vector<16xf32>,
    tpu.vector_store %arg12[%swap3A_956, %swap3A_957], %broadcast_in_dim3A_666 {strides = array<i32>} : memref<16x128xf32, #tpu.memory_space<vmem>>, vector<16xf32>,
    %swap3A_959 = arith.constant 9 : i32
    %swap3A_960 = arith.index_cast %swap3A_959 : i32 to index
    %swap3A_961 = arith.constant 16 : index
    %swap3A_962 = tpu.vector_load %arg12[%swap3A_960, %swap3A_961] {strides = array<i32>} : memref<16x128xf32, #tpu.memory_space<vmem>>, vector<16xf32>,
    tpu.vector_store %arg12[%swap3A_960, %swap3A_961], %broadcast_in_dim3A_666 {strides = array<i32>} : memref<16x128xf32, #tpu.memory_space<vmem>>, vector<16xf32>,
    %swap3A_963 = arith.constant 9 : i32
    %swap3A_964 = arith.index_cast %swap3A_963 : i32 to index
    %swap3A_965 = arith.constant 32 : index
    %swap3A_966 = tpu.vector_load %arg12[%swap3A_964, %swap3A_965] {strides = array<i32>} : memref<16x128xf32, #tpu.memory_space<vmem>>, vector<16xf32>,
    tpu.vector_store %arg12[%swap3A_964, %swap3A_965], %broadcast_in_dim3A_666 {strides = array<i32>} : memref<16x128xf32, #tpu.memory_space<vmem>>, vector<16xf32>,
    %swap3A_967 = arith.constant 9 : i32
    %swap3A_968 = arith.index_cast %swap3A_967 : i32 to index
    %swap3A_969 = arith.constant 48 : index
    %swap3A_970 = tpu.vector_load %arg12[%swap3A_968, %swap3A_969] {strides = array<i32>} : memref<16x128xf32, #tpu.memory_space<vmem>>, vector<16xf32>,
    tpu.vector_store %arg12[%swap3A_968, %swap3A_969], %broadcast_in_dim3A_666 {strides = array<i32>} : memref<16x128xf32, #tpu.memory_space<vmem>>, vector<16xf32>,
    %swap3A_971 = arith.constant 9 : i32
    %swap3A_972 = arith.index_cast %swap3A_971 : i32 to index
    %swap3A_973 = arith.constant 64 : index
    %swap3A_974 = tpu.vector_load %arg12[%swap3A_972, %swap3A_973] {strides = array<i32>} : memref<16x128xf32, #tpu.memory_space<vmem>>, vector<16xf32>,
    tpu.vector_store %arg12[%swap3A_972, %swap3A_973], %broadcast_in_dim3A_666 {strides = array<i32>} : memref<16x128xf32, #tpu.memory_space<vmem>>, vector<16xf32>,
    %swap3A_975 = arith.constant 9 : i32
    %swap3A_976 = arith.index_cast %swap3A_975 : i32 to index
    %swap3A_977 = arith.constant 80 : index
    %swap3A_978 = tpu.vector_load %arg12[%swap3A_976, %swap3A_977] {strides = array<i32>} : memref<16x128xf32, #tpu.memory_space<vmem>>, vector<16xf32>,
    tpu.vector_store %arg12[%swap3A_976, %swap3A_977], %broadcast_in_dim3A_666 {strides = array<i32>} : memref<16x128xf32, #tpu.memory_space<vmem>>, vector<16xf32>,
    %swap3A_979 = arith.constant 9 : i32
    %swap3A_980 = arith.index_cast %swap3A_979 : i32 to index
    %swap3A_981 = arith.constant 96 : index
    %swap3A_982 = tpu.vector_load %arg12[%swap3A_980, %swap3A_981] {strides = array<i32>} : memref<16x128xf32, #tpu.memory_space<vmem>>, vector<16xf32>,
    tpu.vector_store %arg12[%swap3A_980, %swap3A_981], %broadcast_in_dim3A_666 {strides = array<i32>} : memref<16x128xf32, #tpu.memory_space<vmem>>, vector<16xf32>,
    %swap3A_983 = arith.constant 9 : i32
    %swap3A_984 = arith.index_cast %swap3A_983 : i32 to index
    %swap3A_985 = arith.constant 112 : index
    %swap3A_986 = tpu.vector_load %arg12[%swap3A_984, %swap3A_985] {strides = array<i32>} : memref<16x128xf32, #tpu.memory_space<vmem>>, vector<16xf32>,
    tpu.vector_store %arg12[%swap3A_984, %swap3A_985], %broadcast_in_dim3A_666 {strides = array<i32>} : memref<16x128xf32, #tpu.memory_space<vmem>>, vector<16xf32>,
    %swap3A_987 = arith.constant 10 : i32
    %swap3A_988 = arith.index_cast %swap3A_987 : i32 to index
    %swap3A_989 = arith.constant 0 : index
    %swap3A_990 = tpu.vector_load %arg12[%swap3A_988, %swap3A_989] {strides = array<i32>} : memref<16x128xf32, #tpu.memory_space<vmem>>, vector<16xf32>,
    tpu.vector_store %arg12[%swap3A_988, %swap3A_989], %broadcast_in_dim3A_666 {strides = array<i32>} : memref<16x128xf32, #tpu.memory_space<vmem>>, vector<16xf32>,
    %swap3A_991 = arith.constant 10 : i32
    %swap3A_992 = arith.index_cast %swap3A_991 : i32 to index
    %swap3A_993 = arith.constant 16 : index
    %swap3A_994 = tpu.vector_load %arg12[%swap3A_992, %swap3A_993] {strides = array<i32>} : memref<16x128xf32, #tpu.memory_space<vmem>>, vector<16xf32>,
    tpu.vector_store %arg12[%swap3A_992, %swap3A_993], %broadcast_in_dim3A_666 {strides = array<i32>} : memref<16x128xf32, #tpu.memory_space<vmem>>, vector<16xf32>,
    %swap3A_995 = arith.constant 10 : i32
    %swap3A_996 = arith.index_cast %swap3A_995 : i32 to index
    %swap3A_997 = arith.constant 32 : index
    %swap3A_998 = tpu.vector_load %arg12[%swap3A_996, %swap3A_997] {strides = array<i32>} : memref<16x128xf32, #tpu.memory_space<vmem>>, vector<16xf32>,
    tpu.vector_store %arg12[%swap3A_996, %swap3A_997], %broadcast_in_dim3A_666 {strides = array<i32>} : memref<16x128xf32, #tpu.memory_space<vmem>>, vector<16xf32>,
    %swap3A_999 = arith.constant 10 : i32
    %swap3A_1000 = arith.index_cast %swap3A_999 : i32 to index
    %swap3A_1001 = arith.constant 48 : index
    %swap3A_1002 = tpu.vector_load %arg12[%swap3A_1000, %swap3A_1001] {strides = array<i32>} : memref<16x128xf32, #tpu.memory_space<vmem>>, vector<16xf32>,
    tpu.vector_store %arg12[%swap3A_1000, %swap3A_1001], %broadcast_in_dim3A_666 {strides = array<i32>} : memref<16x128xf32, #tpu.memory_space<vmem>>, vector<16xf32>,
    %swap3A_1003 = arith.constant 10 : i32
    %swap3A_1004 = arith.index_cast %swap3A_1003 : i32 to index
    %swap3A_1005 = arith.constant 64 : index
    %swap3A_1006 = tpu.vector_load %arg12[%swap3A_1004, %swap3A_1005] {strides = array<i32>} : memref<16x128xf32, #tpu.memory_space<vmem>>, vector<16xf32>,
    tpu.vector_store %arg12[%swap3A_1004, %swap3A_1005], %broadcast_in_dim3A_666 {strides = array<i32>} : memref<16x128xf32, #tpu.memory_space<vmem>>, vector<16xf32>,
    %swap3A_1007 = arith.constant 10 : i32
    %swap3A_1008 = arith.index_cast %swap3A_1007 : i32 to index
    %swap3A_1009 = arith.constant 80 : index
    %swap3A_1010 = tpu.vector_load %arg12[%swap3A_1008, %swap3A_1009] {strides = array<i32>} : memref<16x128xf32, #tpu.memory_space<vmem>>, vector<16xf32>,
    tpu.vector_store %arg12[%swap3A_1008, %swap3A_1009], %broadcast_in_dim3A_666 {strides = array<i32>} : memref<16x128xf32, #tpu.memory_space<vmem>>, vector<16xf32>,
    %swap3A_1011 = arith.constant 10 : i32
    %swap3A_1012 = arith.index_cast %swap3A_1011 : i32 to index
    %swap3A_1013 = arith.constant 96 : index
    %swap3A_1014 = tpu.vector_load %arg12[%swap3A_1012, %swap3A_1013] {strides = array<i32>} : memref<16x128xf32, #tpu.memory_space<vmem>>, vector<16xf32>,
    tpu.vector_store %arg12[%swap3A_1012, %swap3A_1013], %broadcast_in_dim3A_666 {strides = array<i32>} : memref<16x128xf32, #tpu.memory_space<vmem>>, vector<16xf32>,
    %swap3A_1015 = arith.constant 10 : i32
    %swap3A_1016 = arith.index_cast %swap3A_1015 : i32 to index
    %swap3A_1017 = arith.constant 112 : index
    %swap3A_1018 = tpu.vector_load %arg12[%swap3A_1016, %swap3A_1017] {strides = array<i32>} : memref<16x128xf32, #tpu.memory_space<vmem>>, vector<16xf32>,
    tpu.vector_store %arg12[%swap3A_1016, %swap3A_1017], %broadcast_in_dim3A_666 {strides = array<i32>} : memref<16x128xf32, #tpu.memory_space<vmem>>, vector<16xf32>,
    %swap3A_1019 = arith.constant 11 : i32
    %swap3A_1020 = arith.index_cast %swap3A_1019 : i32 to index
    %swap3A_1021 = arith.constant 0 : index
    %swap3A_1022 = tpu.vector_load %arg12[%swap3A_1020, %swap3A_1021] {strides = array<i32>} : memref<16x128xf32, #tpu.memory_space<vmem>>, vector<16xf32>,
    tpu.vector_store %arg12[%swap3A_1020, %swap3A_1021], %broadcast_in_dim3A_666 {strides = array<i32>} : memref<16x128xf32, #tpu.memory_space<vmem>>, vector<16xf32>,
    %swap3A_1023 = arith.constant 11 : i32
    %swap3A_1024 = arith.index_cast %swap3A_1023 : i32 to index
    %swap3A_1025 = arith.constant 16 : index
    %swap3A_1026 = tpu.vector_load %arg12[%swap3A_1024, %swap3A_1025] {strides = array<i32>} : memref<16x128xf32, #tpu.memory_space<vmem>>, vector<16xf32>,
    tpu.vector_store %arg12[%swap3A_1024, %swap3A_1025], %broadcast_in_dim3A_666 {strides = array<i32>} : memref<16x128xf32, #tpu.memory_space<vmem>>, vector<16xf32>,
    %swap3A_1027 = arith.constant 11 : i32
    %swap3A_1028 = arith.index_cast %swap3A_1027 : i32 to index
    %swap3A_1029 = arith.constant 32 : index
    %swap3A_1030 = tpu.vector_load %arg12[%swap3A_1028, %swap3A_1029] {strides = array<i32>} : memref<16x128xf32, #tpu.memory_space<vmem>>, vector<16xf32>,
    tpu.vector_store %arg12[%swap3A_1028, %swap3A_1029], %broadcast_in_dim3A_666 {strides = array<i32>} : memref<16x128xf32, #tpu.memory_space<vmem>>, vector<16xf32>,
    %swap3A_1031 = arith.constant 11 : i32
    %swap3A_1032 = arith.index_cast %swap3A_1031 : i32 to index
    %swap3A_1033 = arith.constant 48 : index
    %swap3A_1034 = tpu.vector_load %arg12[%swap3A_1032, %swap3A_1033] {strides = array<i32>} : memref<16x128xf32, #tpu.memory_space<vmem>>, vector<16xf32>,
    tpu.vector_store %arg12[%swap3A_1032, %swap3A_1033], %broadcast_in_dim3A_666 {strides = array<i32>} : memref<16x128xf32, #tpu.memory_space<vmem>>, vector<16xf32>,
    %swap3A_1035 = arith.constant 11 : i32
    %swap3A_1036 = arith.index_cast %swap3A_1035 : i32 to index
    %swap3A_1037 = arith.constant 64 : index
    %swap3A_1038 = tpu.vector_load %arg12[%swap3A_1036, %swap3A_1037] {strides = array<i32>} : memref<16x128xf32, #tpu.memory_space<vmem>>, vector<16xf32>,
    tpu.vector_store %arg12[%swap3A_1036, %swap3A_1037], %broadcast_in_dim3A_666 {strides = array<i32>} : memref<16x128xf32, #tpu.memory_space<vmem>>, vector<16xf32>,
    %swap3A_1039 = arith.constant 11 : i32
    %swap3A_1040 = arith.index_cast %swap3A_1039 : i32 to index
    %swap3A_1041 = arith.constant 80 : index
    %swap3A_1042 = tpu.vector_load %arg12[%swap3A_1040, %swap3A_1041] {strides = array<i32>} : memref<16x128xf32, #tpu.memory_space<vmem>>, vector<16xf32>,
    tpu.vector_store %arg12[%swap3A_1040, %swap3A_1041], %broadcast_in_dim3A_666 {strides = array<i32>} : memref<16x128xf32, #tpu.memory_space<vmem>>, vector<16xf32>,
    %swap3A_1043 = arith.constant 11 : i32
    %swap3A_1044 = arith.index_cast %swap3A_1043 : i32 to index
    %swap3A_1045 = arith.constant 96 : index
    %swap3A_1046 = tpu.vector_load %arg12[%swap3A_1044, %swap3A_1045] {strides = array<i32>} : memref<16x128xf32, #tpu.memory_space<vmem>>, vector<16xf32>,
    tpu.vector_store %arg12[%swap3A_1044, %swap3A_1045], %broadcast_in_dim3A_666 {strides = array<i32>} : memref<16x128xf32, #tpu.memory_space<vmem>>, vector<16xf32>,
    %swap3A_1047 = arith.constant 11 : i32
    %swap3A_1048 = arith.index_cast %swap3A_1047 : i32 to index
    %swap3A_1049 = arith.constant 112 : index
    %swap3A_1050 = tpu.vector_load %arg12[%swap3A_1048, %swap3A_1049] {strides = array<i32>} : memref<16x128xf32, #tpu.memory_space<vmem>>, vector<16xf32>,
    tpu.vector_store %arg12[%swap3A_1048, %swap3A_1049], %broadcast_in_dim3A_666 {strides = array<i32>} : memref<16x128xf32, #tpu.memory_space<vmem>>, vector<16xf32>,
    %swap3A_1051 = arith.constant 12 : i32
    %swap3A_1052 = arith.index_cast %swap3A_1051 : i32 to index
    %swap3A_1053 = arith.constant 0 : index
    %swap3A_1054 = tpu.vector_load %arg12[%swap3A_1052, %swap3A_1053] {strides = array<i32>} : memref<16x128xf32, #tpu.memory_space<vmem>>, vector<16xf32>,
    tpu.vector_store %arg12[%swap3A_1052, %swap3A_1053], %broadcast_in_dim3A_666 {strides = array<i32>} : memref<16x128xf32, #tpu.memory_space<vmem>>, vector<16xf32>,
    %swap3A_1055 = arith.constant 12 : i32
    %swap3A_1056 = arith.index_cast %swap3A_1055 : i32 to index
    %swap3A_1057 = arith.constant 16 : index
    %swap3A_1058 = tpu.vector_load %arg12[%swap3A_1056, %swap3A_1057] {strides = array<i32>} : memref<16x128xf32, #tpu.memory_space<vmem>>, vector<16xf32>,
    tpu.vector_store %arg12[%swap3A_1056, %swap3A_1057], %broadcast_in_dim3A_666 {strides = array<i32>} : memref<16x128xf32, #tpu.memory_space<vmem>>, vector<16xf32>,
    %swap3A_1059 = arith.constant 12 : i32
    %swap3A_1060 = arith.index_cast %swap3A_1059 : i32 to index
    %swap3A_1061 = arith.constant 32 : index
    %swap3A_1062 = tpu.vector_load %arg12[%swap3A_1060, %swap3A_1061] {strides = array<i32>} : memref<16x128xf32, #tpu.memory_space<vmem>>, vector<16xf32>,
    tpu.vector_store %arg12[%swap3A_1060, %swap3A_1061], %broadcast_in_dim3A_666 {strides = array<i32>} : memref<16x128xf32, #tpu.memory_space<vmem>>, vector<16xf32>,
    %swap3A_1063 = arith.constant 12 : i32
    %swap3A_1064 = arith.index_cast %swap3A_1063 : i32 to index
    %swap3A_1065 = arith.constant 48 : index
    %swap3A_1066 = tpu.vector_load %arg12[%swap3A_1064, %swap3A_1065] {strides = array<i32>} : memref<16x128xf32, #tpu.memory_space<vmem>>, vector<16xf32>,
    tpu.vector_store %arg12[%swap3A_1064, %swap3A_1065], %broadcast_in_dim3A_666 {strides = array<i32>} : memref<16x128xf32, #tpu.memory_space<vmem>>, vector<16xf32>,
    %swap3A_1067 = arith.constant 12 : i32
    %swap3A_1068 = arith.index_cast %swap3A_1067 : i32 to index
    %swap3A_1069 = arith.constant 64 : index
    %swap3A_1070 = tpu.vector_load %arg12[%swap3A_1068, %swap3A_1069] {strides = array<i32>} : memref<16x128xf32, #tpu.memory_space<vmem>>, vector<16xf32>,
    tpu.vector_store %arg12[%swap3A_1068, %swap3A_1069], %broadcast_in_dim3A_666 {strides = array<i32>} : memref<16x128xf32, #tpu.memory_space<vmem>>, vector<16xf32>,
    %swap3A_1071 = arith.constant 12 : i32
    %swap3A_1072 = arith.index_cast %swap3A_1071 : i32 to index
    %swap3A_1073 = arith.constant 80 : index
    %swap3A_1074 = tpu.vector_load %arg12[%swap3A_1072, %swap3A_1073] {strides = array<i32>} : memref<16x128xf32, #tpu.memory_space<vmem>>, vector<16xf32>,
    tpu.vector_store %arg12[%swap3A_1072, %swap3A_1073], %broadcast_in_dim3A_666 {strides = array<i32>} : memref<16x128xf32, #tpu.memory_space<vmem>>, vector<16xf32>,
    %swap3A_1075 = arith.constant 12 : i32
    %swap3A_1076 = arith.index_cast %swap3A_1075 : i32 to index
    %swap3A_1077 = arith.constant 96 : index
    %swap3A_1078 = tpu.vector_load %arg12[%swap3A_1076, %swap3A_1077] {strides = array<i32>} : memref<16x128xf32, #tpu.memory_space<vmem>>, vector<16xf32>,
    tpu.vector_store %arg12[%swap3A_1076, %swap3A_1077], %broadcast_in_dim3A_666 {strides = array<i32>} : memref<16x128xf32, #tpu.memory_space<vmem>>, vector<16xf32>,
    %swap3A_1079 = arith.constant 12 : i32
    %swap3A_1080 = arith.index_cast %swap3A_1079 : i32 to index
    %swap3A_1081 = arith.constant 112 : index
    %swap3A_1082 = tpu.vector_load %arg12[%swap3A_1080, %swap3A_1081] {strides = array<i32>} : memref<16x128xf32, #tpu.memory_space<vmem>>, vector<16xf32>,
    tpu.vector_store %arg12[%swap3A_1080, %swap3A_1081], %broadcast_in_dim3A_666 {strides = array<i32>} : memref<16x128xf32, #tpu.memory_space<vmem>>, vector<16xf32>,
    %swap3A_1083 = arith.constant 13 : i32
    %swap3A_1084 = arith.index_cast %swap3A_1083 : i32 to index
    %swap3A_1085 = arith.constant 0 : index
    %swap3A_1086 = tpu.vector_load %arg12[%swap3A_1084, %swap3A_1085] {strides = array<i32>} : memref<16x128xf32, #tpu.memory_space<vmem>>, vector<16xf32>,
    tpu.vector_store %arg12[%swap3A_1084, %swap3A_1085], %broadcast_in_dim3A_666 {strides = array<i32>} : memref<16x128xf32, #tpu.memory_space<vmem>>, vector<16xf32>,
    %swap3A_1087 = arith.constant 13 : i32
    %swap3A_1088 = arith.index_cast %swap3A_1087 : i32 to index
    %swap3A_1089 = arith.constant 16 : index
    %swap3A_1090 = tpu.vector_load %arg12[%swap3A_1088, %swap3A_1089] {strides = array<i32>} : memref<16x128xf32, #tpu.memory_space<vmem>>, vector<16xf32>,
    tpu.vector_store %arg12[%swap3A_1088, %swap3A_1089], %broadcast_in_dim3A_666 {strides = array<i32>} : memref<16x128xf32, #tpu.memory_space<vmem>>, vector<16xf32>,
    %swap3A_1091 = arith.constant 13 : i32
    %swap3A_1092 = arith.index_cast %swap3A_1091 : i32 to index
    %swap3A_1093 = arith.constant 32 : index
    %swap3A_1094 = tpu.vector_load %arg12[%swap3A_1092, %swap3A_1093] {strides = array<i32>} : memref<16x128xf32, #tpu.memory_space<vmem>>, vector<16xf32>,
    tpu.vector_store %arg12[%swap3A_1092, %swap3A_1093], %broadcast_in_dim3A_666 {strides = array<i32>} : memref<16x128xf32, #tpu.memory_space<vmem>>, vector<16xf32>,
    %swap3A_1095 = arith.constant 13 : i32
    %swap3A_1096 = arith.index_cast %swap3A_1095 : i32 to index
    %swap3A_1097 = arith.constant 48 : index
    %swap3A_1098 = tpu.vector_load %arg12[%swap3A_1096, %swap3A_1097] {strides = array<i32>} : memref<16x128xf32, #tpu.memory_space<vmem>>, vector<16xf32>,
    tpu.vector_store %arg12[%swap3A_1096, %swap3A_1097], %broadcast_in_dim3A_666 {strides = array<i32>} : memref<16x128xf32, #tpu.memory_space<vmem>>, vector<16xf32>,
    %swap3A_1099 = arith.constant 13 : i32
    %swap3A_1100 = arith.index_cast %swap3A_1099 : i32 to index
    %swap3A_1101 = arith.constant 64 : index
    %swap3A_1102 = tpu.vector_load %arg12[%swap3A_1100, %swap3A_1101] {strides = array<i32>} : memref<16x128xf32, #tpu.memory_space<vmem>>, vector<16xf32>,
    tpu.vector_store %arg12[%swap3A_1100, %swap3A_1101], %broadcast_in_dim3A_666 {strides = array<i32>} : memref<16x128xf32, #tpu.memory_space<vmem>>, vector<16xf32>,
    %swap3A_1103 = arith.constant 13 : i32
    %swap3A_1104 = arith.index_cast %swap3A_1103 : i32 to index
    %swap3A_1105 = arith.constant 80 : index
    %swap3A_1106 = tpu.vector_load %arg12[%swap3A_1104, %swap3A_1105] {strides = array<i32>} : memref<16x128xf32, #tpu.memory_space<vmem>>, vector<16xf32>,
    tpu.vector_store %arg12[%swap3A_1104, %swap3A_1105], %broadcast_in_dim3A_666 {strides = array<i32>} : memref<16x128xf32, #tpu.memory_space<vmem>>, vector<16xf32>,
    %swap3A_1107 = arith.constant 13 : i32
    %swap3A_1108 = arith.index_cast %swap3A_1107 : i32 to index
    %swap3A_1109 = arith.constant 96 : index
    %swap3A_1110 = tpu.vector_load %arg12[%swap3A_1108, %swap3A_1109] {strides = array<i32>} : memref<16x128xf32, #tpu.memory_space<vmem>>, vector<16xf32>,
    tpu.vector_store %arg12[%swap3A_1108, %swap3A_1109], %broadcast_in_dim3A_666 {strides = array<i32>} : memref<16x128xf32, #tpu.memory_space<vmem>>, vector<16xf32>,
    %swap3A_1111 = arith.constant 13 : i32
    %swap3A_1112 = arith.index_cast %swap3A_1111 : i32 to index
    %swap3A_1113 = arith.constant 112 : index
    %swap3A_1114 = tpu.vector_load %arg12[%swap3A_1112, %swap3A_1113] {strides = array<i32>} : memref<16x128xf32, #tpu.memory_space<vmem>>, vector<16xf32>,
    tpu.vector_store %arg12[%swap3A_1112, %swap3A_1113], %broadcast_in_dim3A_666 {strides = array<i32>} : memref<16x128xf32, #tpu.memory_space<vmem>>, vector<16xf32>,
    %swap3A_1115 = arith.constant 14 : i32
    %swap3A_1116 = arith.index_cast %swap3A_1115 : i32 to index
    %swap3A_1117 = arith.constant 0 : index
    %swap3A_1118 = tpu.vector_load %arg12[%swap3A_1116, %swap3A_1117] {strides = array<i32>} : memref<16x128xf32, #tpu.memory_space<vmem>>, vector<16xf32>,
    tpu.vector_store %arg12[%swap3A_1116, %swap3A_1117], %broadcast_in_dim3A_666 {strides = array<i32>} : memref<16x128xf32, #tpu.memory_space<vmem>>, vector<16xf32>,
    %swap3A_1119 = arith.constant 14 : i32
    %swap3A_1120 = arith.index_cast %swap3A_1119 : i32 to index
    %swap3A_1121 = arith.constant 16 : index
    %swap3A_1122 = tpu.vector_load %arg12[%swap3A_1120, %swap3A_1121] {strides = array<i32>} : memref<16x128xf32, #tpu.memory_space<vmem>>, vector<16xf32>,
    tpu.vector_store %arg12[%swap3A_1120, %swap3A_1121], %broadcast_in_dim3A_666 {strides = array<i32>} : memref<16x128xf32, #tpu.memory_space<vmem>>, vector<16xf32>,
    %swap3A_1123 = arith.constant 14 : i32
    %swap3A_1124 = arith.index_cast %swap3A_1123 : i32 to index
    %swap3A_1125 = arith.constant 32 : index
    %swap3A_1126 = tpu.vector_load %arg12[%swap3A_1124, %swap3A_1125] {strides = array<i32>} : memref<16x128xf32, #tpu.memory_space<vmem>>, vector<16xf32>,
    tpu.vector_store %arg12[%swap3A_1124, %swap3A_1125], %broadcast_in_dim3A_666 {strides = array<i32>} : memref<16x128xf32, #tpu.memory_space<vmem>>, vector<16xf32>,
    %swap3A_1127 = arith.constant 14 : i32
    %swap3A_1128 = arith.index_cast %swap3A_1127 : i32 to index
    %swap3A_1129 = arith.constant 48 : index
    %swap3A_1130 = tpu.vector_load %arg12[%swap3A_1128, %swap3A_1129] {strides = array<i32>} : memref<16x128xf32, #tpu.memory_space<vmem>>, vector<16xf32>,
    tpu.vector_store %arg12[%swap3A_1128, %swap3A_1129], %broadcast_in_dim3A_666 {strides = array<i32>} : memref<16x128xf32, #tpu.memory_space<vmem>>, vector<16xf32>,
    %swap3A_1131 = arith.constant 14 : i32
    %swap3A_1132 = arith.index_cast %swap3A_1131 : i32 to index
    %swap3A_1133 = arith.constant 64 : index
    %swap3A_1134 = tpu.vector_load %arg12[%swap3A_1132, %swap3A_1133] {strides = array<i32>} : memref<16x128xf32, #tpu.memory_space<vmem>>, vector<16xf32>,
    tpu.vector_store %arg12[%swap3A_1132, %swap3A_1133], %broadcast_in_dim3A_666 {strides = array<i32>} : memref<16x128xf32, #tpu.memory_space<vmem>>, vector<16xf32>,
    %swap3A_1135 = arith.constant 14 : i32
    %swap3A_1136 = arith.index_cast %swap3A_1135 : i32 to index
    %swap3A_1137 = arith.constant 80 : index
    %swap3A_1138 = tpu.vector_load %arg12[%swap3A_1136, %swap3A_1137] {strides = array<i32>} : memref<16x128xf32, #tpu.memory_space<vmem>>, vector<16xf32>,
    tpu.vector_store %arg12[%swap3A_1136, %swap3A_1137], %broadcast_in_dim3A_666 {strides = array<i32>} : memref<16x128xf32, #tpu.memory_space<vmem>>, vector<16xf32>,
    %swap3A_1139 = arith.constant 14 : i32
    %swap3A_1140 = arith.index_cast %swap3A_1139 : i32 to index
    %swap3A_1141 = arith.constant 96 : index
    %swap3A_1142 = tpu.vector_load %arg12[%swap3A_1140, %swap3A_1141] {strides = array<i32>} : memref<16x128xf32, #tpu.memory_space<vmem>>, vector<16xf32>,
    tpu.vector_store %arg12[%swap3A_1140, %swap3A_1141], %broadcast_in_dim3A_666 {strides = array<i32>} : memref<16x128xf32, #tpu.memory_space<vmem>>, vector<16xf32>,
    %swap3A_1143 = arith.constant 14 : i32
    %swap3A_1144 = arith.index_cast %swap3A_1143 : i32 to index
    %swap3A_1145 = arith.constant 112 : index
    %swap3A_1146 = tpu.vector_load %arg12[%swap3A_1144, %swap3A_1145] {strides = array<i32>} : memref<16x128xf32, #tpu.memory_space<vmem>>, vector<16xf32>,
    tpu.vector_store %arg12[%swap3A_1144, %swap3A_1145], %broadcast_in_dim3A_666 {strides = array<i32>} : memref<16x128xf32, #tpu.memory_space<vmem>>, vector<16xf32>,
    %swap3A_1147 = arith.constant 15 : i32
    %swap3A_1148 = arith.index_cast %swap3A_1147 : i32 to index
    %swap3A_1149 = arith.constant 0 : index
    %swap3A_1150 = tpu.vector_load %arg12[%swap3A_1148, %swap3A_1149] {strides = array<i32>} : memref<16x128xf32, #tpu.memory_space<vmem>>, vector<16xf32>,
    tpu.vector_store %arg12[%swap3A_1148, %swap3A_1149], %broadcast_in_dim3A_666 {strides = array<i32>} : memref<16x128xf32, #tpu.memory_space<vmem>>, vector<16xf32>,
    %swap3A_1151 = arith.constant 15 : i32
    %swap3A_1152 = arith.index_cast %swap3A_1151 : i32 to index
    %swap3A_1153 = arith.constant 16 : index
    %swap3A_1154 = tpu.vector_load %arg12[%swap3A_1152, %swap3A_1153] {strides = array<i32>} : memref<16x128xf32, #tpu.memory_space<vmem>>, vector<16xf32>,
    tpu.vector_store %arg12[%swap3A_1152, %swap3A_1153], %broadcast_in_dim3A_666 {strides = array<i32>} : memref<16x128xf32, #tpu.memory_space<vmem>>, vector<16xf32>,
    %swap3A_1155 = arith.constant 15 : i32
    %swap3A_1156 = arith.index_cast %swap3A_1155 : i32 to index
    %swap3A_1157 = arith.constant 32 : index
    %swap3A_1158 = tpu.vector_load %arg12[%swap3A_1156, %swap3A_1157] {strides = array<i32>} : memref<16x128xf32, #tpu.memory_space<vmem>>, vector<16xf32>,
    tpu.vector_store %arg12[%swap3A_1156, %swap3A_1157], %broadcast_in_dim3A_666 {strides = array<i32>} : memref<16x128xf32, #tpu.memory_space<vmem>>, vector<16xf32>,
    %swap3A_1159 = arith.constant 15 : i32
    %swap3A_1160 = arith.index_cast %swap3A_1159 : i32 to index
    %swap3A_1161 = arith.constant 48 : index
    %swap3A_1162 = tpu.vector_load %arg12[%swap3A_1160, %swap3A_1161] {strides = array<i32>} : memref<16x128xf32, #tpu.memory_space<vmem>>, vector<16xf32>,
    tpu.vector_store %arg12[%swap3A_1160, %swap3A_1161], %broadcast_in_dim3A_666 {strides = array<i32>} : memref<16x128xf32, #tpu.memory_space<vmem>>, vector<16xf32>,
    %swap3A_1163 = arith.constant 15 : i32
    %swap3A_1164 = arith.index_cast %swap3A_1163 : i32 to index
    %swap3A_1165 = arith.constant 64 : index
    %swap3A_1166 = tpu.vector_load %arg12[%swap3A_1164, %swap3A_1165] {strides = array<i32>} : memref<16x128xf32, #tpu.memory_space<vmem>>, vector<16xf32>,
    tpu.vector_store %arg12[%swap3A_1164, %swap3A_1165], %broadcast_in_dim3A_666 {strides = array<i32>} : memref<16x128xf32, #tpu.memory_space<vmem>>, vector<16xf32>,
    %swap3A_1167 = arith.constant 15 : i32
    %swap3A_1168 = arith.index_cast %swap3A_1167 : i32 to index
    %swap3A_1169 = arith.constant 80 : index
    %swap3A_1170 = tpu.vector_load %arg12[%swap3A_1168, %swap3A_1169] {strides = array<i32>} : memref<16x128xf32, #tpu.memory_space<vmem>>, vector<16xf32>,
    tpu.vector_store %arg12[%swap3A_1168, %swap3A_1169], %broadcast_in_dim3A_666 {strides = array<i32>} : memref<16x128xf32, #tpu.memory_space<vmem>>, vector<16xf32>,
    %swap3A_1171 = arith.constant 15 : i32
    %swap3A_1172 = arith.index_cast %swap3A_1171 : i32 to index
    %swap3A_1173 = arith.constant 96 : index
    %swap3A_1174 = tpu.vector_load %arg12[%swap3A_1172, %swap3A_1173] {strides = array<i32>} : memref<16x128xf32, #tpu.memory_space<vmem>>, vector<16xf32>,
    tpu.vector_store %arg12[%swap3A_1172, %swap3A_1173], %broadcast_in_dim3A_666 {strides = array<i32>} : memref<16x128xf32, #tpu.memory_space<vmem>>, vector<16xf32>,
    %swap3A_1175 = arith.constant 15 : i32
    %swap3A_1176 = arith.index_cast %swap3A_1175 : i32 to index
    %swap3A_1177 = arith.constant 112 : index
    %swap3A_1178 = tpu.vector_load %arg12[%swap3A_1176, %swap3A_1177] {strides = array<i32>} : memref<16x128xf32, #tpu.memory_space<vmem>>, vector<16xf32>,
    tpu.vector_store %arg12[%swap3A_1176, %swap3A_1177], %broadcast_in_dim3A_666 {strides = array<i32>} : memref<16x128xf32, #tpu.memory_space<vmem>>, vector<16xf32>,
    %mul3A_1179 = arith.constant 16 : i32
    %mul3A_1180 = arith.muli %arg1, %mul3A_1179 : i32
    "tpu.region"() ({
      %run_scoped3A = tpu.sem_alloc : memref<!tpu.dma_semaphore, #tpu.memory_space<semaphore_mem>>
      %dma_start3A_1578 = arith.constant 0 : i32
      %dma_start3A_1579 = tpu.memref_slice %arg13[%mul3A_1180, %dma_start3A_1578] : memref<256x128xf32, #tpu.memory_space<vmem_shared>> -> memref<16x128xf32, #tpu.memory_space<vmem_shared>>
      %dma_start3A_1580 = arith.constant 0 : i32
      %dma_start3A_1581 = tpu.memref_slice %arg13[%mul3A_1180, %dma_start3A_1580] : memref<256x128xf32, #tpu.memory_space<vmem_shared>> -> memref<16x128xf32, #tpu.memory_space<vmem_shared>>
      tpu.enqueue_dma source(%arg12 : memref<16x128xf32, #tpu.memory_space<vmem>>) target(%dma_start3A_1581 : memref<16x128xf32, #tpu.memory_space<vmem_shared>>) target_semaphore(%run_scoped3A : memref<!tpu.dma_semaphore, #tpu.memory_space<semaphore_mem>>)
      %dma_wait3A_1582 = arith.constant 0 : i32
      %dma_wait3A_1583 = tpu.memref_slice %arg13[%mul3A_1180, %dma_wait3A_1582] : memref<256x128xf32, #tpu.memory_space<vmem_shared>> -> memref<16x128xf32, #tpu.memory_space<vmem_shared>>
      %dma_wait3A_1584 = arith.constant 0 : i32
      %dma_wait3A_1585 = tpu.memref_slice %arg13[%mul3A_1180, %dma_wait3A_1584] : memref<256x128xf32, #tpu.memory_space<vmem_shared>> -> memref<16x128xf32, #tpu.memory_space<vmem_shared>>
      tpu.wait_dma2 semaphore(%run_scoped3A : memref<!tpu.dma_semaphore, #tpu.memory_space<semaphore_mem>>) src(%arg12 : memref<16x128xf32, #tpu.memory_space<vmem>>) dst(%dma_wait3A_1585 : memref<16x128xf32, #tpu.memory_space<vmem_shared>>)
      tpu.yield
    }) : () -> ()
    %mul3A_1181 = arith.constant 16 : i32
    %mul3A_1182 = arith.muli %arg1, %mul3A_1181 : i32
    "tpu.region"() ({
      %run_scoped3A = tpu.sem_alloc : memref<!tpu.dma_semaphore, #tpu.memory_space<semaphore_mem>>
      %dma_start3A_1578 = arith.constant 0 : i32
      %dma_start3A_1579 = tpu.memref_slice %arg14[%mul3A_1182, %dma_start3A_1578] : memref<256x128xf32, #tpu.memory_space<vmem_shared>> -> memref<16x128xf32, #tpu.memory_space<vmem_shared>>
      %dma_start3A_1580 = arith.constant 0 : i32
      %dma_start3A_1581 = tpu.memref_slice %arg14[%mul3A_1182, %dma_start3A_1580] : memref<256x128xf32, #tpu.memory_space<vmem_shared>> -> memref<16x128xf32, #tpu.memory_space<vmem_shared>>
      tpu.enqueue_dma source(%arg12 : memref<16x128xf32, #tpu.memory_space<vmem>>) target(%dma_start3A_1581 : memref<16x128xf32, #tpu.memory_space<vmem_shared>>) target_semaphore(%run_scoped3A : memref<!tpu.dma_semaphore, #tpu.memory_space<semaphore_mem>>)
      %dma_wait3A_1582 = arith.constant 0 : i32
      %dma_wait3A_1583 = tpu.memref_slice %arg14[%mul3A_1182, %dma_wait3A_1582] : memref<256x128xf32, #tpu.memory_space<vmem_shared>> -> memref<16x128xf32, #tpu.memory_space<vmem_shared>>
      %dma_wait3A_1584 = arith.constant 0 : i32
      %dma_wait3A_1585 = tpu.memref_slice %arg14[%mul3A_1182, %dma_wait3A_1584] : memref<256x128xf32, #tpu.memory_space<vmem_shared>> -> memref<16x128xf32, #tpu.memory_space<vmem_shared>>
      tpu.wait_dma2 semaphore(%run_scoped3A : memref<!tpu.dma_semaphore, #tpu.memory_space<semaphore_mem>>) src(%arg12 : memref<16x128xf32, #tpu.memory_space<vmem>>) dst(%dma_wait3A_1585 : memref<16x128xf32, #tpu.memory_space<vmem_shared>>)
      tpu.yield
    }) : () -> ()
    %add3A_1183 = arith.constant 0 : i32
    %add3A_1184 = arith.addi %mul3A_2, %add3A_1183 : i32
    %dma_wait3A = arith.constant 0 : i32
    %dma_wait3A_1185 = tpu.memref_slice %arg2[%add3A_1184, %dma_wait3A] : memref<32768x512xf32, #tpu.memory_space<hbm>> -> memref<128x128xf32, #tpu.memory_space<hbm>>
    %dma_wait3A_1186 = arith.constant 0 : i32
    %dma_wait3A_1187 = tpu.memref_slice %arg2[%add3A_1184, %dma_wait3A_1186] : memref<32768x512xf32, #tpu.memory_space<hbm>> -> memref<128x128xf32, #tpu.memory_space<hbm>>
    tpu.wait_dma2 semaphore(%arg15 : memref<!tpu.dma_semaphore, #tpu.memory_space<semaphore_mem>>) src(%dma_wait3A_1187 : memref<128x128xf32, #tpu.memory_space<hbm>>) dst(%arg7 : memref<128x128xf32, #tpu.memory_space<vmem>>)
    %dma_start3A_1188 = arith.constant 0 : i32
    %dma_start3A_1189 = arith.constant 0 : i32
    %dma_start3A_1190 = tpu.memref_slice %arg11[%dma_start3A_1188, %dma_start3A_1189] : memref<8x128xi32, #tpu.memory_space<vmem>> -> memref<1x128xi32, #tpu.memory_space<vmem>>
    %dma_start3A_1191 = tpu.memref_squeeze %dma_start3A_1190 : memref<1x128xi32, #tpu.memory_space<vmem>> -> memref<128xi32, #tpu.memory_space<vmem>>
    %dma_start3A_1192 = arith.constant 0 : i32
    %dma_start3A_1193 = arith.constant 0 : i32
    %dma_start3A_1194 = tpu.memref_slice %arg13[%dma_start3A_1192, %dma_start3A_1193] : memref<256x128xf32, #tpu.memory_space<vmem_shared>> -> memref<256x128xf32, #tpu.memory_space<vmem_shared>>
    tpu.enqueue_indirect_dma source(%arg7 : memref<128x128xf32, #tpu.memory_space<vmem>>) target(%dma_start3A_1194 : memref<256x128xf32, #tpu.memory_space<vmem_shared>>) offsets(%dma_start3A_1191 : memref<128xi32, #tpu.memory_space<vmem>>) semaphore(%arg19 : memref<!tpu.dma_semaphore, #tpu.memory_space<semaphore_mem>>) {add = true}
    %add3A_1195 = arith.constant 0 : i32
    %add3A_1196 = arith.addi %mul3A_2, %add3A_1195 : i32
    %dma_wait3A_1197 = arith.constant 0 : i32
    %dma_wait3A_1198 = tpu.memref_slice %arg3[%add3A_1196, %dma_wait3A_1197] : memref<32768x128xf32, #tpu.memory_space<hbm>> -> memref<128x128xf32, #tpu.memory_space<hbm>>
    %dma_wait3A_1199 = arith.constant 0 : i32
    %dma_wait3A_1200 = tpu.memref_slice %arg3[%add3A_1196, %dma_wait3A_1199] : memref<32768x128xf32, #tpu.memory_space<hbm>> -> memref<128x128xf32, #tpu.memory_space<hbm>>
    tpu.wait_dma2 semaphore(%arg17 : memref<!tpu.dma_semaphore, #tpu.memory_space<semaphore_mem>>) src(%dma_wait3A_1200 : memref<128x128xf32, #tpu.memory_space<hbm>>) dst(%arg9 : memref<128x128xf32, #tpu.memory_space<vmem>>)
    %dma_start3A_1201 = arith.constant 0 : i32
    %dma_start3A_1202 = arith.constant 0 : i32
    %dma_start3A_1203 = tpu.memref_slice %arg11[%dma_start3A_1201, %dma_start3A_1202] : memref<8x128xi32, #tpu.memory_space<vmem>> -> memref<1x128xi32, #tpu.memory_space<vmem>>
    %dma_start3A_1204 = tpu.memref_squeeze %dma_start3A_1203 : memref<1x128xi32, #tpu.memory_space<vmem>> -> memref<128xi32, #tpu.memory_space<vmem>>
    %dma_start3A_1205 = arith.constant 0 : i32
    %dma_start3A_1206 = arith.constant 0 : i32
    %dma_start3A_1207 = tpu.memref_slice %arg14[%dma_start3A_1205, %dma_start3A_1206] : memref<256x128xf32, #tpu.memory_space<vmem_shared>> -> memref<256x128xf32, #tpu.memory_space<vmem_shared>>
    tpu.enqueue_indirect_dma source(%arg9 : memref<128x128xf32, #tpu.memory_space<vmem>>) target(%dma_start3A_1207 : memref<256x128xf32, #tpu.memory_space<vmem_shared>>) offsets(%dma_start3A_1204 : memref<128xi32, #tpu.memory_space<vmem>>) semaphore(%arg21 : memref<!tpu.dma_semaphore, #tpu.memory_space<semaphore_mem>>) {add = true}
    %dma_wait3A_1208 = arith.constant 0 : i32
    %dma_wait3A_1209 = arith.constant 0 : i32
    %dma_wait3A_1210 = tpu.memref_slice %arg11[%dma_wait3A_1208, %dma_wait3A_1209] : memref<8x128xi32, #tpu.memory_space<vmem>> -> memref<1x128xi32, #tpu.memory_space<vmem>>
    %dma_wait3A_1211 = tpu.memref_squeeze %dma_wait3A_1210 : memref<1x128xi32, #tpu.memory_space<vmem>> -> memref<128xi32, #tpu.memory_space<vmem>>
    %dma_wait3A_1212 = arith.constant 0 : i32
    %dma_wait3A_1213 = arith.constant 0 : i32
    %dma_wait3A_1214 = tpu.memref_slice %arg13[%dma_wait3A_1212, %dma_wait3A_1213] : memref<256x128xf32, #tpu.memory_space<vmem_shared>> -> memref<256x128xf32, #tpu.memory_space<vmem_shared>>
    tpu.wait_indirect_dma semaphore(%arg19 : memref<!tpu.dma_semaphore, #tpu.memory_space<semaphore_mem>>) src(%arg7 : memref<128x128xf32, #tpu.memory_space<vmem>>) dst(%dma_wait3A_1214 : memref<256x128xf32, #tpu.memory_space<vmem_shared>>)
    %add3A_1215 = arith.constant 256 : i32
    %add3A_1216 = arith.addi %mul3A_2, %add3A_1215 : i32
    %dma_start3A_1217 = arith.constant 0 : i32
    %dma_start3A_1218 = tpu.memref_slice %arg2[%add3A_1216, %dma_start3A_1217] : memref<32768x512xf32, #tpu.memory_space<hbm>> -> memref<128x128xf32, #tpu.memory_space<hbm>>
    %dma_start3A_1219 = arith.constant 0 : i32
    %dma_start3A_1220 = tpu.memref_slice %arg2[%add3A_1216, %dma_start3A_1219] : memref<32768x512xf32, #tpu.memory_space<hbm>> -> memref<128x128xf32, #tpu.memory_space<hbm>>
    tpu.enqueue_dma source(%dma_start3A_1220 : memref<128x128xf32, #tpu.memory_space<hbm>>) target(%arg7 : memref<128x128xf32, #tpu.memory_space<vmem>>) target_semaphore(%arg15 : memref<!tpu.dma_semaphore, #tpu.memory_space<semaphore_mem>>)
    %dma_wait3A_1221 = arith.constant 0 : i32
    %dma_wait3A_1222 = arith.constant 0 : i32
    %dma_wait3A_1223 = tpu.memref_slice %arg11[%dma_wait3A_1221, %dma_wait3A_1222] : memref<8x128xi32, #tpu.memory_space<vmem>> -> memref<1x128xi32, #tpu.memory_space<vmem>>
    %dma_wait3A_1224 = tpu.memref_squeeze %dma_wait3A_1223 : memref<1x128xi32, #tpu.memory_space<vmem>> -> memref<128xi32, #tpu.memory_space<vmem>>
    %dma_wait3A_1225 = arith.constant 0 : i32
    %dma_wait3A_1226 = arith.constant 0 : i32
    %dma_wait3A_1227 = tpu.memref_slice %arg14[%dma_wait3A_1225, %dma_wait3A_1226] : memref<256x128xf32, #tpu.memory_space<vmem_shared>> -> memref<256x128xf32, #tpu.memory_space<vmem_shared>>
    tpu.wait_indirect_dma semaphore(%arg21 : memref<!tpu.dma_semaphore, #tpu.memory_space<semaphore_mem>>) src(%arg9 : memref<128x128xf32, #tpu.memory_space<vmem>>) dst(%dma_wait3A_1227 : memref<256x128xf32, #tpu.memory_space<vmem_shared>>)
    %add3A_1228 = arith.constant 256 : i32
    %add3A_1229 = arith.addi %mul3A_2, %add3A_1228 : i32
    %dma_start3A_1230 = arith.constant 0 : i32
    %dma_start3A_1231 = tpu.memref_slice %arg3[%add3A_1229, %dma_start3A_1230] : memref<32768x128xf32, #tpu.memory_space<hbm>> -> memref<128x128xf32, #tpu.memory_space<hbm>>
    %dma_start3A_1232 = arith.constant 0 : i32
    %dma_start3A_1233 = tpu.memref_slice %arg3[%add3A_1229, %dma_start3A_1232] : memref<32768x128xf32, #tpu.memory_space<hbm>> -> memref<128x128xf32, #tpu.memory_space<hbm>>
    tpu.enqueue_dma source(%dma_start3A_1233 : memref<128x128xf32, #tpu.memory_space<hbm>>) target(%arg9 : memref<128x128xf32, #tpu.memory_space<vmem>>) target_semaphore(%arg17 : memref<!tpu.dma_semaphore, #tpu.memory_space<semaphore_mem>>)
    %add3A_1234 = arith.constant 128 : i32
    %add3A_1235 = arith.addi %mul3A_2, %add3A_1234 : i32
    %dma_wait3A_1236 = arith.constant 0 : i32
    %dma_wait3A_1237 = tpu.memref_slice %arg2[%add3A_1235, %dma_wait3A_1236] : memref<32768x512xf32, #tpu.memory_space<hbm>> -> memref<128x128xf32, #tpu.memory_space<hbm>>
    %dma_wait3A_1238 = arith.constant 0 : i32
    %dma_wait3A_1239 = tpu.memref_slice %arg2[%add3A_1235, %dma_wait3A_1238] : memref<32768x512xf32, #tpu.memory_space<hbm>> -> memref<128x128xf32, #tpu.memory_space<hbm>>
    tpu.wait_dma2 semaphore(%arg16 : memref<!tpu.dma_semaphore, #tpu.memory_space<semaphore_mem>>) src(%dma_wait3A_1239 : memref<128x128xf32, #tpu.memory_space<hbm>>) dst(%arg8 : memref<128x128xf32, #tpu.memory_space<vmem>>)
    %dma_start3A_1240 = arith.constant 1 : i32
    %dma_start3A_1241 = arith.constant 0 : i32
    %dma_start3A_1242 = tpu.memref_slice %arg11[%dma_start3A_1240, %dma_start3A_1241] : memref<8x128xi32, #tpu.memory_space<vmem>> -> memref<1x128xi32, #tpu.memory_space<vmem>>
    %dma_start3A_1243 = tpu.memref_squeeze %dma_start3A_1242 : memref<1x128xi32, #tpu.memory_space<vmem>> -> memref<128xi32, #tpu.memory_space<vmem>>
    %dma_start3A_1244 = arith.constant 0 : i32
    %dma_start3A_1245 = arith.constant 0 : i32
    %dma_start3A_1246 = tpu.memref_slice %arg13[%dma_start3A_1244, %dma_start3A_1245] : memref<256x128xf32, #tpu.memory_space<vmem_shared>> -> memref<256x128xf32, #tpu.memory_space<vmem_shared>>
    tpu.enqueue_indirect_dma source(%arg8 : memref<128x128xf32, #tpu.memory_space<vmem>>) target(%dma_start3A_1246 : memref<256x128xf32, #tpu.memory_space<vmem_shared>>) offsets(%dma_start3A_1243 : memref<128xi32, #tpu.memory_space<vmem>>) semaphore(%arg20 : memref<!tpu.dma_semaphore, #tpu.memory_space<semaphore_mem>>) {add = true}
    %add3A_1247 = arith.constant 128 : i32
    %add3A_1248 = arith.addi %mul3A_2, %add3A_1247 : i32
    %dma_wait3A_1249 = arith.constant 0 : i32
    %dma_wait3A_1250 = tpu.memref_slice %arg3[%add3A_1248, %dma_wait3A_1249] : memref<32768x128xf32, #tpu.memory_space<hbm>> -> memref<128x128xf32, #tpu.memory_space<hbm>>
    %dma_wait3A_1251 = arith.constant 0 : i32
    %dma_wait3A_1252 = tpu.memref_slice %arg3[%add3A_1248, %dma_wait3A_1251] : memref<32768x128xf32, #tpu.memory_space<hbm>> -> memref<128x128xf32, #tpu.memory_space<hbm>>
    tpu.wait_dma2 semaphore(%arg18 : memref<!tpu.dma_semaphore, #tpu.memory_space<semaphore_mem>>) src(%dma_wait3A_1252 : memref<128x128xf32, #tpu.memory_space<hbm>>) dst(%arg10 : memref<128x128xf32, #tpu.memory_space<vmem>>)
    %dma_start3A_1253 = arith.constant 1 : i32
    %dma_start3A_1254 = arith.constant 0 : i32
    %dma_start3A_1255 = tpu.memref_slice %arg11[%dma_start3A_1253, %dma_start3A_1254] : memref<8x128xi32, #tpu.memory_space<vmem>> -> memref<1x128xi32, #tpu.memory_space<vmem>>
    %dma_start3A_1256 = tpu.memref_squeeze %dma_start3A_1255 : memref<1x128xi32, #tpu.memory_space<vmem>> -> memref<128xi32, #tpu.memory_space<vmem>>
    %dma_start3A_1257 = arith.constant 0 : i32
    %dma_start3A_1258 = arith.constant 0 : i32
    %dma_start3A_1259 = tpu.memref_slice %arg14[%dma_start3A_1257, %dma_start3A_1258] : memref<256x128xf32, #tpu.memory_space<vmem_shared>> -> memref<256x128xf32, #tpu.memory_space<vmem_shared>>
    tpu.enqueue_indirect_dma source(%arg10 : memref<128x128xf32, #tpu.memory_space<vmem>>) target(%dma_start3A_1259 : memref<256x128xf32, #tpu.memory_space<vmem_shared>>) offsets(%dma_start3A_1256 : memref<128xi32, #tpu.memory_space<vmem>>) semaphore(%arg22 : memref<!tpu.dma_semaphore, #tpu.memory_space<semaphore_mem>>) {add = true}
    %dma_wait3A_1260 = arith.constant 1 : i32
    %dma_wait3A_1261 = arith.constant 0 : i32
    %dma_wait3A_1262 = tpu.memref_slice %arg11[%dma_wait3A_1260, %dma_wait3A_1261] : memref<8x128xi32, #tpu.memory_space<vmem>> -> memref<1x128xi32, #tpu.memory_space<vmem>>
    %dma_wait3A_1263 = tpu.memref_squeeze %dma_wait3A_1262 : memref<1x128xi32, #tpu.memory_space<vmem>> -> memref<128xi32, #tpu.memory_space<vmem>>
    %dma_wait3A_1264 = arith.constant 0 : i32
    %dma_wait3A_1265 = arith.constant 0 : i32
    %dma_wait3A_1266 = tpu.memref_slice %arg13[%dma_wait3A_1264, %dma_wait3A_1265] : memref<256x128xf32, #tpu.memory_space<vmem_shared>> -> memref<256x128xf32, #tpu.memory_space<vmem_shared>>
    tpu.wait_indirect_dma semaphore(%arg20 : memref<!tpu.dma_semaphore, #tpu.memory_space<semaphore_mem>>) src(%arg8 : memref<128x128xf32, #tpu.memory_space<vmem>>) dst(%dma_wait3A_1266 : memref<256x128xf32, #tpu.memory_space<vmem_shared>>)
    %add3A_1267 = arith.constant 384 : i32
    %add3A_1268 = arith.addi %mul3A_2, %add3A_1267 : i32
    %dma_start3A_1269 = arith.constant 0 : i32
    %dma_start3A_1270 = tpu.memref_slice %arg2[%add3A_1268, %dma_start3A_1269] : memref<32768x512xf32, #tpu.memory_space<hbm>> -> memref<128x128xf32, #tpu.memory_space<hbm>>
    %dma_start3A_1271 = arith.constant 0 : i32
    %dma_start3A_1272 = tpu.memref_slice %arg2[%add3A_1268, %dma_start3A_1271] : memref<32768x512xf32, #tpu.memory_space<hbm>> -> memref<128x128xf32, #tpu.memory_space<hbm>>
    tpu.enqueue_dma source(%dma_start3A_1272 : memref<128x128xf32, #tpu.memory_space<hbm>>) target(%arg8 : memref<128x128xf32, #tpu.memory_space<vmem>>) target_semaphore(%arg16 : memref<!tpu.dma_semaphore, #tpu.memory_space<semaphore_mem>>)
    %dma_wait3A_1273 = arith.constant 1 : i32
    %dma_wait3A_1274 = arith.constant 0 : i32
    %dma_wait3A_1275 = tpu.memref_slice %arg11[%dma_wait3A_1273, %dma_wait3A_1274] : memref<8x128xi32, #tpu.memory_space<vmem>> -> memref<1x128xi32, #tpu.memory_space<vmem>>
    %dma_wait3A_1276 = tpu.memref_squeeze %dma_wait3A_1275 : memref<1x128xi32, #tpu.memory_space<vmem>> -> memref<128xi32, #tpu.memory_space<vmem>>
    %dma_wait3A_1277 = arith.constant 0 : i32
    %dma_wait3A_1278 = arith.constant 0 : i32
    %dma_wait3A_1279 = tpu.memref_slice %arg14[%dma_wait3A_1277, %dma_wait3A_1278] : memref<256x128xf32, #tpu.memory_space<vmem_shared>> -> memref<256x128xf32, #tpu.memory_space<vmem_shared>>
    tpu.wait_indirect_dma semaphore(%arg22 : memref<!tpu.dma_semaphore, #tpu.memory_space<semaphore_mem>>) src(%arg10 : memref<128x128xf32, #tpu.memory_space<vmem>>) dst(%dma_wait3A_1279 : memref<256x128xf32, #tpu.memory_space<vmem_shared>>)
    %add3A_1280 = arith.constant 384 : i32
    %add3A_1281 = arith.addi %mul3A_2, %add3A_1280 : i32
    %dma_start3A_1282 = arith.constant 0 : i32
    %dma_start3A_1283 = tpu.memref_slice %arg3[%add3A_1281, %dma_start3A_1282] : memref<32768x128xf32, #tpu.memory_space<hbm>> -> memref<128x128xf32, #tpu.memory_space<hbm>>
    %dma_start3A_1284 = arith.constant 0 : i32
    %dma_start3A_1285 = tpu.memref_slice %arg3[%add3A_1281, %dma_start3A_1284] : memref<32768x128xf32, #tpu.memory_space<hbm>> -> memref<128x128xf32, #tpu.memory_space<hbm>>
    tpu.enqueue_dma source(%dma_start3A_1285 : memref<128x128xf32, #tpu.memory_space<hbm>>) target(%arg10 : memref<128x128xf32, #tpu.memory_space<vmem>>) target_semaphore(%arg18 : memref<!tpu.dma_semaphore, #tpu.memory_space<semaphore_mem>>)
    %add3A_1286 = arith.constant 256 : i32
    %add3A_1287 = arith.addi %mul3A_2, %add3A_1286 : i32
    %dma_wait3A_1288 = arith.constant 0 : i32
    %dma_wait3A_1289 = tpu.memref_slice %arg2[%add3A_1287, %dma_wait3A_1288] : memref<32768x512xf32, #tpu.memory_space<hbm>> -> memref<128x128xf32, #tpu.memory_space<hbm>>
    %dma_wait3A_1290 = arith.constant 0 : i32
    %dma_wait3A_1291 = tpu.memref_slice %arg2[%add3A_1287, %dma_wait3A_1290] : memref<32768x512xf32, #tpu.memory_space<hbm>> -> memref<128x128xf32, #tpu.memory_space<hbm>>
    tpu.wait_dma2 semaphore(%arg15 : memref<!tpu.dma_semaphore, #tpu.memory_space<semaphore_mem>>) src(%dma_wait3A_1291 : memref<128x128xf32, #tpu.memory_space<hbm>>) dst(%arg7 : memref<128x128xf32, #tpu.memory_space<vmem>>)
    %dma_start3A_1292 = arith.constant 2 : i32
    %dma_start3A_1293 = arith.constant 0 : i32
    %dma_start3A_1294 = tpu.memref_slice %arg11[%dma_start3A_1292, %dma_start3A_1293] : memref<8x128xi32, #tpu.memory_space<vmem>> -> memref<1x128xi32, #tpu.memory_space<vmem>>
    %dma_start3A_1295 = tpu.memref_squeeze %dma_start3A_1294 : memref<1x128xi32, #tpu.memory_space<vmem>> -> memref<128xi32, #tpu.memory_space<vmem>>
    %dma_start3A_1296 = arith.constant 0 : i32
    %dma_start3A_1297 = arith.constant 0 : i32
    %dma_start3A_1298 = tpu.memref_slice %arg13[%dma_start3A_1296, %dma_start3A_1297] : memref<256x128xf32, #tpu.memory_space<vmem_shared>> -> memref<256x128xf32, #tpu.memory_space<vmem_shared>>
    tpu.enqueue_indirect_dma source(%arg7 : memref<128x128xf32, #tpu.memory_space<vmem>>) target(%dma_start3A_1298 : memref<256x128xf32, #tpu.memory_space<vmem_shared>>) offsets(%dma_start3A_1295 : memref<128xi32, #tpu.memory_space<vmem>>) semaphore(%arg19 : memref<!tpu.dma_semaphore, #tpu.memory_space<semaphore_mem>>) {add = true}
    %add3A_1299 = arith.constant 256 : i32
    %add3A_1300 = arith.addi %mul3A_2, %add3A_1299 : i32
    %dma_wait3A_1301 = arith.constant 0 : i32
    %dma_wait3A_1302 = tpu.memref_slice %arg3[%add3A_1300, %dma_wait3A_1301] : memref<32768x128xf32, #tpu.memory_space<hbm>> -> memref<128x128xf32, #tpu.memory_space<hbm>>
    %dma_wait3A_1303 = arith.constant 0 : i32
    %dma_wait3A_1304 = tpu.memref_slice %arg3[%add3A_1300, %dma_wait3A_1303] : memref<32768x128xf32, #tpu.memory_space<hbm>> -> memref<128x128xf32, #tpu.memory_space<hbm>>
    tpu.wait_dma2 semaphore(%arg17 : memref<!tpu.dma_semaphore, #tpu.memory_space<semaphore_mem>>) src(%dma_wait3A_1304 : memref<128x128xf32, #tpu.memory_space<hbm>>) dst(%arg9 : memref<128x128xf32, #tpu.memory_space<vmem>>)
    %dma_start3A_1305 = arith.constant 2 : i32
    %dma_start3A_1306 = arith.constant 0 : i32
    %dma_start3A_1307 = tpu.memref_slice %arg11[%dma_start3A_1305, %dma_start3A_1306] : memref<8x128xi32, #tpu.memory_space<vmem>> -> memref<1x128xi32, #tpu.memory_space<vmem>>
    %dma_start3A_1308 = tpu.memref_squeeze %dma_start3A_1307 : memref<1x128xi32, #tpu.memory_space<vmem>> -> memref<128xi32, #tpu.memory_space<vmem>>
    %dma_start3A_1309 = arith.constant 0 : i32
    %dma_start3A_1310 = arith.constant 0 : i32
    %dma_start3A_1311 = tpu.memref_slice %arg14[%dma_start3A_1309, %dma_start3A_1310] : memref<256x128xf32, #tpu.memory_space<vmem_shared>> -> memref<256x128xf32, #tpu.memory_space<vmem_shared>>
    tpu.enqueue_indirect_dma source(%arg9 : memref<128x128xf32, #tpu.memory_space<vmem>>) target(%dma_start3A_1311 : memref<256x128xf32, #tpu.memory_space<vmem_shared>>) offsets(%dma_start3A_1308 : memref<128xi32, #tpu.memory_space<vmem>>) semaphore(%arg21 : memref<!tpu.dma_semaphore, #tpu.memory_space<semaphore_mem>>) {add = true}
    %dma_wait3A_1312 = arith.constant 2 : i32
    %dma_wait3A_1313 = arith.constant 0 : i32
    %dma_wait3A_1314 = tpu.memref_slice %arg11[%dma_wait3A_1312, %dma_wait3A_1313] : memref<8x128xi32, #tpu.memory_space<vmem>> -> memref<1x128xi32, #tpu.memory_space<vmem>>
    %dma_wait3A_1315 = tpu.memref_squeeze %dma_wait3A_1314 : memref<1x128xi32, #tpu.memory_space<vmem>> -> memref<128xi32, #tpu.memory_space<vmem>>
    %dma_wait3A_1316 = arith.constant 0 : i32
    %dma_wait3A_1317 = arith.constant 0 : i32
    %dma_wait3A_1318 = tpu.memref_slice %arg13[%dma_wait3A_1316, %dma_wait3A_1317] : memref<256x128xf32, #tpu.memory_space<vmem_shared>> -> memref<256x128xf32, #tpu.memory_space<vmem_shared>>
    tpu.wait_indirect_dma semaphore(%arg19 : memref<!tpu.dma_semaphore, #tpu.memory_space<semaphore_mem>>) src(%arg7 : memref<128x128xf32, #tpu.memory_space<vmem>>) dst(%dma_wait3A_1318 : memref<256x128xf32, #tpu.memory_space<vmem_shared>>)
    %add3A_1319 = arith.constant 512 : i32
    %add3A_1320 = arith.addi %mul3A_2, %add3A_1319 : i32
    %dma_start3A_1321 = arith.constant 0 : i32
    %dma_start3A_1322 = tpu.memref_slice %arg2[%add3A_1320, %dma_start3A_1321] : memref<32768x512xf32, #tpu.memory_space<hbm>> -> memref<128x128xf32, #tpu.memory_space<hbm>>
    %dma_start3A_1323 = arith.constant 0 : i32
    %dma_start3A_1324 = tpu.memref_slice %arg2[%add3A_1320, %dma_start3A_1323] : memref<32768x512xf32, #tpu.memory_space<hbm>> -> memref<128x128xf32, #tpu.memory_space<hbm>>
    tpu.enqueue_dma source(%dma_start3A_1324 : memref<128x128xf32, #tpu.memory_space<hbm>>) target(%arg7 : memref<128x128xf32, #tpu.memory_space<vmem>>) target_semaphore(%arg15 : memref<!tpu.dma_semaphore, #tpu.memory_space<semaphore_mem>>)
    %dma_wait3A_1325 = arith.constant 2 : i32
    %dma_wait3A_1326 = arith.constant 0 : i32
    %dma_wait3A_1327 = tpu.memref_slice %arg11[%dma_wait3A_1325, %dma_wait3A_1326] : memref<8x128xi32, #tpu.memory_space<vmem>> -> memref<1x128xi32, #tpu.memory_space<vmem>>
    %dma_wait3A_1328 = tpu.memref_squeeze %dma_wait3A_1327 : memref<1x128xi32, #tpu.memory_space<vmem>> -> memref<128xi32, #tpu.memory_space<vmem>>
    %dma_wait3A_1329 = arith.constant 0 : i32
    %dma_wait3A_1330 = arith.constant 0 : i32
    %dma_wait3A_1331 = tpu.memref_slice %arg14[%dma_wait3A_1329, %dma_wait3A_1330] : memref<256x128xf32, #tpu.memory_space<vmem_shared>> -> memref<256x128xf32, #tpu.memory_space<vmem_shared>>
    tpu.wait_indirect_dma semaphore(%arg21 : memref<!tpu.dma_semaphore, #tpu.memory_space<semaphore_mem>>) src(%arg9 : memref<128x128xf32, #tpu.memory_space<vmem>>) dst(%dma_wait3A_1331 : memref<256x128xf32, #tpu.memory_space<vmem_shared>>)
    %add3A_1332 = arith.constant 512 : i32
    %add3A_1333 = arith.addi %mul3A_2, %add3A_1332 : i32
    %dma_start3A_1334 = arith.constant 0 : i32
    %dma_start3A_1335 = tpu.memref_slice %arg3[%add3A_1333, %dma_start3A_1334] : memref<32768x128xf32, #tpu.memory_space<hbm>> -> memref<128x128xf32, #tpu.memory_space<hbm>>
    %dma_start3A_1336 = arith.constant 0 : i32
    %dma_start3A_1337 = tpu.memref_slice %arg3[%add3A_1333, %dma_start3A_1336] : memref<32768x128xf32, #tpu.memory_space<hbm>> -> memref<128x128xf32, #tpu.memory_space<hbm>>
    tpu.enqueue_dma source(%dma_start3A_1337 : memref<128x128xf32, #tpu.memory_space<hbm>>) target(%arg9 : memref<128x128xf32, #tpu.memory_space<vmem>>) target_semaphore(%arg17 : memref<!tpu.dma_semaphore, #tpu.memory_space<semaphore_mem>>)
    %add3A_1338 = arith.constant 384 : i32
    %add3A_1339 = arith.addi %mul3A_2, %add3A_1338 : i32
    %dma_wait3A_1340 = arith.constant 0 : i32
    %dma_wait3A_1341 = tpu.memref_slice %arg2[%add3A_1339, %dma_wait3A_1340] : memref<32768x512xf32, #tpu.memory_space<hbm>> -> memref<128x128xf32, #tpu.memory_space<hbm>>
    %dma_wait3A_1342 = arith.constant 0 : i32
    %dma_wait3A_1343 = tpu.memref_slice %arg2[%add3A_1339, %dma_wait3A_1342] : memref<32768x512xf32, #tpu.memory_space<hbm>> -> memref<128x128xf32, #tpu.memory_space<hbm>>
    tpu.wait_dma2 semaphore(%arg16 : memref<!tpu.dma_semaphore, #tpu.memory_space<semaphore_mem>>) src(%dma_wait3A_1343 : memref<128x128xf32, #tpu.memory_space<hbm>>) dst(%arg8 : memref<128x128xf32, #tpu.memory_space<vmem>>)
    %dma_start3A_1344 = arith.constant 3 : i32
    %dma_start3A_1345 = arith.constant 0 : i32
    %dma_start3A_1346 = tpu.memref_slice %arg11[%dma_start3A_1344, %dma_start3A_1345] : memref<8x128xi32, #tpu.memory_space<vmem>> -> memref<1x128xi32, #tpu.memory_space<vmem>>
    %dma_start3A_1347 = tpu.memref_squeeze %dma_start3A_1346 : memref<1x128xi32, #tpu.memory_space<vmem>> -> memref<128xi32, #tpu.memory_space<vmem>>
    %dma_start3A_1348 = arith.constant 0 : i32
    %dma_start3A_1349 = arith.constant 0 : i32
    %dma_start3A_1350 = tpu.memref_slice %arg13[%dma_start3A_1348, %dma_start3A_1349] : memref<256x128xf32, #tpu.memory_space<vmem_shared>> -> memref<256x128xf32, #tpu.memory_space<vmem_shared>>
    tpu.enqueue_indirect_dma source(%arg8 : memref<128x128xf32, #tpu.memory_space<vmem>>) target(%dma_start3A_1350 : memref<256x128xf32, #tpu.memory_space<vmem_shared>>) offsets(%dma_start3A_1347 : memref<128xi32, #tpu.memory_space<vmem>>) semaphore(%arg20 : memref<!tpu.dma_semaphore, #tpu.memory_space<semaphore_mem>>) {add = true}
    %add3A_1351 = arith.constant 384 : i32
    %add3A_1352 = arith.addi %mul3A_2, %add3A_1351 : i32
    %dma_wait3A_1353 = arith.constant 0 : i32
    %dma_wait3A_1354 = tpu.memref_slice %arg3[%add3A_1352, %dma_wait3A_1353] : memref<32768x128xf32, #tpu.memory_space<hbm>> -> memref<128x128xf32, #tpu.memory_space<hbm>>
    %dma_wait3A_1355 = arith.constant 0 : i32
    %dma_wait3A_1356 = tpu.memref_slice %arg3[%add3A_1352, %dma_wait3A_1355] : memref<32768x128xf32, #tpu.memory_space<hbm>> -> memref<128x128xf32, #tpu.memory_space<hbm>>
    tpu.wait_dma2 semaphore(%arg18 : memref<!tpu.dma_semaphore, #tpu.memory_space<semaphore_mem>>) src(%dma_wait3A_1356 : memref<128x128xf32, #tpu.memory_space<hbm>>) dst(%arg10 : memref<128x128xf32, #tpu.memory_space<vmem>>)
    %dma_start3A_1357 = arith.constant 3 : i32
    %dma_start3A_1358 = arith.constant 0 : i32
    %dma_start3A_1359 = tpu.memref_slice %arg11[%dma_start3A_1357, %dma_start3A_1358] : memref<8x128xi32, #tpu.memory_space<vmem>> -> memref<1x128xi32, #tpu.memory_space<vmem>>
    %dma_start3A_1360 = tpu.memref_squeeze %dma_start3A_1359 : memref<1x128xi32, #tpu.memory_space<vmem>> -> memref<128xi32, #tpu.memory_space<vmem>>
    %dma_start3A_1361 = arith.constant 0 : i32
    %dma_start3A_1362 = arith.constant 0 : i32
    %dma_start3A_1363 = tpu.memref_slice %arg14[%dma_start3A_1361, %dma_start3A_1362] : memref<256x128xf32, #tpu.memory_space<vmem_shared>> -> memref<256x128xf32, #tpu.memory_space<vmem_shared>>
    tpu.enqueue_indirect_dma source(%arg10 : memref<128x128xf32, #tpu.memory_space<vmem>>) target(%dma_start3A_1363 : memref<256x128xf32, #tpu.memory_space<vmem_shared>>) offsets(%dma_start3A_1360 : memref<128xi32, #tpu.memory_space<vmem>>) semaphore(%arg22 : memref<!tpu.dma_semaphore, #tpu.memory_space<semaphore_mem>>) {add = true}
    %dma_wait3A_1364 = arith.constant 3 : i32
    %dma_wait3A_1365 = arith.constant 0 : i32
    %dma_wait3A_1366 = tpu.memref_slice %arg11[%dma_wait3A_1364, %dma_wait3A_1365] : memref<8x128xi32, #tpu.memory_space<vmem>> -> memref<1x128xi32, #tpu.memory_space<vmem>>
    %dma_wait3A_1367 = tpu.memref_squeeze %dma_wait3A_1366 : memref<1x128xi32, #tpu.memory_space<vmem>> -> memref<128xi32, #tpu.memory_space<vmem>>
    %dma_wait3A_1368 = arith.constant 0 : i32
    %dma_wait3A_1369 = arith.constant 0 : i32
    %dma_wait3A_1370 = tpu.memref_slice %arg13[%dma_wait3A_1368, %dma_wait3A_1369] : memref<256x128xf32, #tpu.memory_space<vmem_shared>> -> memref<256x128xf32, #tpu.memory_space<vmem_shared>>
    tpu.wait_indirect_dma semaphore(%arg20 : memref<!tpu.dma_semaphore, #tpu.memory_space<semaphore_mem>>) src(%arg8 : memref<128x128xf32, #tpu.memory_space<vmem>>) dst(%dma_wait3A_1370 : memref<256x128xf32, #tpu.memory_space<vmem_shared>>)
    %add3A_1371 = arith.constant 640 : i32
    %add3A_1372 = arith.addi %mul3A_2, %add3A_1371 : i32
    %dma_start3A_1373 = arith.constant 0 : i32
    %dma_start3A_1374 = tpu.memref_slice %arg2[%add3A_1372, %dma_start3A_1373] : memref<32768x512xf32, #tpu.memory_space<hbm>> -> memref<128x128xf32, #tpu.memory_space<hbm>>
    %dma_start3A_1375 = arith.constant 0 : i32
    %dma_start3A_1376 = tpu.memref_slice %arg2[%add3A_1372, %dma_start3A_1375] : memref<32768x512xf32, #tpu.memory_space<hbm>> -> memref<128x128xf32, #tpu.memory_space<hbm>>
    tpu.enqueue_dma source(%dma_start3A_1376 : memref<128x128xf32, #tpu.memory_space<hbm>>) target(%arg8 : memref<128x128xf32, #tpu.memory_space<vmem>>) target_semaphore(%arg16 : memref<!tpu.dma_semaphore, #tpu.memory_space<semaphore_mem>>)
    %dma_wait3A_1377 = arith.constant 3 : i32
    %dma_wait3A_1378 = arith.constant 0 : i32
    %dma_wait3A_1379 = tpu.memref_slice %arg11[%dma_wait3A_1377, %dma_wait3A_1378] : memref<8x128xi32, #tpu.memory_space<vmem>> -> memref<1x128xi32, #tpu.memory_space<vmem>>
    %dma_wait3A_1380 = tpu.memref_squeeze %dma_wait3A_1379 : memref<1x128xi32, #tpu.memory_space<vmem>> -> memref<128xi32, #tpu.memory_space<vmem>>
    %dma_wait3A_1381 = arith.constant 0 : i32
    %dma_wait3A_1382 = arith.constant 0 : i32
    %dma_wait3A_1383 = tpu.memref_slice %arg14[%dma_wait3A_1381, %dma_wait3A_1382] : memref<256x128xf32, #tpu.memory_space<vmem_shared>> -> memref<256x128xf32, #tpu.memory_space<vmem_shared>>
    tpu.wait_indirect_dma semaphore(%arg22 : memref<!tpu.dma_semaphore, #tpu.memory_space<semaphore_mem>>) src(%arg10 : memref<128x128xf32, #tpu.memory_space<vmem>>) dst(%dma_wait3A_1383 : memref<256x128xf32, #tpu.memory_space<vmem_shared>>)
    %add3A_1384 = arith.constant 640 : i32
    %add3A_1385 = arith.addi %mul3A_2, %add3A_1384 : i32
    %dma_start3A_1386 = arith.constant 0 : i32
    %dma_start3A_1387 = tpu.memref_slice %arg3[%add3A_1385, %dma_start3A_1386] : memref<32768x128xf32, #tpu.memory_space<hbm>> -> memref<128x128xf32, #tpu.memory_space<hbm>>
    %dma_start3A_1388 = arith.constant 0 : i32
    %dma_start3A_1389 = tpu.memref_slice %arg3[%add3A_1385, %dma_start3A_1388] : memref<32768x128xf32, #tpu.memory_space<hbm>> -> memref<128x128xf32, #tpu.memory_space<hbm>>
    tpu.enqueue_dma source(%dma_start3A_1389 : memref<128x128xf32, #tpu.memory_space<hbm>>) target(%arg10 : memref<128x128xf32, #tpu.memory_space<vmem>>) target_semaphore(%arg18 : memref<!tpu.dma_semaphore, #tpu.memory_space<semaphore_mem>>)
    %add3A_1390 = arith.constant 512 : i32
    %add3A_1391 = arith.addi %mul3A_2, %add3A_1390 : i32
    %dma_wait3A_1392 = arith.constant 0 : i32
    %dma_wait3A_1393 = tpu.memref_slice %arg2[%add3A_1391, %dma_wait3A_1392] : memref<32768x512xf32, #tpu.memory_space<hbm>> -> memref<128x128xf32, #tpu.memory_space<hbm>>
    %dma_wait3A_1394 = arith.constant 0 : i32
    %dma_wait3A_1395 = tpu.memref_slice %arg2[%add3A_1391, %dma_wait3A_1394] : memref<32768x512xf32, #tpu.memory_space<hbm>> -> memref<128x128xf32, #tpu.memory_space<hbm>>
    tpu.wait_dma2 semaphore(%arg15 : memref<!tpu.dma_semaphore, #tpu.memory_space<semaphore_mem>>) src(%dma_wait3A_1395 : memref<128x128xf32, #tpu.memory_space<hbm>>) dst(%arg7 : memref<128x128xf32, #tpu.memory_space<vmem>>)
    %dma_start3A_1396 = arith.constant 4 : i32
    %dma_start3A_1397 = arith.constant 0 : i32
    %dma_start3A_1398 = tpu.memref_slice %arg11[%dma_start3A_1396, %dma_start3A_1397] : memref<8x128xi32, #tpu.memory_space<vmem>> -> memref<1x128xi32, #tpu.memory_space<vmem>>
    %dma_start3A_1399 = tpu.memref_squeeze %dma_start3A_1398 : memref<1x128xi32, #tpu.memory_space<vmem>> -> memref<128xi32, #tpu.memory_space<vmem>>
    %dma_start3A_1400 = arith.constant 0 : i32
    %dma_start3A_1401 = arith.constant 0 : i32
    %dma_start3A_1402 = tpu.memref_slice %arg13[%dma_start3A_1400, %dma_start3A_1401] : memref<256x128xf32, #tpu.memory_space<vmem_shared>> -> memref<256x128xf32, #tpu.memory_space<vmem_shared>>
    tpu.enqueue_indirect_dma source(%arg7 : memref<128x128xf32, #tpu.memory_space<vmem>>) target(%dma_start3A_1402 : memref<256x128xf32, #tpu.memory_space<vmem_shared>>) offsets(%dma_start3A_1399 : memref<128xi32, #tpu.memory_space<vmem>>) semaphore(%arg19 : memref<!tpu.dma_semaphore, #tpu.memory_space<semaphore_mem>>) {add = true}
    %add3A_1403 = arith.constant 512 : i32
    %add3A_1404 = arith.addi %mul3A_2, %add3A_1403 : i32
    %dma_wait3A_1405 = arith.constant 0 : i32
    %dma_wait3A_1406 = tpu.memref_slice %arg3[%add3A_1404, %dma_wait3A_1405] : memref<32768x128xf32, #tpu.memory_space<hbm>> -> memref<128x128xf32, #tpu.memory_space<hbm>>
    %dma_wait3A_1407 = arith.constant 0 : i32
    %dma_wait3A_1408 = tpu.memref_slice %arg3[%add3A_1404, %dma_wait3A_1407] : memref<32768x128xf32, #tpu.memory_space<hbm>> -> memref<128x128xf32, #tpu.memory_space<hbm>>
    tpu.wait_dma2 semaphore(%arg17 : memref<!tpu.dma_semaphore, #tpu.memory_space<semaphore_mem>>) src(%dma_wait3A_1408 : memref<128x128xf32, #tpu.memory_space<hbm>>) dst(%arg9 : memref<128x128xf32, #tpu.memory_space<vmem>>)
    %dma_start3A_1409 = arith.constant 4 : i32
    %dma_start3A_1410 = arith.constant 0 : i32
    %dma_start3A_1411 = tpu.memref_slice %arg11[%dma_start3A_1409, %dma_start3A_1410] : memref<8x128xi32, #tpu.memory_space<vmem>> -> memref<1x128xi32, #tpu.memory_space<vmem>>
    %dma_start3A_1412 = tpu.memref_squeeze %dma_start3A_1411 : memref<1x128xi32, #tpu.memory_space<vmem>> -> memref<128xi32, #tpu.memory_space<vmem>>
    %dma_start3A_1413 = arith.constant 0 : i32
    %dma_start3A_1414 = arith.constant 0 : i32
    %dma_start3A_1415 = tpu.memref_slice %arg14[%dma_start3A_1413, %dma_start3A_1414] : memref<256x128xf32, #tpu.memory_space<vmem_shared>> -> memref<256x128xf32, #tpu.memory_space<vmem_shared>>
    tpu.enqueue_indirect_dma source(%arg9 : memref<128x128xf32, #tpu.memory_space<vmem>>) target(%dma_start3A_1415 : memref<256x128xf32, #tpu.memory_space<vmem_shared>>) offsets(%dma_start3A_1412 : memref<128xi32, #tpu.memory_space<vmem>>) semaphore(%arg21 : memref<!tpu.dma_semaphore, #tpu.memory_space<semaphore_mem>>) {add = true}
    %dma_wait3A_1416 = arith.constant 4 : i32
    %dma_wait3A_1417 = arith.constant 0 : i32
    %dma_wait3A_1418 = tpu.memref_slice %arg11[%dma_wait3A_1416, %dma_wait3A_1417] : memref<8x128xi32, #tpu.memory_space<vmem>> -> memref<1x128xi32, #tpu.memory_space<vmem>>
    %dma_wait3A_1419 = tpu.memref_squeeze %dma_wait3A_1418 : memref<1x128xi32, #tpu.memory_space<vmem>> -> memref<128xi32, #tpu.memory_space<vmem>>
    %dma_wait3A_1420 = arith.constant 0 : i32
    %dma_wait3A_1421 = arith.constant 0 : i32
    %dma_wait3A_1422 = tpu.memref_slice %arg13[%dma_wait3A_1420, %dma_wait3A_1421] : memref<256x128xf32, #tpu.memory_space<vmem_shared>> -> memref<256x128xf32, #tpu.memory_space<vmem_shared>>
    tpu.wait_indirect_dma semaphore(%arg19 : memref<!tpu.dma_semaphore, #tpu.memory_space<semaphore_mem>>) src(%arg7 : memref<128x128xf32, #tpu.memory_space<vmem>>) dst(%dma_wait3A_1422 : memref<256x128xf32, #tpu.memory_space<vmem_shared>>)
    %add3A_1423 = arith.constant 768 : i32
    %add3A_1424 = arith.addi %mul3A_2, %add3A_1423 : i32
    %dma_start3A_1425 = arith.constant 0 : i32
    %dma_start3A_1426 = tpu.memref_slice %arg2[%add3A_1424, %dma_start3A_1425] : memref<32768x512xf32, #tpu.memory_space<hbm>> -> memref<128x128xf32, #tpu.memory_space<hbm>>
    %dma_start3A_1427 = arith.constant 0 : i32
    %dma_start3A_1428 = tpu.memref_slice %arg2[%add3A_1424, %dma_start3A_1427] : memref<32768x512xf32, #tpu.memory_space<hbm>> -> memref<128x128xf32, #tpu.memory_space<hbm>>
    tpu.enqueue_dma source(%dma_start3A_1428 : memref<128x128xf32, #tpu.memory_space<hbm>>) target(%arg7 : memref<128x128xf32, #tpu.memory_space<vmem>>) target_semaphore(%arg15 : memref<!tpu.dma_semaphore, #tpu.memory_space<semaphore_mem>>)
    %dma_wait3A_1429 = arith.constant 4 : i32
    %dma_wait3A_1430 = arith.constant 0 : i32
    %dma_wait3A_1431 = tpu.memref_slice %arg11[%dma_wait3A_1429, %dma_wait3A_1430] : memref<8x128xi32, #tpu.memory_space<vmem>> -> memref<1x128xi32, #tpu.memory_space<vmem>>
    %dma_wait3A_1432 = tpu.memref_squeeze %dma_wait3A_1431 : memref<1x128xi32, #tpu.memory_space<vmem>> -> memref<128xi32, #tpu.memory_space<vmem>>
    %dma_wait3A_1433 = arith.constant 0 : i32
    %dma_wait3A_1434 = arith.constant 0 : i32
    %dma_wait3A_1435 = tpu.memref_slice %arg14[%dma_wait3A_1433, %dma_wait3A_1434] : memref<256x128xf32, #tpu.memory_space<vmem_shared>> -> memref<256x128xf32, #tpu.memory_space<vmem_shared>>
    tpu.wait_indirect_dma semaphore(%arg21 : memref<!tpu.dma_semaphore, #tpu.memory_space<semaphore_mem>>) src(%arg9 : memref<128x128xf32, #tpu.memory_space<vmem>>) dst(%dma_wait3A_1435 : memref<256x128xf32, #tpu.memory_space<vmem_shared>>)
    %add3A_1436 = arith.constant 768 : i32
    %add3A_1437 = arith.addi %mul3A_2, %add3A_1436 : i32
    %dma_start3A_1438 = arith.constant 0 : i32
    %dma_start3A_1439 = tpu.memref_slice %arg3[%add3A_1437, %dma_start3A_1438] : memref<32768x128xf32, #tpu.memory_space<hbm>> -> memref<128x128xf32, #tpu.memory_space<hbm>>
    %dma_start3A_1440 = arith.constant 0 : i32
    %dma_start3A_1441 = tpu.memref_slice %arg3[%add3A_1437, %dma_start3A_1440] : memref<32768x128xf32, #tpu.memory_space<hbm>> -> memref<128x128xf32, #tpu.memory_space<hbm>>
    tpu.enqueue_dma source(%dma_start3A_1441 : memref<128x128xf32, #tpu.memory_space<hbm>>) target(%arg9 : memref<128x128xf32, #tpu.memory_space<vmem>>) target_semaphore(%arg17 : memref<!tpu.dma_semaphore, #tpu.memory_space<semaphore_mem>>)
    %add3A_1442 = arith.constant 640 : i32
    %add3A_1443 = arith.addi %mul3A_2, %add3A_1442 : i32
    %dma_wait3A_1444 = arith.constant 0 : i32
    %dma_wait3A_1445 = tpu.memref_slice %arg2[%add3A_1443, %dma_wait3A_1444] : memref<32768x512xf32, #tpu.memory_space<hbm>> -> memref<128x128xf32, #tpu.memory_space<hbm>>
    %dma_wait3A_1446 = arith.constant 0 : i32
    %dma_wait3A_1447 = tpu.memref_slice %arg2[%add3A_1443, %dma_wait3A_1446] : memref<32768x512xf32, #tpu.memory_space<hbm>> -> memref<128x128xf32, #tpu.memory_space<hbm>>
    tpu.wait_dma2 semaphore(%arg16 : memref<!tpu.dma_semaphore, #tpu.memory_space<semaphore_mem>>) src(%dma_wait3A_1447 : memref<128x128xf32, #tpu.memory_space<hbm>>) dst(%arg8 : memref<128x128xf32, #tpu.memory_space<vmem>>)
    %dma_start3A_1448 = arith.constant 5 : i32
    %dma_start3A_1449 = arith.constant 0 : i32
    %dma_start3A_1450 = tpu.memref_slice %arg11[%dma_start3A_1448, %dma_start3A_1449] : memref<8x128xi32, #tpu.memory_space<vmem>> -> memref<1x128xi32, #tpu.memory_space<vmem>>
    %dma_start3A_1451 = tpu.memref_squeeze %dma_start3A_1450 : memref<1x128xi32, #tpu.memory_space<vmem>> -> memref<128xi32, #tpu.memory_space<vmem>>
    %dma_start3A_1452 = arith.constant 0 : i32
    %dma_start3A_1453 = arith.constant 0 : i32
    %dma_start3A_1454 = tpu.memref_slice %arg13[%dma_start3A_1452, %dma_start3A_1453] : memref<256x128xf32, #tpu.memory_space<vmem_shared>> -> memref<256x128xf32, #tpu.memory_space<vmem_shared>>
    tpu.enqueue_indirect_dma source(%arg8 : memref<128x128xf32, #tpu.memory_space<vmem>>) target(%dma_start3A_1454 : memref<256x128xf32, #tpu.memory_space<vmem_shared>>) offsets(%dma_start3A_1451 : memref<128xi32, #tpu.memory_space<vmem>>) semaphore(%arg20 : memref<!tpu.dma_semaphore, #tpu.memory_space<semaphore_mem>>) {add = true}
    %add3A_1455 = arith.constant 640 : i32
    %add3A_1456 = arith.addi %mul3A_2, %add3A_1455 : i32
    %dma_wait3A_1457 = arith.constant 0 : i32
    %dma_wait3A_1458 = tpu.memref_slice %arg3[%add3A_1456, %dma_wait3A_1457] : memref<32768x128xf32, #tpu.memory_space<hbm>> -> memref<128x128xf32, #tpu.memory_space<hbm>>
    %dma_wait3A_1459 = arith.constant 0 : i32
    %dma_wait3A_1460 = tpu.memref_slice %arg3[%add3A_1456, %dma_wait3A_1459] : memref<32768x128xf32, #tpu.memory_space<hbm>> -> memref<128x128xf32, #tpu.memory_space<hbm>>
    tpu.wait_dma2 semaphore(%arg18 : memref<!tpu.dma_semaphore, #tpu.memory_space<semaphore_mem>>) src(%dma_wait3A_1460 : memref<128x128xf32, #tpu.memory_space<hbm>>) dst(%arg10 : memref<128x128xf32, #tpu.memory_space<vmem>>)
    %dma_start3A_1461 = arith.constant 5 : i32
    %dma_start3A_1462 = arith.constant 0 : i32
    %dma_start3A_1463 = tpu.memref_slice %arg11[%dma_start3A_1461, %dma_start3A_1462] : memref<8x128xi32, #tpu.memory_space<vmem>> -> memref<1x128xi32, #tpu.memory_space<vmem>>
    %dma_start3A_1464 = tpu.memref_squeeze %dma_start3A_1463 : memref<1x128xi32, #tpu.memory_space<vmem>> -> memref<128xi32, #tpu.memory_space<vmem>>
    %dma_start3A_1465 = arith.constant 0 : i32
    %dma_start3A_1466 = arith.constant 0 : i32
    %dma_start3A_1467 = tpu.memref_slice %arg14[%dma_start3A_1465, %dma_start3A_1466] : memref<256x128xf32, #tpu.memory_space<vmem_shared>> -> memref<256x128xf32, #tpu.memory_space<vmem_shared>>
    tpu.enqueue_indirect_dma source(%arg10 : memref<128x128xf32, #tpu.memory_space<vmem>>) target(%dma_start3A_1467 : memref<256x128xf32, #tpu.memory_space<vmem_shared>>) offsets(%dma_start3A_1464 : memref<128xi32, #tpu.memory_space<vmem>>) semaphore(%arg22 : memref<!tpu.dma_semaphore, #tpu.memory_space<semaphore_mem>>) {add = true}
    %dma_wait3A_1468 = arith.constant 5 : i32
    %dma_wait3A_1469 = arith.constant 0 : i32
    %dma_wait3A_1470 = tpu.memref_slice %arg11[%dma_wait3A_1468, %dma_wait3A_1469] : memref<8x128xi32, #tpu.memory_space<vmem>> -> memref<1x128xi32, #tpu.memory_space<vmem>>
    %dma_wait3A_1471 = tpu.memref_squeeze %dma_wait3A_1470 : memref<1x128xi32, #tpu.memory_space<vmem>> -> memref<128xi32, #tpu.memory_space<vmem>>
    %dma_wait3A_1472 = arith.constant 0 : i32
    %dma_wait3A_1473 = arith.constant 0 : i32
    %dma_wait3A_1474 = tpu.memref_slice %arg13[%dma_wait3A_1472, %dma_wait3A_1473] : memref<256x128xf32, #tpu.memory_space<vmem_shared>> -> memref<256x128xf32, #tpu.memory_space<vmem_shared>>
    tpu.wait_indirect_dma semaphore(%arg20 : memref<!tpu.dma_semaphore, #tpu.memory_space<semaphore_mem>>) src(%arg8 : memref<128x128xf32, #tpu.memory_space<vmem>>) dst(%dma_wait3A_1474 : memref<256x128xf32, #tpu.memory_space<vmem_shared>>)
    %add3A_1475 = arith.constant 896 : i32
    %add3A_1476 = arith.addi %mul3A_2, %add3A_1475 : i32
    %dma_start3A_1477 = arith.constant 0 : i32
    %dma_start3A_1478 = tpu.memref_slice %arg2[%add3A_1476, %dma_start3A_1477] : memref<32768x512xf32, #tpu.memory_space<hbm>> -> memref<128x128xf32, #tpu.memory_space<hbm>>
    %dma_start3A_1479 = arith.constant 0 : i32
    %dma_start3A_1480 = tpu.memref_slice %arg2[%add3A_1476, %dma_start3A_1479] : memref<32768x512xf32, #tpu.memory_space<hbm>> -> memref<128x128xf32, #tpu.memory_space<hbm>>
    tpu.enqueue_dma source(%dma_start3A_1480 : memref<128x128xf32, #tpu.memory_space<hbm>>) target(%arg8 : memref<128x128xf32, #tpu.memory_space<vmem>>) target_semaphore(%arg16 : memref<!tpu.dma_semaphore, #tpu.memory_space<semaphore_mem>>)
    %dma_wait3A_1481 = arith.constant 5 : i32
    %dma_wait3A_1482 = arith.constant 0 : i32
    %dma_wait3A_1483 = tpu.memref_slice %arg11[%dma_wait3A_1481, %dma_wait3A_1482] : memref<8x128xi32, #tpu.memory_space<vmem>> -> memref<1x128xi32, #tpu.memory_space<vmem>>
    %dma_wait3A_1484 = tpu.memref_squeeze %dma_wait3A_1483 : memref<1x128xi32, #tpu.memory_space<vmem>> -> memref<128xi32, #tpu.memory_space<vmem>>
    %dma_wait3A_1485 = arith.constant 0 : i32
    %dma_wait3A_1486 = arith.constant 0 : i32
    %dma_wait3A_1487 = tpu.memref_slice %arg14[%dma_wait3A_1485, %dma_wait3A_1486] : memref<256x128xf32, #tpu.memory_space<vmem_shared>> -> memref<256x128xf32, #tpu.memory_space<vmem_shared>>
    tpu.wait_indirect_dma semaphore(%arg22 : memref<!tpu.dma_semaphore, #tpu.memory_space<semaphore_mem>>) src(%arg10 : memref<128x128xf32, #tpu.memory_space<vmem>>) dst(%dma_wait3A_1487 : memref<256x128xf32, #tpu.memory_space<vmem_shared>>)
    %add3A_1488 = arith.constant 896 : i32
    %add3A_1489 = arith.addi %mul3A_2, %add3A_1488 : i32
    %dma_start3A_1490 = arith.constant 0 : i32
    %dma_start3A_1491 = tpu.memref_slice %arg3[%add3A_1489, %dma_start3A_1490] : memref<32768x128xf32, #tpu.memory_space<hbm>> -> memref<128x128xf32, #tpu.memory_space<hbm>>
    %dma_start3A_1492 = arith.constant 0 : i32
    %dma_start3A_1493 = tpu.memref_slice %arg3[%add3A_1489, %dma_start3A_1492] : memref<32768x128xf32, #tpu.memory_space<hbm>> -> memref<128x128xf32, #tpu.memory_space<hbm>>
    tpu.enqueue_dma source(%dma_start3A_1493 : memref<128x128xf32, #tpu.memory_space<hbm>>) target(%arg10 : memref<128x128xf32, #tpu.memory_space<vmem>>) target_semaphore(%arg18 : memref<!tpu.dma_semaphore, #tpu.memory_space<semaphore_mem>>)
    %add3A_1494 = arith.constant 768 : i32
    %add3A_1495 = arith.addi %mul3A_2, %add3A_1494 : i32
    %dma_wait3A_1496 = arith.constant 0 : i32
    %dma_wait3A_1497 = tpu.memref_slice %arg2[%add3A_1495, %dma_wait3A_1496] : memref<32768x512xf32, #tpu.memory_space<hbm>> -> memref<128x128xf32, #tpu.memory_space<hbm>>
    %dma_wait3A_1498 = arith.constant 0 : i32
    %dma_wait3A_1499 = tpu.memref_slice %arg2[%add3A_1495, %dma_wait3A_1498] : memref<32768x512xf32, #tpu.memory_space<hbm>> -> memref<128x128xf32, #tpu.memory_space<hbm>>
    tpu.wait_dma2 semaphore(%arg15 : memref<!tpu.dma_semaphore, #tpu.memory_space<semaphore_mem>>) src(%dma_wait3A_1499 : memref<128x128xf32, #tpu.memory_space<hbm>>) dst(%arg7 : memref<128x128xf32, #tpu.memory_space<vmem>>)
    %dma_start3A_1500 = arith.constant 6 : i32
    %dma_start3A_1501 = arith.constant 0 : i32
    %dma_start3A_1502 = tpu.memref_slice %arg11[%dma_start3A_1500, %dma_start3A_1501] : memref<8x128xi32, #tpu.memory_space<vmem>> -> memref<1x128xi32, #tpu.memory_space<vmem>>
    %dma_start3A_1503 = tpu.memref_squeeze %dma_start3A_1502 : memref<1x128xi32, #tpu.memory_space<vmem>> -> memref<128xi32, #tpu.memory_space<vmem>>
    %dma_start3A_1504 = arith.constant 0 : i32
    %dma_start3A_1505 = arith.constant 0 : i32
    %dma_start3A_1506 = tpu.memref_slice %arg13[%dma_start3A_1504, %dma_start3A_1505] : memref<256x128xf32, #tpu.memory_space<vmem_shared>> -> memref<256x128xf32, #tpu.memory_space<vmem_shared>>
    tpu.enqueue_indirect_dma source(%arg7 : memref<128x128xf32, #tpu.memory_space<vmem>>) target(%dma_start3A_1506 : memref<256x128xf32, #tpu.memory_space<vmem_shared>>) offsets(%dma_start3A_1503 : memref<128xi32, #tpu.memory_space<vmem>>) semaphore(%arg19 : memref<!tpu.dma_semaphore, #tpu.memory_space<semaphore_mem>>) {add = true}
    %add3A_1507 = arith.constant 768 : i32
    %add3A_1508 = arith.addi %mul3A_2, %add3A_1507 : i32
    %dma_wait3A_1509 = arith.constant 0 : i32
    %dma_wait3A_1510 = tpu.memref_slice %arg3[%add3A_1508, %dma_wait3A_1509] : memref<32768x128xf32, #tpu.memory_space<hbm>> -> memref<128x128xf32, #tpu.memory_space<hbm>>
    %dma_wait3A_1511 = arith.constant 0 : i32
    %dma_wait3A_1512 = tpu.memref_slice %arg3[%add3A_1508, %dma_wait3A_1511] : memref<32768x128xf32, #tpu.memory_space<hbm>> -> memref<128x128xf32, #tpu.memory_space<hbm>>
    tpu.wait_dma2 semaphore(%arg17 : memref<!tpu.dma_semaphore, #tpu.memory_space<semaphore_mem>>) src(%dma_wait3A_1512 : memref<128x128xf32, #tpu.memory_space<hbm>>) dst(%arg9 : memref<128x128xf32, #tpu.memory_space<vmem>>)
    %dma_start3A_1513 = arith.constant 6 : i32
    %dma_start3A_1514 = arith.constant 0 : i32
    %dma_start3A_1515 = tpu.memref_slice %arg11[%dma_start3A_1513, %dma_start3A_1514] : memref<8x128xi32, #tpu.memory_space<vmem>> -> memref<1x128xi32, #tpu.memory_space<vmem>>
    %dma_start3A_1516 = tpu.memref_squeeze %dma_start3A_1515 : memref<1x128xi32, #tpu.memory_space<vmem>> -> memref<128xi32, #tpu.memory_space<vmem>>
    %dma_start3A_1517 = arith.constant 0 : i32
    %dma_start3A_1518 = arith.constant 0 : i32
    %dma_start3A_1519 = tpu.memref_slice %arg14[%dma_start3A_1517, %dma_start3A_1518] : memref<256x128xf32, #tpu.memory_space<vmem_shared>> -> memref<256x128xf32, #tpu.memory_space<vmem_shared>>
    tpu.enqueue_indirect_dma source(%arg9 : memref<128x128xf32, #tpu.memory_space<vmem>>) target(%dma_start3A_1519 : memref<256x128xf32, #tpu.memory_space<vmem_shared>>) offsets(%dma_start3A_1516 : memref<128xi32, #tpu.memory_space<vmem>>) semaphore(%arg21 : memref<!tpu.dma_semaphore, #tpu.memory_space<semaphore_mem>>) {add = true}
    %dma_wait3A_1520 = arith.constant 6 : i32
    %dma_wait3A_1521 = arith.constant 0 : i32
    %dma_wait3A_1522 = tpu.memref_slice %arg11[%dma_wait3A_1520, %dma_wait3A_1521] : memref<8x128xi32, #tpu.memory_space<vmem>> -> memref<1x128xi32, #tpu.memory_space<vmem>>
    %dma_wait3A_1523 = tpu.memref_squeeze %dma_wait3A_1522 : memref<1x128xi32, #tpu.memory_space<vmem>> -> memref<128xi32, #tpu.memory_space<vmem>>
    %dma_wait3A_1524 = arith.constant 0 : i32
    %dma_wait3A_1525 = arith.constant 0 : i32
    %dma_wait3A_1526 = tpu.memref_slice %arg13[%dma_wait3A_1524, %dma_wait3A_1525] : memref<256x128xf32, #tpu.memory_space<vmem_shared>> -> memref<256x128xf32, #tpu.memory_space<vmem_shared>>
    tpu.wait_indirect_dma semaphore(%arg19 : memref<!tpu.dma_semaphore, #tpu.memory_space<semaphore_mem>>) src(%arg7 : memref<128x128xf32, #tpu.memory_space<vmem>>) dst(%dma_wait3A_1526 : memref<256x128xf32, #tpu.memory_space<vmem_shared>>)
    %dma_wait3A_1527 = arith.constant 6 : i32
    %dma_wait3A_1528 = arith.constant 0 : i32
    %dma_wait3A_1529 = tpu.memref_slice %arg11[%dma_wait3A_1527, %dma_wait3A_1528] : memref<8x128xi32, #tpu.memory_space<vmem>> -> memref<1x128xi32, #tpu.memory_space<vmem>>
    %dma_wait3A_1530 = tpu.memref_squeeze %dma_wait3A_1529 : memref<1x128xi32, #tpu.memory_space<vmem>> -> memref<128xi32, #tpu.memory_space<vmem>>
    %dma_wait3A_1531 = arith.constant 0 : i32
    %dma_wait3A_1532 = arith.constant 0 : i32
    %dma_wait3A_1533 = tpu.memref_slice %arg14[%dma_wait3A_1531, %dma_wait3A_1532] : memref<256x128xf32, #tpu.memory_space<vmem_shared>> -> memref<256x128xf32, #tpu.memory_space<vmem_shared>>
    tpu.wait_indirect_dma semaphore(%arg21 : memref<!tpu.dma_semaphore, #tpu.memory_space<semaphore_mem>>) src(%arg9 : memref<128x128xf32, #tpu.memory_space<vmem>>) dst(%dma_wait3A_1533 : memref<256x128xf32, #tpu.memory_space<vmem_shared>>)
    %add3A_1534 = arith.constant 896 : i32
    %add3A_1535 = arith.addi %mul3A_2, %add3A_1534 : i32
    %dma_wait3A_1536 = arith.constant 0 : i32
    %dma_wait3A_1537 = tpu.memref_slice %arg2[%add3A_1535, %dma_wait3A_1536] : memref<32768x512xf32, #tpu.memory_space<hbm>> -> memref<128x128xf32, #tpu.memory_space<hbm>>
    %dma_wait3A_1538 = arith.constant 0 : i32
    %dma_wait3A_1539 = tpu.memref_slice %arg2[%add3A_1535, %dma_wait3A_1538] : memref<32768x512xf32, #tpu.memory_space<hbm>> -> memref<128x128xf32, #tpu.memory_space<hbm>>
    tpu.wait_dma2 semaphore(%arg16 : memref<!tpu.dma_semaphore, #tpu.memory_space<semaphore_mem>>) src(%dma_wait3A_1539 : memref<128x128xf32, #tpu.memory_space<hbm>>) dst(%arg8 : memref<128x128xf32, #tpu.memory_space<vmem>>)
    %dma_start3A_1540 = arith.constant 7 : i32
    %dma_start3A_1541 = arith.constant 0 : i32
    %dma_start3A_1542 = tpu.memref_slice %arg11[%dma_start3A_1540, %dma_start3A_1541] : memref<8x128xi32, #tpu.memory_space<vmem>> -> memref<1x128xi32, #tpu.memory_space<vmem>>
    %dma_start3A_1543 = tpu.memref_squeeze %dma_start3A_1542 : memref<1x128xi32, #tpu.memory_space<vmem>> -> memref<128xi32, #tpu.memory_space<vmem>>
    %dma_start3A_1544 = arith.constant 0 : i32
    %dma_start3A_1545 = arith.constant 0 : i32
    %dma_start3A_1546 = tpu.memref_slice %arg13[%dma_start3A_1544, %dma_start3A_1545] : memref<256x128xf32, #tpu.memory_space<vmem_shared>> -> memref<256x128xf32, #tpu.memory_space<vmem_shared>>
    tpu.enqueue_indirect_dma source(%arg8 : memref<128x128xf32, #tpu.memory_space<vmem>>) target(%dma_start3A_1546 : memref<256x128xf32, #tpu.memory_space<vmem_shared>>) offsets(%dma_start3A_1543 : memref<128xi32, #tpu.memory_space<vmem>>) semaphore(%arg20 : memref<!tpu.dma_semaphore, #tpu.memory_space<semaphore_mem>>) {add = true}
    %add3A_1547 = arith.constant 896 : i32
    %add3A_1548 = arith.addi %mul3A_2, %add3A_1547 : i32
    %dma_wait3A_1549 = arith.constant 0 : i32
    %dma_wait3A_1550 = tpu.memref_slice %arg3[%add3A_1548, %dma_wait3A_1549] : memref<32768x128xf32, #tpu.memory_space<hbm>> -> memref<128x128xf32, #tpu.memory_space<hbm>>
    %dma_wait3A_1551 = arith.constant 0 : i32
    %dma_wait3A_1552 = tpu.memref_slice %arg3[%add3A_1548, %dma_wait3A_1551] : memref<32768x128xf32, #tpu.memory_space<hbm>> -> memref<128x128xf32, #tpu.memory_space<hbm>>
    tpu.wait_dma2 semaphore(%arg18 : memref<!tpu.dma_semaphore, #tpu.memory_space<semaphore_mem>>) src(%dma_wait3A_1552 : memref<128x128xf32, #tpu.memory_space<hbm>>) dst(%arg10 : memref<128x128xf32, #tpu.memory_space<vmem>>)
    %dma_start3A_1553 = arith.constant 7 : i32
    %dma_start3A_1554 = arith.constant 0 : i32
    %dma_start3A_1555 = tpu.memref_slice %arg11[%dma_start3A_1553, %dma_start3A_1554] : memref<8x128xi32, #tpu.memory_space<vmem>> -> memref<1x128xi32, #tpu.memory_space<vmem>>
    %dma_start3A_1556 = tpu.memref_squeeze %dma_start3A_1555 : memref<1x128xi32, #tpu.memory_space<vmem>> -> memref<128xi32, #tpu.memory_space<vmem>>
    %dma_start3A_1557 = arith.constant 0 : i32
    %dma_start3A_1558 = arith.constant 0 : i32
    %dma_start3A_1559 = tpu.memref_slice %arg14[%dma_start3A_1557, %dma_start3A_1558] : memref<256x128xf32, #tpu.memory_space<vmem_shared>> -> memref<256x128xf32, #tpu.memory_space<vmem_shared>>
    tpu.enqueue_indirect_dma source(%arg10 : memref<128x128xf32, #tpu.memory_space<vmem>>) target(%dma_start3A_1559 : memref<256x128xf32, #tpu.memory_space<vmem_shared>>) offsets(%dma_start3A_1556 : memref<128xi32, #tpu.memory_space<vmem>>) semaphore(%arg22 : memref<!tpu.dma_semaphore, #tpu.memory_space<semaphore_mem>>) {add = true}
    %dma_wait3A_1560 = arith.constant 7 : i32
    %dma_wait3A_1561 = arith.constant 0 : i32
    %dma_wait3A_1562 = tpu.memref_slice %arg11[%dma_wait3A_1560, %dma_wait3A_1561] : memref<8x128xi32, #tpu.memory_space<vmem>> -> memref<1x128xi32, #tpu.memory_space<vmem>>
    %dma_wait3A_1563 = tpu.memref_squeeze %dma_wait3A_1562 : memref<1x128xi32, #tpu.memory_space<vmem>> -> memref<128xi32, #tpu.memory_space<vmem>>
    %dma_wait3A_1564 = arith.constant 0 : i32
    %dma_wait3A_1565 = arith.constant 0 : i32
    %dma_wait3A_1566 = tpu.memref_slice %arg13[%dma_wait3A_1564, %dma_wait3A_1565] : memref<256x128xf32, #tpu.memory_space<vmem_shared>> -> memref<256x128xf32, #tpu.memory_space<vmem_shared>>
    tpu.wait_indirect_dma semaphore(%arg20 : memref<!tpu.dma_semaphore, #tpu.memory_space<semaphore_mem>>) src(%arg8 : memref<128x128xf32, #tpu.memory_space<vmem>>) dst(%dma_wait3A_1566 : memref<256x128xf32, #tpu.memory_space<vmem_shared>>)
    %dma_wait3A_1567 = arith.constant 7 : i32
    %dma_wait3A_1568 = arith.constant 0 : i32
    %dma_wait3A_1569 = tpu.memref_slice %arg11[%dma_wait3A_1567, %dma_wait3A_1568] : memref<8x128xi32, #tpu.memory_space<vmem>> -> memref<1x128xi32, #tpu.memory_space<vmem>>
    %dma_wait3A_1570 = tpu.memref_squeeze %dma_wait3A_1569 : memref<1x128xi32, #tpu.memory_space<vmem>> -> memref<128xi32, #tpu.memory_space<vmem>>
    %dma_wait3A_1571 = arith.constant 0 : i32
    %dma_wait3A_1572 = arith.constant 0 : i32
    %dma_wait3A_1573 = tpu.memref_slice %arg14[%dma_wait3A_1571, %dma_wait3A_1572] : memref<256x128xf32, #tpu.memory_space<vmem_shared>> -> memref<256x128xf32, #tpu.memory_space<vmem_shared>>
    tpu.wait_indirect_dma semaphore(%arg22 : memref<!tpu.dma_semaphore, #tpu.memory_space<semaphore_mem>>) src(%arg10 : memref<128x128xf32, #tpu.memory_space<vmem>>) dst(%dma_wait3A_1573 : memref<256x128xf32, #tpu.memory_space<vmem_shared>>)
    %mul3A_1574 = arith.constant 16 : i32
    %mul3A_1575 = arith.muli %arg1, %mul3A_1574 : i32
    "tpu.region"() ({
      %run_scoped3A = tpu.sem_alloc : memref<!tpu.dma_semaphore, #tpu.memory_space<semaphore_mem>>
      %dma_start3A_1578 = arith.constant 0 : i32
      %dma_start3A_1579 = arith.constant 0 : i32
      %dma_start3A_1580 = tpu.memref_slice %arg5[%add3A, %dma_start3A_1578, %dma_start3A_1579] : memref<32x16x128xf32, #tpu.memory_space<hbm>> -> memref<1x16x128xf32, #tpu.memory_space<hbm>>
      %dma_start3A_1581 = tpu.memref_squeeze %dma_start3A_1580 : memref<1x16x128xf32, #tpu.memory_space<hbm>> -> memref<16x128xf32, #tpu.memory_space<hbm>>
      %dma_start3A_1582 = arith.constant 0 : i32
      %dma_start3A_1583 = tpu.memref_slice %arg13[%mul3A_1575, %dma_start3A_1582] : memref<256x128xf32, #tpu.memory_space<vmem_shared>> -> memref<16x128xf32, #tpu.memory_space<vmem_shared>>
      tpu.enqueue_dma source(%dma_start3A_1583 : memref<16x128xf32, #tpu.memory_space<vmem_shared>>) target(%dma_start3A_1581 : memref<16x128xf32, #tpu.memory_space<hbm>>) target_semaphore(%run_scoped3A : memref<!tpu.dma_semaphore, #tpu.memory_space<semaphore_mem>>)
      %dma_wait3A_1584 = arith.constant 0 : i32
      %dma_wait3A_1585 = arith.constant 0 : i32
      %dma_wait3A_1586 = tpu.memref_slice %arg5[%add3A, %dma_wait3A_1584, %dma_wait3A_1585] : memref<32x16x128xf32, #tpu.memory_space<hbm>> -> memref<1x16x128xf32, #tpu.memory_space<hbm>>
      %dma_wait3A_1587 = tpu.memref_squeeze %dma_wait3A_1586 : memref<1x16x128xf32, #tpu.memory_space<hbm>> -> memref<16x128xf32, #tpu.memory_space<hbm>>
      %dma_wait3A_1588 = arith.constant 0 : i32
      %dma_wait3A_1589 = tpu.memref_slice %arg13[%mul3A_1575, %dma_wait3A_1588] : memref<256x128xf32, #tpu.memory_space<vmem_shared>> -> memref<16x128xf32, #tpu.memory_space<vmem_shared>>
      tpu.wait_dma2 semaphore(%run_scoped3A : memref<!tpu.dma_semaphore, #tpu.memory_space<semaphore_mem>>) src(%dma_wait3A_1589 : memref<16x128xf32, #tpu.memory_space<vmem_shared>>) dst(%dma_wait3A_1587 : memref<16x128xf32, #tpu.memory_space<hbm>>)
      tpu.yield
    }) : () -> ()
    %mul3A_1576 = arith.constant 16 : i32
    %mul3A_1577 = arith.muli %arg1, %mul3A_1576 : i32
    "tpu.region"() ({
      %run_scoped3A = tpu.sem_alloc : memref<!tpu.dma_semaphore, #tpu.memory_space<semaphore_mem>>
      %dma_start3A_1578 = arith.constant 0 : i32
      %dma_start3A_1579 = arith.constant 0 : i32
      %dma_start3A_1580 = tpu.memref_slice %arg6[%add3A, %dma_start3A_1578, %dma_start3A_1579] : memref<32x16x128xf32, #tpu.memory_space<hbm>> -> memref<1x16x128xf32, #tpu.memory_space<hbm>>
      %dma_start3A_1581 = tpu.memref_squeeze %dma_start3A_1580 : memref<1x16x128xf32, #tpu.memory_space<hbm>> -> memref<16x128xf32, #tpu.memory_space<hbm>>
      %dma_start3A_1582 = arith.constant 0 : i32
      %dma_start3A_1583 = tpu.memref_slice %arg14[%mul3A_1577, %dma_start3A_1582] : memref<256x128xf32, #tpu.memory_space<vmem_shared>> -> memref<16x128xf32, #tpu.memory_space<vmem_shared>>
      tpu.enqueue_dma source(%dma_start3A_1583 : memref<16x128xf32, #tpu.memory_space<vmem_shared>>) target(%dma_start3A_1581 : memref<16x128xf32, #tpu.memory_space<hbm>>) target_semaphore(%run_scoped3A : memref<!tpu.dma_semaphore, #tpu.memory_space<semaphore_mem>>)
      %dma_wait3A_1584 = arith.constant 0 : i32
      %dma_wait3A_1585 = arith.constant 0 : i32
      %dma_wait3A_1586 = tpu.memref_slice %arg6[%add3A, %dma_wait3A_1584, %dma_wait3A_1585] : memref<32x16x128xf32, #tpu.memory_space<hbm>> -> memref<1x16x128xf32, #tpu.memory_space<hbm>>
      %dma_wait3A_1587 = tpu.memref_squeeze %dma_wait3A_1586 : memref<1x16x128xf32, #tpu.memory_space<hbm>> -> memref<16x128xf32, #tpu.memory_space<hbm>>
      %dma_wait3A_1588 = arith.constant 0 : i32
      %dma_wait3A_1589 = tpu.memref_slice %arg14[%mul3A_1577, %dma_wait3A_1588] : memref<256x128xf32, #tpu.memory_space<vmem_shared>> -> memref<16x128xf32, #tpu.memory_space<vmem_shared>>
      tpu.wait_dma2 semaphore(%run_scoped3A : memref<!tpu.dma_semaphore, #tpu.memory_space<semaphore_mem>>) src(%dma_wait3A_1589 : memref<16x128xf32, #tpu.memory_space<vmem_shared>>) dst(%dma_wait3A_1587 : memref<16x128xf32, #tpu.memory_space<hbm>>)
      tpu.yield
    }) : () -> ()
    return
  }
}

module attributes {stable_mosaic.version = 14 : i64} {
  func.func @body(%arg0: i32, %arg1: memref<32768x512xf32, #tpu.memory_space<hbm>>, %arg2: memref<8192x128xf32, #tpu.memory_space<vmem>>, %arg3: memref<2x8192x384xf32, #tpu.memory_space<vmem>>, %arg4: memref<!tpu.dma_semaphore, #tpu.memory_space<semaphore_mem>>, %arg5: memref<!tpu.dma_semaphore, #tpu.memory_space<semaphore_mem>>) attributes {dimension_semantics = [#tpu.dimension_semantics<arbitrary>], iteration_bounds = array<i64: 4>, scalar_prefetch = 0 : i64, scratch_operands = 3 : i64, tpu.core_type = #tpu.core_type<tc>, window_params = [{}, {transform_indices = @transform_1, window_bounds = array<i64: 8192, 128>}]} {
    %eq3A = arith.constant 0 : i32
    %eq3A_0 = arith.cmpi eq, %arg0, %eq3A : i32
    %convert_element_type3A = arith.extui %eq3A_0 : i1 to i32
    %cond3A = arith.constant 0 : i32
    %cond3A_1 = arith.cmpi ne, %convert_element_type3A, %cond3A : i32
    scf.if %cond3A_1 {
      %dma_start3A = arith.constant 0 : i32
      %dma_start3A_144 = arith.constant 0 : i32
      %dma_start3A_145 = arith.constant 0 : i32
      %dma_start3A_146 = tpu.memref_slice %arg3[%dma_start3A, %dma_start3A_144, %dma_start3A_145] : memref<2x8192x384xf32, #tpu.memory_space<vmem>> -> memref<1x8192x384xf32, #tpu.memory_space<vmem>>
      %dma_start3A_147 = tpu.memref_squeeze %dma_start3A_146 : memref<1x8192x384xf32, #tpu.memory_space<vmem>> -> memref<8192x384xf32, #tpu.memory_space<vmem>>
      %dma_start3A_148 = arith.constant 0 : i32
      %dma_start3A_149 = arith.constant 128 : i32
      %dma_start3A_150 = tpu.memref_slice %arg1[%dma_start3A_148, %dma_start3A_149] : memref<32768x512xf32, #tpu.memory_space<hbm>> -> memref<8192x384xf32, #tpu.memory_space<hbm>>
      tpu.enqueue_dma source(%dma_start3A_150 : memref<8192x384xf32, #tpu.memory_space<hbm>>) target(%dma_start3A_147 : memref<8192x384xf32, #tpu.memory_space<vmem>>) target_semaphore(%arg4 : memref<!tpu.dma_semaphore, #tpu.memory_space<semaphore_mem>>)
    } else {
    }
    %add3A = arith.constant 1 : i32
    %add3A_2 = arith.addi %arg0, %add3A : i32
    %lt3A = arith.constant 4 : i32
    %lt3A_3 = arith.cmpi slt, %add3A_2, %lt3A : i32
    %jit3A = arith.constant 2 : i32
    %eq3A_4 = arith.constant 0 : i32
    %eq3A_5 = arith.cmpi eq, %jit3A, %eq3A_4 : i32
    %jit3A_6 = arith.constant 1 : i32
    %select_n3A = arith.select %eq3A_5, %jit3A_6, %jit3A : i32
    %rem3A = arith.remsi %add3A_2, %select_n3A : i32
    %ne3A = arith.constant 0 : i32
    %ne3A_7 = arith.cmpi ne, %rem3A, %ne3A : i32
    %lt3A_8 = arith.constant 0 : i32
    %lt3A_9 = arith.cmpi slt, %rem3A, %lt3A_8 : i32
    %lt3A_10 = arith.constant 0 : i32
    %lt3A_11 = arith.cmpi slt, %select_n3A, %lt3A_10 : i32
    %ne3A_12 = arith.xori %lt3A_9, %lt3A_11 : i1
    %and3A = arith.andi %ne3A_12, %ne3A_7 : i1
    %add3A_13 = arith.addi %rem3A, %select_n3A : i32
    %select_n3A_14 = arith.select %and3A, %add3A_13, %rem3A : i32
    %eq3A_15 = arith.constant 0 : i32
    %eq3A_16 = arith.cmpi eq, %select_n3A_14, %eq3A_15 : i32
    %and3A_17 = arith.andi %lt3A_3, %eq3A_16 : i1
    %convert_element_type3A_18 = arith.extui %and3A_17 : i1 to i32
    %cond3A_19 = arith.constant 0 : i32
    %cond3A_20 = arith.cmpi ne, %convert_element_type3A_18, %cond3A_19 : i32
    scf.if %cond3A_20 {
      %mul3A_144 = arith.constant 8192 : i32
      %mul3A_145 = arith.muli %add3A_2, %mul3A_144 : i32
      %dma_start3A = arith.constant 0 : i32
      %dma_start3A_146 = arith.constant 0 : i32
      %dma_start3A_147 = arith.constant 0 : i32
      %dma_start3A_148 = tpu.memref_slice %arg3[%dma_start3A, %dma_start3A_146, %dma_start3A_147] : memref<2x8192x384xf32, #tpu.memory_space<vmem>> -> memref<1x8192x384xf32, #tpu.memory_space<vmem>>
      %dma_start3A_149 = tpu.memref_squeeze %dma_start3A_148 : memref<1x8192x384xf32, #tpu.memory_space<vmem>> -> memref<8192x384xf32, #tpu.memory_space<vmem>>
      %dma_start3A_150 = arith.constant 128 : i32
      %dma_start3A_151 = tpu.memref_slice %arg1[%mul3A_145, %dma_start3A_150] : memref<32768x512xf32, #tpu.memory_space<hbm>> -> memref<8192x384xf32, #tpu.memory_space<hbm>>
      tpu.enqueue_dma source(%dma_start3A_151 : memref<8192x384xf32, #tpu.memory_space<hbm>>) target(%dma_start3A_149 : memref<8192x384xf32, #tpu.memory_space<vmem>>) target_semaphore(%arg4 : memref<!tpu.dma_semaphore, #tpu.memory_space<semaphore_mem>>)
    } else {
    }
    %lt3A_21 = arith.constant 4 : i32
    %lt3A_22 = arith.cmpi slt, %add3A_2, %lt3A_21 : i32
    %jit3A_23 = arith.constant 2 : i32
    %eq3A_24 = arith.constant 0 : i32
    %eq3A_25 = arith.cmpi eq, %jit3A_23, %eq3A_24 : i32
    %jit3A_26 = arith.constant 1 : i32
    %select_n3A_27 = arith.select %eq3A_25, %jit3A_26, %jit3A_23 : i32
    %rem3A_28 = arith.remsi %add3A_2, %select_n3A_27 : i32
    %ne3A_29 = arith.constant 0 : i32
    %ne3A_30 = arith.cmpi ne, %rem3A_28, %ne3A_29 : i32
    %lt3A_31 = arith.constant 0 : i32
    %lt3A_32 = arith.cmpi slt, %rem3A_28, %lt3A_31 : i32
    %lt3A_33 = arith.constant 0 : i32
    %lt3A_34 = arith.cmpi slt, %select_n3A_27, %lt3A_33 : i32
    %ne3A_35 = arith.xori %lt3A_32, %lt3A_34 : i1
    %and3A_36 = arith.andi %ne3A_35, %ne3A_30 : i1
    %add3A_37 = arith.addi %rem3A_28, %select_n3A_27 : i32
    %select_n3A_38 = arith.select %and3A_36, %add3A_37, %rem3A_28 : i32
    %eq3A_39 = arith.constant 1 : i32
    %eq3A_40 = arith.cmpi eq, %select_n3A_38, %eq3A_39 : i32
    %and3A_41 = arith.andi %lt3A_22, %eq3A_40 : i1
    %convert_element_type3A_42 = arith.extui %and3A_41 : i1 to i32
    %cond3A_43 = arith.constant 0 : i32
    %cond3A_44 = arith.cmpi ne, %convert_element_type3A_42, %cond3A_43 : i32
    scf.if %cond3A_44 {
      %mul3A_144 = arith.constant 8192 : i32
      %mul3A_145 = arith.muli %add3A_2, %mul3A_144 : i32
      %dma_start3A = arith.constant 1 : i32
      %dma_start3A_146 = arith.constant 0 : i32
      %dma_start3A_147 = arith.constant 0 : i32
      %dma_start3A_148 = tpu.memref_slice %arg3[%dma_start3A, %dma_start3A_146, %dma_start3A_147] : memref<2x8192x384xf32, #tpu.memory_space<vmem>> -> memref<1x8192x384xf32, #tpu.memory_space<vmem>>
      %dma_start3A_149 = tpu.memref_squeeze %dma_start3A_148 : memref<1x8192x384xf32, #tpu.memory_space<vmem>> -> memref<8192x384xf32, #tpu.memory_space<vmem>>
      %dma_start3A_150 = arith.constant 128 : i32
      %dma_start3A_151 = tpu.memref_slice %arg1[%mul3A_145, %dma_start3A_150] : memref<32768x512xf32, #tpu.memory_space<hbm>> -> memref<8192x384xf32, #tpu.memory_space<hbm>>
      tpu.enqueue_dma source(%dma_start3A_151 : memref<8192x384xf32, #tpu.memory_space<hbm>>) target(%dma_start3A_149 : memref<8192x384xf32, #tpu.memory_space<vmem>>) target_semaphore(%arg5 : memref<!tpu.dma_semaphore, #tpu.memory_space<semaphore_mem>>)
    } else {
    }
    %jit3A_45 = arith.constant 2 : i32
    %eq3A_46 = arith.constant 0 : i32
    %eq3A_47 = arith.cmpi eq, %jit3A_45, %eq3A_46 : i32
    %jit3A_48 = arith.constant 1 : i32
    %select_n3A_49 = arith.select %eq3A_47, %jit3A_48, %jit3A_45 : i32
    %rem3A_50 = arith.remsi %arg0, %select_n3A_49 : i32
    %ne3A_51 = arith.constant 0 : i32
    %ne3A_52 = arith.cmpi ne, %rem3A_50, %ne3A_51 : i32
    %lt3A_53 = arith.constant 0 : i32
    %lt3A_54 = arith.cmpi slt, %rem3A_50, %lt3A_53 : i32
    %lt3A_55 = arith.constant 0 : i32
    %lt3A_56 = arith.cmpi slt, %select_n3A_49, %lt3A_55 : i32
    %ne3A_57 = arith.xori %lt3A_54, %lt3A_56 : i1
    %and3A_58 = arith.andi %ne3A_57, %ne3A_52 : i1
    %add3A_59 = arith.addi %rem3A_50, %select_n3A_49 : i32
    %select_n3A_60 = arith.select %and3A_58, %add3A_59, %rem3A_50 : i32
    %eq3A_61 = arith.constant 0 : i32
    %eq3A_62 = arith.cmpi eq, %select_n3A_60, %eq3A_61 : i32
    %convert_element_type3A_63 = arith.extui %eq3A_62 : i1 to i32
    %cond3A_64 = arith.constant 0 : i32
    %cond3A_65 = arith.cmpi ne, %convert_element_type3A_63, %cond3A_64 : i32
    scf.if %cond3A_65 {
      %mul3A_144 = arith.constant 8192 : i32
      %mul3A_145 = arith.muli %arg0, %mul3A_144 : i32
      %dma_wait3A = arith.constant 0 : i32
      %dma_wait3A_146 = arith.constant 0 : i32
      %dma_wait3A_147 = arith.constant 0 : i32
      %dma_wait3A_148 = tpu.memref_slice %arg3[%dma_wait3A, %dma_wait3A_146, %dma_wait3A_147] : memref<2x8192x384xf32, #tpu.memory_space<vmem>> -> memref<1x8192x384xf32, #tpu.memory_space<vmem>>
      %dma_wait3A_149 = tpu.memref_squeeze %dma_wait3A_148 : memref<1x8192x384xf32, #tpu.memory_space<vmem>> -> memref<8192x384xf32, #tpu.memory_space<vmem>>
      %dma_wait3A_150 = arith.constant 128 : i32
      %dma_wait3A_151 = tpu.memref_slice %arg1[%mul3A_145, %dma_wait3A_150] : memref<32768x512xf32, #tpu.memory_space<hbm>> -> memref<8192x384xf32, #tpu.memory_space<hbm>>
      tpu.wait_dma2 semaphore(%arg4 : memref<!tpu.dma_semaphore, #tpu.memory_space<semaphore_mem>>) src(%dma_wait3A_151 : memref<8192x384xf32, #tpu.memory_space<hbm>>) dst(%dma_wait3A_149 : memref<8192x384xf32, #tpu.memory_space<vmem>>)
    } else {
    }
    %jit3A_66 = arith.constant 2 : i32
    %eq3A_67 = arith.constant 0 : i32
    %eq3A_68 = arith.cmpi eq, %jit3A_66, %eq3A_67 : i32
    %jit3A_69 = arith.constant 1 : i32
    %select_n3A_70 = arith.select %eq3A_68, %jit3A_69, %jit3A_66 : i32
    %rem3A_71 = arith.remsi %arg0, %select_n3A_70 : i32
    %ne3A_72 = arith.constant 0 : i32
    %ne3A_73 = arith.cmpi ne, %rem3A_71, %ne3A_72 : i32
    %lt3A_74 = arith.constant 0 : i32
    %lt3A_75 = arith.cmpi slt, %rem3A_71, %lt3A_74 : i32
    %lt3A_76 = arith.constant 0 : i32
    %lt3A_77 = arith.cmpi slt, %select_n3A_70, %lt3A_76 : i32
    %ne3A_78 = arith.xori %lt3A_75, %lt3A_77 : i1
    %and3A_79 = arith.andi %ne3A_78, %ne3A_73 : i1
    %add3A_80 = arith.addi %rem3A_71, %select_n3A_70 : i32
    %select_n3A_81 = arith.select %and3A_79, %add3A_80, %rem3A_71 : i32
    %eq3A_82 = arith.constant 1 : i32
    %eq3A_83 = arith.cmpi eq, %select_n3A_81, %eq3A_82 : i32
    %convert_element_type3A_84 = arith.extui %eq3A_83 : i1 to i32
    %cond3A_85 = arith.constant 0 : i32
    %cond3A_86 = arith.cmpi ne, %convert_element_type3A_84, %cond3A_85 : i32
    scf.if %cond3A_86 {
      %mul3A_144 = arith.constant 8192 : i32
      %mul3A_145 = arith.muli %arg0, %mul3A_144 : i32
      %dma_wait3A = arith.constant 1 : i32
      %dma_wait3A_146 = arith.constant 0 : i32
      %dma_wait3A_147 = arith.constant 0 : i32
      %dma_wait3A_148 = tpu.memref_slice %arg3[%dma_wait3A, %dma_wait3A_146, %dma_wait3A_147] : memref<2x8192x384xf32, #tpu.memory_space<vmem>> -> memref<1x8192x384xf32, #tpu.memory_space<vmem>>
      %dma_wait3A_149 = tpu.memref_squeeze %dma_wait3A_148 : memref<1x8192x384xf32, #tpu.memory_space<vmem>> -> memref<8192x384xf32, #tpu.memory_space<vmem>>
      %dma_wait3A_150 = arith.constant 128 : i32
      %dma_wait3A_151 = tpu.memref_slice %arg1[%mul3A_145, %dma_wait3A_150] : memref<32768x512xf32, #tpu.memory_space<hbm>> -> memref<8192x384xf32, #tpu.memory_space<hbm>>
      tpu.wait_dma2 semaphore(%arg5 : memref<!tpu.dma_semaphore, #tpu.memory_space<semaphore_mem>>) src(%dma_wait3A_151 : memref<8192x384xf32, #tpu.memory_space<hbm>>) dst(%dma_wait3A_149 : memref<8192x384xf32, #tpu.memory_space<vmem>>)
    } else {
    }
    %jit3A_87 = arith.constant 2 : i32
    %eq3A_88 = arith.constant 0 : i32
    %eq3A_89 = arith.cmpi eq, %jit3A_87, %eq3A_88 : i32
    %jit3A_90 = arith.constant 1 : i32
    %select_n3A_91 = arith.select %eq3A_89, %jit3A_90, %jit3A_87 : i32
    %rem3A_92 = arith.remsi %arg0, %select_n3A_91 : i32
    %ne3A_93 = arith.constant 0 : i32
    %ne3A_94 = arith.cmpi ne, %rem3A_92, %ne3A_93 : i32
    %lt3A_95 = arith.constant 0 : i32
    %lt3A_96 = arith.cmpi slt, %rem3A_92, %lt3A_95 : i32
    %lt3A_97 = arith.constant 0 : i32
    %lt3A_98 = arith.cmpi slt, %select_n3A_91, %lt3A_97 : i32
    %ne3A_99 = arith.xori %lt3A_96, %lt3A_98 : i1
    %and3A_100 = arith.andi %ne3A_99, %ne3A_94 : i1
    %add3A_101 = arith.addi %rem3A_92, %select_n3A_91 : i32
    %select_n3A_102 = arith.select %and3A_100, %add3A_101, %rem3A_92 : i32
    %get3A = arith.index_cast %select_n3A_102 : i32 to index
    %get3A_103 = arith.constant 0 : index
    %get3A_104 = arith.constant 0 : index
    %get3A_105 = vector.load %arg3[%get3A, %get3A_103, %get3A_104] : memref<2x8192x384xf32, #tpu.memory_space<vmem>>, vector<1x8192x384xf32>
    %get3A_106 = vector.shape_cast %get3A_105 : vector<1x8192x384xf32> to vector<8192x384xf32>
    %mul3A = arith.mulf %get3A_106, %get3A_106 : vector<8192x384xf32>
    %iota3A = tpu.iota {dimensions = array<i32: 0>} : vector<384x128xi32>
    %iota3A_107 = tpu.iota {dimensions = array<i32: 1>} : vector<384x128xi32>
    %jit3A_108 = arith.constant 3 : i32
    %div3A = vector.broadcast %jit3A_108 : i32 to vector<384x128xi32>
    %div3A_109 = arith.divsi %iota3A, %div3A : vector<384x128xi32>
    %sign3A = arith.constant 0 : i32
    %sign3A_110 = vector.broadcast %sign3A : i32 to vector<384x128xi32>
    %sign3A_111 = arith.cmpi sgt, %iota3A, %sign3A_110 : vector<384x128xi32>
    %sign3A_112 = arith.extui %sign3A_111 : vector<384x128xi1> to vector<384x128xi32>
    %sign3A_113 = arith.constant 0 : i32
    %sign3A_114 = vector.broadcast %sign3A_113 : i32 to vector<384x128xi32>
    %sign3A_115 = arith.cmpi slt, %iota3A, %sign3A_114 : vector<384x128xi32>
    %sign3A_116 = arith.extui %sign3A_115 : vector<384x128xi1> to vector<384x128xi32>
    %sign3A_117 = arith.subi %sign3A_112, %sign3A_116 : vector<384x128xi32>
    %sign3A_118 = arith.constant 0 : i32
    %sign3A_119 = arith.cmpi sgt, %jit3A_108, %sign3A_118 : i32
    %sign3A_120 = arith.extui %sign3A_119 : i1 to i32
    %sign3A_121 = arith.constant 0 : i32
    %sign3A_122 = arith.cmpi slt, %jit3A_108, %sign3A_121 : i32
    %sign3A_123 = arith.extui %sign3A_122 : i1 to i32
    %sign3A_124 = arith.subi %sign3A_120, %sign3A_123 : i32
    %ne3A_125 = vector.broadcast %sign3A_124 : i32 to vector<384x128xi32>
    %ne3A_126 = arith.cmpi ne, %sign3A_117, %ne3A_125 : vector<384x128xi32>
    %rem3A_127 = vector.broadcast %jit3A_108 : i32 to vector<384x128xi32>
    %rem3A_128 = arith.remsi %iota3A, %rem3A_127 : vector<384x128xi32>
    %ne3A_129 = arith.constant 0 : i32
    %ne3A_130 = vector.broadcast %ne3A_129 : i32 to vector<384x128xi32>
    %ne3A_131 = arith.cmpi ne, %rem3A_128, %ne3A_130 : vector<384x128xi32>
    %and3A_132 = arith.andi %ne3A_126, %ne3A_131 : vector<384x128xi1>
    %sub3A = arith.constant 1 : i32
    %sub3A_133 = vector.broadcast %sub3A : i32 to vector<384x128xi32>
    %sub3A_134 = arith.subi %div3A_109, %sub3A_133 : vector<384x128xi32>
    %select_n3A_135 = arith.select %and3A_132, %sub3A_134, %div3A_109 : vector<384x128xi1>, vector<384x128xi32>
    %eq3A_136 = arith.cmpi eq, %select_n3A_135, %iota3A_107 : vector<384x128xi32>
    %jit3A_137 = arith.constant 1.000000e+00 : f32
    %jit3A_138 = arith.constant 0.000000e+00 : f32
    %broadcast_in_dim3A = vector.broadcast %jit3A_137 : f32 to vector<384x128xf32>
    %broadcast_in_dim3A_139 = vector.broadcast %jit3A_138 : f32 to vector<384x128xf32>
    %select_n3A_140 = arith.select %eq3A_136, %broadcast_in_dim3A, %broadcast_in_dim3A_139 : vector<384x128xi1>, vector<384x128xf32>
    %dot_general3A = arith.constant dense<0.000000e+00> : vector<8192x128xf32>
    %dot_general3A_141 = tpu.matmul %mul3A, %select_n3A_140, %dot_general3A {dimension_numbers = #tpu.dot_dimension_numbers<[1], [0], [0], [1], [0, 0, 1, 1], [], []>, transpose_lhs_hint = false} : vector<8192x384xf32>, vector<384x128xf32>, vector<8192x128xf32> -> vector<8192x128xf32>
    %sqrt3A = math.sqrt %dot_general3A_141 : vector<8192x128xf32>
    %swap3A = arith.constant 0 : index
    %swap3A_142 = arith.constant 0 : index
    %swap3A_143 = vector.load %arg2[%swap3A, %swap3A_142] : memref<8192x128xf32, #tpu.memory_space<vmem>>, vector<8192x128xf32>
    tpu.vector_store %arg2[%swap3A, %swap3A_142], %sqrt3A {strides = array<i32>} : memref<8192x128xf32, #tpu.memory_space<vmem>>, vector<8192x128xf32>,
    return
  }
  func.func @transform_1(%arg0: i32) -> (i32, i32) {
    %c0_i32 = arith.constant 0 : i32
    %c0_i32_0 = arith.constant 0 : i32
    return %arg0, %c0_i32 : i32, i32
  }
}

module attributes {stable_mosaic.version = 14 : i64} {
  func.func @body(%arg0: memref<32x16x128xf32, #tpu.memory_space<vmem>>, %arg1: memref<32x16x128xf32, #tpu.memory_space<vmem>>, %arg2: memref<256x128xi32, #tpu.memory_space<vmem>>, %arg3: memref<16x256xf32, #tpu.memory_space<vmem>>) attributes {dimension_semantics = [], scalar_prefetch = 0 : i64, scratch_operands = 0 : i64, tpu.core_type = #tpu.core_type<tc>} {
    %get3A = arith.constant 0 : index
    %get3A_0 = arith.constant 0 : index
    %get3A_1 = arith.constant 0 : index
    %get3A_2 = vector.load %arg0[%get3A, %get3A_0, %get3A_1] : memref<32x16x128xf32, #tpu.memory_space<vmem>>, vector<32x16x128xf32>
    %reduce_sum3A = arith.constant dense<0.000000e+00> : vector<16x128xf32>
    %reduce_sum3A_3 = vector.multi_reduction <add>, %get3A_2, %reduce_sum3A [0] : vector<32x16x128xf32> to vector<16x128xf32>
    %get3A_4 = arith.constant 0 : index
    %get3A_5 = arith.constant 0 : index
    %get3A_6 = arith.constant 0 : index
    %get3A_7 = vector.load %arg1[%get3A_4, %get3A_5, %get3A_6] : memref<32x16x128xf32, #tpu.memory_space<vmem>>, vector<32x16x128xf32>
    %reduce_sum3A_8 = arith.constant dense<0.000000e+00> : vector<16x128xf32>
    %reduce_sum3A_9 = vector.multi_reduction <add>, %get3A_7, %reduce_sum3A_8 [0] : vector<32x16x128xf32> to vector<16x128xf32>
    %get3A_10 = arith.constant 0 : index
    %get3A_11 = arith.constant 0 : index
    %get3A_12 = vector.load %arg2[%get3A_10, %get3A_11] : memref<256x128xi32, #tpu.memory_space<vmem>>, vector<256x128xi32>
    %eq3A = arith.constant 0 : i32
    %eq3A_13 = vector.broadcast %eq3A : i32 to vector<256x128xi32>
    %eq3A_14 = arith.cmpi eq, %get3A_12, %eq3A_13 : vector<256x128xi32>
    %jit3A = arith.constant 1.000000e+00 : f32
    %jit3A_15 = arith.constant 0.000000e+00 : f32
    %broadcast_in_dim3A = vector.broadcast %jit3A : f32 to vector<256x128xf32>
    %broadcast_in_dim3A_16 = vector.broadcast %jit3A_15 : f32 to vector<256x128xf32>
    %select_n3A = arith.select %eq3A_14, %broadcast_in_dim3A, %broadcast_in_dim3A_16 : vector<256x128xi1>, vector<256x128xf32>
    %reduce_sum3A_17 = vector.shape_cast %select_n3A : vector<256x128xf32> to vector<1x256x128xf32>
    %reduce_sum3A_18 = arith.constant dense<0.000000e+00> : vector<1xf32>
    %reduce_sum3A_19 = vector.multi_reduction <add>, %reduce_sum3A_17, %reduce_sum3A_18 [1, 2] : vector<1x256x128xf32> to vector<1xf32>
    %reduce_sum3A_20 = vector.shape_cast %reduce_sum3A_19 : vector<1xf32> to vector<1x1x1xf32>
    %reduce_sum3A_21 = vector.extract %reduce_sum3A_20[0, 0, 0] : f32 from vector<1x1x1xf32>
    %eq3A_22 = arith.constant 1 : i32
    %eq3A_23 = vector.broadcast %eq3A_22 : i32 to vector<256x128xi32>
    %eq3A_24 = arith.cmpi eq, %get3A_12, %eq3A_23 : vector<256x128xi32>
    %jit3A_25 = arith.constant 1.000000e+00 : f32
    %jit3A_26 = arith.constant 0.000000e+00 : f32
    %broadcast_in_dim3A_27 = vector.broadcast %jit3A_25 : f32 to vector<256x128xf32>
    %broadcast_in_dim3A_28 = vector.broadcast %jit3A_26 : f32 to vector<256x128xf32>
    %select_n3A_29 = arith.select %eq3A_24, %broadcast_in_dim3A_27, %broadcast_in_dim3A_28 : vector<256x128xi1>, vector<256x128xf32>
    %reduce_sum3A_30 = vector.shape_cast %select_n3A_29 : vector<256x128xf32> to vector<1x256x128xf32>
    %reduce_sum3A_31 = arith.constant dense<0.000000e+00> : vector<1xf32>
    %reduce_sum3A_32 = vector.multi_reduction <add>, %reduce_sum3A_30, %reduce_sum3A_31 [1, 2] : vector<1x256x128xf32> to vector<1xf32>
    %reduce_sum3A_33 = vector.shape_cast %reduce_sum3A_32 : vector<1xf32> to vector<1x1x1xf32>
    %reduce_sum3A_34 = vector.extract %reduce_sum3A_33[0, 0, 0] : f32 from vector<1x1x1xf32>
    %eq3A_35 = arith.constant 2 : i32
    %eq3A_36 = vector.broadcast %eq3A_35 : i32 to vector<256x128xi32>
    %eq3A_37 = arith.cmpi eq, %get3A_12, %eq3A_36 : vector<256x128xi32>
    %jit3A_38 = arith.constant 1.000000e+00 : f32
    %jit3A_39 = arith.constant 0.000000e+00 : f32
    %broadcast_in_dim3A_40 = vector.broadcast %jit3A_38 : f32 to vector<256x128xf32>
    %broadcast_in_dim3A_41 = vector.broadcast %jit3A_39 : f32 to vector<256x128xf32>
    %select_n3A_42 = arith.select %eq3A_37, %broadcast_in_dim3A_40, %broadcast_in_dim3A_41 : vector<256x128xi1>, vector<256x128xf32>
    %reduce_sum3A_43 = vector.shape_cast %select_n3A_42 : vector<256x128xf32> to vector<1x256x128xf32>
    %reduce_sum3A_44 = arith.constant dense<0.000000e+00> : vector<1xf32>
    %reduce_sum3A_45 = vector.multi_reduction <add>, %reduce_sum3A_43, %reduce_sum3A_44 [1, 2] : vector<1x256x128xf32> to vector<1xf32>
    %reduce_sum3A_46 = vector.shape_cast %reduce_sum3A_45 : vector<1xf32> to vector<1x1x1xf32>
    %reduce_sum3A_47 = vector.extract %reduce_sum3A_46[0, 0, 0] : f32 from vector<1x1x1xf32>
    %eq3A_48 = arith.constant 3 : i32
    %eq3A_49 = vector.broadcast %eq3A_48 : i32 to vector<256x128xi32>
    %eq3A_50 = arith.cmpi eq, %get3A_12, %eq3A_49 : vector<256x128xi32>
    %jit3A_51 = arith.constant 1.000000e+00 : f32
    %jit3A_52 = arith.constant 0.000000e+00 : f32
    %broadcast_in_dim3A_53 = vector.broadcast %jit3A_51 : f32 to vector<256x128xf32>
    %broadcast_in_dim3A_54 = vector.broadcast %jit3A_52 : f32 to vector<256x128xf32>
    %select_n3A_55 = arith.select %eq3A_50, %broadcast_in_dim3A_53, %broadcast_in_dim3A_54 : vector<256x128xi1>, vector<256x128xf32>
    %reduce_sum3A_56 = vector.shape_cast %select_n3A_55 : vector<256x128xf32> to vector<1x256x128xf32>
    %reduce_sum3A_57 = arith.constant dense<0.000000e+00> : vector<1xf32>
    %reduce_sum3A_58 = vector.multi_reduction <add>, %reduce_sum3A_56, %reduce_sum3A_57 [1, 2] : vector<1x256x128xf32> to vector<1xf32>
    %reduce_sum3A_59 = vector.shape_cast %reduce_sum3A_58 : vector<1xf32> to vector<1x1x1xf32>
    %reduce_sum3A_60 = vector.extract %reduce_sum3A_59[0, 0, 0] : f32 from vector<1x1x1xf32>
    %eq3A_61 = arith.constant 4 : i32
    %eq3A_62 = vector.broadcast %eq3A_61 : i32 to vector<256x128xi32>
    %eq3A_63 = arith.cmpi eq, %get3A_12, %eq3A_62 : vector<256x128xi32>
    %jit3A_64 = arith.constant 1.000000e+00 : f32
    %jit3A_65 = arith.constant 0.000000e+00 : f32
    %broadcast_in_dim3A_66 = vector.broadcast %jit3A_64 : f32 to vector<256x128xf32>
    %broadcast_in_dim3A_67 = vector.broadcast %jit3A_65 : f32 to vector<256x128xf32>
    %select_n3A_68 = arith.select %eq3A_63, %broadcast_in_dim3A_66, %broadcast_in_dim3A_67 : vector<256x128xi1>, vector<256x128xf32>
    %reduce_sum3A_69 = vector.shape_cast %select_n3A_68 : vector<256x128xf32> to vector<1x256x128xf32>
    %reduce_sum3A_70 = arith.constant dense<0.000000e+00> : vector<1xf32>
    %reduce_sum3A_71 = vector.multi_reduction <add>, %reduce_sum3A_69, %reduce_sum3A_70 [1, 2] : vector<1x256x128xf32> to vector<1xf32>
    %reduce_sum3A_72 = vector.shape_cast %reduce_sum3A_71 : vector<1xf32> to vector<1x1x1xf32>
    %reduce_sum3A_73 = vector.extract %reduce_sum3A_72[0, 0, 0] : f32 from vector<1x1x1xf32>
    %eq3A_74 = arith.constant 5 : i32
    %eq3A_75 = vector.broadcast %eq3A_74 : i32 to vector<256x128xi32>
    %eq3A_76 = arith.cmpi eq, %get3A_12, %eq3A_75 : vector<256x128xi32>
    %jit3A_77 = arith.constant 1.000000e+00 : f32
    %jit3A_78 = arith.constant 0.000000e+00 : f32
    %broadcast_in_dim3A_79 = vector.broadcast %jit3A_77 : f32 to vector<256x128xf32>
    %broadcast_in_dim3A_80 = vector.broadcast %jit3A_78 : f32 to vector<256x128xf32>
    %select_n3A_81 = arith.select %eq3A_76, %broadcast_in_dim3A_79, %broadcast_in_dim3A_80 : vector<256x128xi1>, vector<256x128xf32>
    %reduce_sum3A_82 = vector.shape_cast %select_n3A_81 : vector<256x128xf32> to vector<1x256x128xf32>
    %reduce_sum3A_83 = arith.constant dense<0.000000e+00> : vector<1xf32>
    %reduce_sum3A_84 = vector.multi_reduction <add>, %reduce_sum3A_82, %reduce_sum3A_83 [1, 2] : vector<1x256x128xf32> to vector<1xf32>
    %reduce_sum3A_85 = vector.shape_cast %reduce_sum3A_84 : vector<1xf32> to vector<1x1x1xf32>
    %reduce_sum3A_86 = vector.extract %reduce_sum3A_85[0, 0, 0] : f32 from vector<1x1x1xf32>
    %eq3A_87 = arith.constant 6 : i32
    %eq3A_88 = vector.broadcast %eq3A_87 : i32 to vector<256x128xi32>
    %eq3A_89 = arith.cmpi eq, %get3A_12, %eq3A_88 : vector<256x128xi32>
    %jit3A_90 = arith.constant 1.000000e+00 : f32
    %jit3A_91 = arith.constant 0.000000e+00 : f32
    %broadcast_in_dim3A_92 = vector.broadcast %jit3A_90 : f32 to vector<256x128xf32>
    %broadcast_in_dim3A_93 = vector.broadcast %jit3A_91 : f32 to vector<256x128xf32>
    %select_n3A_94 = arith.select %eq3A_89, %broadcast_in_dim3A_92, %broadcast_in_dim3A_93 : vector<256x128xi1>, vector<256x128xf32>
    %reduce_sum3A_95 = vector.shape_cast %select_n3A_94 : vector<256x128xf32> to vector<1x256x128xf32>
    %reduce_sum3A_96 = arith.constant dense<0.000000e+00> : vector<1xf32>
    %reduce_sum3A_97 = vector.multi_reduction <add>, %reduce_sum3A_95, %reduce_sum3A_96 [1, 2] : vector<1x256x128xf32> to vector<1xf32>
    %reduce_sum3A_98 = vector.shape_cast %reduce_sum3A_97 : vector<1xf32> to vector<1x1x1xf32>
    %reduce_sum3A_99 = vector.extract %reduce_sum3A_98[0, 0, 0] : f32 from vector<1x1x1xf32>
    %eq3A_100 = arith.constant 7 : i32
    %eq3A_101 = vector.broadcast %eq3A_100 : i32 to vector<256x128xi32>
    %eq3A_102 = arith.cmpi eq, %get3A_12, %eq3A_101 : vector<256x128xi32>
    %jit3A_103 = arith.constant 1.000000e+00 : f32
    %jit3A_104 = arith.constant 0.000000e+00 : f32
    %broadcast_in_dim3A_105 = vector.broadcast %jit3A_103 : f32 to vector<256x128xf32>
    %broadcast_in_dim3A_106 = vector.broadcast %jit3A_104 : f32 to vector<256x128xf32>
    %select_n3A_107 = arith.select %eq3A_102, %broadcast_in_dim3A_105, %broadcast_in_dim3A_106 : vector<256x128xi1>, vector<256x128xf32>
    %reduce_sum3A_108 = vector.shape_cast %select_n3A_107 : vector<256x128xf32> to vector<1x256x128xf32>
    %reduce_sum3A_109 = arith.constant dense<0.000000e+00> : vector<1xf32>
    %reduce_sum3A_110 = vector.multi_reduction <add>, %reduce_sum3A_108, %reduce_sum3A_109 [1, 2] : vector<1x256x128xf32> to vector<1xf32>
    %reduce_sum3A_111 = vector.shape_cast %reduce_sum3A_110 : vector<1xf32> to vector<1x1x1xf32>
    %reduce_sum3A_112 = vector.extract %reduce_sum3A_111[0, 0, 0] : f32 from vector<1x1x1xf32>
    %eq3A_113 = arith.constant 8 : i32
    %eq3A_114 = vector.broadcast %eq3A_113 : i32 to vector<256x128xi32>
    %eq3A_115 = arith.cmpi eq, %get3A_12, %eq3A_114 : vector<256x128xi32>
    %jit3A_116 = arith.constant 1.000000e+00 : f32
    %jit3A_117 = arith.constant 0.000000e+00 : f32
    %broadcast_in_dim3A_118 = vector.broadcast %jit3A_116 : f32 to vector<256x128xf32>
    %broadcast_in_dim3A_119 = vector.broadcast %jit3A_117 : f32 to vector<256x128xf32>
    %select_n3A_120 = arith.select %eq3A_115, %broadcast_in_dim3A_118, %broadcast_in_dim3A_119 : vector<256x128xi1>, vector<256x128xf32>
    %reduce_sum3A_121 = vector.shape_cast %select_n3A_120 : vector<256x128xf32> to vector<1x256x128xf32>
    %reduce_sum3A_122 = arith.constant dense<0.000000e+00> : vector<1xf32>
    %reduce_sum3A_123 = vector.multi_reduction <add>, %reduce_sum3A_121, %reduce_sum3A_122 [1, 2] : vector<1x256x128xf32> to vector<1xf32>
    %reduce_sum3A_124 = vector.shape_cast %reduce_sum3A_123 : vector<1xf32> to vector<1x1x1xf32>
    %reduce_sum3A_125 = vector.extract %reduce_sum3A_124[0, 0, 0] : f32 from vector<1x1x1xf32>
    %eq3A_126 = arith.constant 9 : i32
    %eq3A_127 = vector.broadcast %eq3A_126 : i32 to vector<256x128xi32>
    %eq3A_128 = arith.cmpi eq, %get3A_12, %eq3A_127 : vector<256x128xi32>
    %jit3A_129 = arith.constant 1.000000e+00 : f32
    %jit3A_130 = arith.constant 0.000000e+00 : f32
    %broadcast_in_dim3A_131 = vector.broadcast %jit3A_129 : f32 to vector<256x128xf32>
    %broadcast_in_dim3A_132 = vector.broadcast %jit3A_130 : f32 to vector<256x128xf32>
    %select_n3A_133 = arith.select %eq3A_128, %broadcast_in_dim3A_131, %broadcast_in_dim3A_132 : vector<256x128xi1>, vector<256x128xf32>
    %reduce_sum3A_134 = vector.shape_cast %select_n3A_133 : vector<256x128xf32> to vector<1x256x128xf32>
    %reduce_sum3A_135 = arith.constant dense<0.000000e+00> : vector<1xf32>
    %reduce_sum3A_136 = vector.multi_reduction <add>, %reduce_sum3A_134, %reduce_sum3A_135 [1, 2] : vector<1x256x128xf32> to vector<1xf32>
    %reduce_sum3A_137 = vector.shape_cast %reduce_sum3A_136 : vector<1xf32> to vector<1x1x1xf32>
    %reduce_sum3A_138 = vector.extract %reduce_sum3A_137[0, 0, 0] : f32 from vector<1x1x1xf32>
    %eq3A_139 = arith.constant 10 : i32
    %eq3A_140 = vector.broadcast %eq3A_139 : i32 to vector<256x128xi32>
    %eq3A_141 = arith.cmpi eq, %get3A_12, %eq3A_140 : vector<256x128xi32>
    %jit3A_142 = arith.constant 1.000000e+00 : f32
    %jit3A_143 = arith.constant 0.000000e+00 : f32
    %broadcast_in_dim3A_144 = vector.broadcast %jit3A_142 : f32 to vector<256x128xf32>
    %broadcast_in_dim3A_145 = vector.broadcast %jit3A_143 : f32 to vector<256x128xf32>
    %select_n3A_146 = arith.select %eq3A_141, %broadcast_in_dim3A_144, %broadcast_in_dim3A_145 : vector<256x128xi1>, vector<256x128xf32>
    %reduce_sum3A_147 = vector.shape_cast %select_n3A_146 : vector<256x128xf32> to vector<1x256x128xf32>
    %reduce_sum3A_148 = arith.constant dense<0.000000e+00> : vector<1xf32>
    %reduce_sum3A_149 = vector.multi_reduction <add>, %reduce_sum3A_147, %reduce_sum3A_148 [1, 2] : vector<1x256x128xf32> to vector<1xf32>
    %reduce_sum3A_150 = vector.shape_cast %reduce_sum3A_149 : vector<1xf32> to vector<1x1x1xf32>
    %reduce_sum3A_151 = vector.extract %reduce_sum3A_150[0, 0, 0] : f32 from vector<1x1x1xf32>
    %eq3A_152 = arith.constant 11 : i32
    %eq3A_153 = vector.broadcast %eq3A_152 : i32 to vector<256x128xi32>
    %eq3A_154 = arith.cmpi eq, %get3A_12, %eq3A_153 : vector<256x128xi32>
    %jit3A_155 = arith.constant 1.000000e+00 : f32
    %jit3A_156 = arith.constant 0.000000e+00 : f32
    %broadcast_in_dim3A_157 = vector.broadcast %jit3A_155 : f32 to vector<256x128xf32>
    %broadcast_in_dim3A_158 = vector.broadcast %jit3A_156 : f32 to vector<256x128xf32>
    %select_n3A_159 = arith.select %eq3A_154, %broadcast_in_dim3A_157, %broadcast_in_dim3A_158 : vector<256x128xi1>, vector<256x128xf32>
    %reduce_sum3A_160 = vector.shape_cast %select_n3A_159 : vector<256x128xf32> to vector<1x256x128xf32>
    %reduce_sum3A_161 = arith.constant dense<0.000000e+00> : vector<1xf32>
    %reduce_sum3A_162 = vector.multi_reduction <add>, %reduce_sum3A_160, %reduce_sum3A_161 [1, 2] : vector<1x256x128xf32> to vector<1xf32>
    %reduce_sum3A_163 = vector.shape_cast %reduce_sum3A_162 : vector<1xf32> to vector<1x1x1xf32>
    %reduce_sum3A_164 = vector.extract %reduce_sum3A_163[0, 0, 0] : f32 from vector<1x1x1xf32>
    %eq3A_165 = arith.constant 12 : i32
    %eq3A_166 = vector.broadcast %eq3A_165 : i32 to vector<256x128xi32>
    %eq3A_167 = arith.cmpi eq, %get3A_12, %eq3A_166 : vector<256x128xi32>
    %jit3A_168 = arith.constant 1.000000e+00 : f32
    %jit3A_169 = arith.constant 0.000000e+00 : f32
    %broadcast_in_dim3A_170 = vector.broadcast %jit3A_168 : f32 to vector<256x128xf32>
    %broadcast_in_dim3A_171 = vector.broadcast %jit3A_169 : f32 to vector<256x128xf32>
    %select_n3A_172 = arith.select %eq3A_167, %broadcast_in_dim3A_170, %broadcast_in_dim3A_171 : vector<256x128xi1>, vector<256x128xf32>
    %reduce_sum3A_173 = vector.shape_cast %select_n3A_172 : vector<256x128xf32> to vector<1x256x128xf32>
    %reduce_sum3A_174 = arith.constant dense<0.000000e+00> : vector<1xf32>
    %reduce_sum3A_175 = vector.multi_reduction <add>, %reduce_sum3A_173, %reduce_sum3A_174 [1, 2] : vector<1x256x128xf32> to vector<1xf32>
    %reduce_sum3A_176 = vector.shape_cast %reduce_sum3A_175 : vector<1xf32> to vector<1x1x1xf32>
    %reduce_sum3A_177 = vector.extract %reduce_sum3A_176[0, 0, 0] : f32 from vector<1x1x1xf32>
    %eq3A_178 = arith.constant 13 : i32
    %eq3A_179 = vector.broadcast %eq3A_178 : i32 to vector<256x128xi32>
    %eq3A_180 = arith.cmpi eq, %get3A_12, %eq3A_179 : vector<256x128xi32>
    %jit3A_181 = arith.constant 1.000000e+00 : f32
    %jit3A_182 = arith.constant 0.000000e+00 : f32
    %broadcast_in_dim3A_183 = vector.broadcast %jit3A_181 : f32 to vector<256x128xf32>
    %broadcast_in_dim3A_184 = vector.broadcast %jit3A_182 : f32 to vector<256x128xf32>
    %select_n3A_185 = arith.select %eq3A_180, %broadcast_in_dim3A_183, %broadcast_in_dim3A_184 : vector<256x128xi1>, vector<256x128xf32>
    %reduce_sum3A_186 = vector.shape_cast %select_n3A_185 : vector<256x128xf32> to vector<1x256x128xf32>
    %reduce_sum3A_187 = arith.constant dense<0.000000e+00> : vector<1xf32>
    %reduce_sum3A_188 = vector.multi_reduction <add>, %reduce_sum3A_186, %reduce_sum3A_187 [1, 2] : vector<1x256x128xf32> to vector<1xf32>
    %reduce_sum3A_189 = vector.shape_cast %reduce_sum3A_188 : vector<1xf32> to vector<1x1x1xf32>
    %reduce_sum3A_190 = vector.extract %reduce_sum3A_189[0, 0, 0] : f32 from vector<1x1x1xf32>
    %eq3A_191 = arith.constant 14 : i32
    %eq3A_192 = vector.broadcast %eq3A_191 : i32 to vector<256x128xi32>
    %eq3A_193 = arith.cmpi eq, %get3A_12, %eq3A_192 : vector<256x128xi32>
    %jit3A_194 = arith.constant 1.000000e+00 : f32
    %jit3A_195 = arith.constant 0.000000e+00 : f32
    %broadcast_in_dim3A_196 = vector.broadcast %jit3A_194 : f32 to vector<256x128xf32>
    %broadcast_in_dim3A_197 = vector.broadcast %jit3A_195 : f32 to vector<256x128xf32>
    %select_n3A_198 = arith.select %eq3A_193, %broadcast_in_dim3A_196, %broadcast_in_dim3A_197 : vector<256x128xi1>, vector<256x128xf32>
    %reduce_sum3A_199 = vector.shape_cast %select_n3A_198 : vector<256x128xf32> to vector<1x256x128xf32>
    %reduce_sum3A_200 = arith.constant dense<0.000000e+00> : vector<1xf32>
    %reduce_sum3A_201 = vector.multi_reduction <add>, %reduce_sum3A_199, %reduce_sum3A_200 [1, 2] : vector<1x256x128xf32> to vector<1xf32>
    %reduce_sum3A_202 = vector.shape_cast %reduce_sum3A_201 : vector<1xf32> to vector<1x1x1xf32>
    %reduce_sum3A_203 = vector.extract %reduce_sum3A_202[0, 0, 0] : f32 from vector<1x1x1xf32>
    %eq3A_204 = arith.constant 15 : i32
    %eq3A_205 = vector.broadcast %eq3A_204 : i32 to vector<256x128xi32>
    %eq3A_206 = arith.cmpi eq, %get3A_12, %eq3A_205 : vector<256x128xi32>
    %jit3A_207 = arith.constant 1.000000e+00 : f32
    %jit3A_208 = arith.constant 0.000000e+00 : f32
    %broadcast_in_dim3A_209 = vector.broadcast %jit3A_207 : f32 to vector<256x128xf32>
    %broadcast_in_dim3A_210 = vector.broadcast %jit3A_208 : f32 to vector<256x128xf32>
    %select_n3A_211 = arith.select %eq3A_206, %broadcast_in_dim3A_209, %broadcast_in_dim3A_210 : vector<256x128xi1>, vector<256x128xf32>
    %reduce_sum3A_212 = vector.shape_cast %select_n3A_211 : vector<256x128xf32> to vector<1x256x128xf32>
    %reduce_sum3A_213 = arith.constant dense<0.000000e+00> : vector<1xf32>
    %reduce_sum3A_214 = vector.multi_reduction <add>, %reduce_sum3A_212, %reduce_sum3A_213 [1, 2] : vector<1x256x128xf32> to vector<1xf32>
    %reduce_sum3A_215 = vector.shape_cast %reduce_sum3A_214 : vector<1xf32> to vector<1x1x1xf32>
    %reduce_sum3A_216 = vector.extract %reduce_sum3A_215[0, 0, 0] : f32 from vector<1x1x1xf32>
    %stack3A = vector.broadcast %reduce_sum3A_21 : f32 to vector<1xf32>
    %stack3A_217 = vector.broadcast %reduce_sum3A_34 : f32 to vector<1xf32>
    %stack3A_218 = vector.broadcast %reduce_sum3A_47 : f32 to vector<1xf32>
    %stack3A_219 = vector.broadcast %reduce_sum3A_60 : f32 to vector<1xf32>
    %stack3A_220 = vector.broadcast %reduce_sum3A_73 : f32 to vector<1xf32>
    %stack3A_221 = vector.broadcast %reduce_sum3A_86 : f32 to vector<1xf32>
    %stack3A_222 = vector.broadcast %reduce_sum3A_99 : f32 to vector<1xf32>
    %stack3A_223 = vector.broadcast %reduce_sum3A_112 : f32 to vector<1xf32>
    %stack3A_224 = vector.broadcast %reduce_sum3A_125 : f32 to vector<1xf32>
    %stack3A_225 = vector.broadcast %reduce_sum3A_138 : f32 to vector<1xf32>
    %stack3A_226 = vector.broadcast %reduce_sum3A_151 : f32 to vector<1xf32>
    %stack3A_227 = vector.broadcast %reduce_sum3A_164 : f32 to vector<1xf32>
    %stack3A_228 = vector.broadcast %reduce_sum3A_177 : f32 to vector<1xf32>
    %stack3A_229 = vector.broadcast %reduce_sum3A_190 : f32 to vector<1xf32>
    %stack3A_230 = vector.broadcast %reduce_sum3A_203 : f32 to vector<1xf32>
    %stack3A_231 = vector.broadcast %reduce_sum3A_216 : f32 to vector<1xf32>
    %stack3A_232 = tpu.concatenate %stack3A, %stack3A_217, %stack3A_218, %stack3A_219, %stack3A_220, %stack3A_221, %stack3A_222, %stack3A_223, %stack3A_224, %stack3A_225, %stack3A_226, %stack3A_227, %stack3A_228, %stack3A_229, %stack3A_230, %stack3A_231 in 0 : vector<1xf32>, vector<1xf32>, vector<1xf32>, vector<1xf32>, vector<1xf32>, vector<1xf32>, vector<1xf32>, vector<1xf32>, vector<1xf32>, vector<1xf32>, vector<1xf32>, vector<1xf32>, vector<1xf32>, vector<1xf32>, vector<1xf32>, vector<1xf32> -> vector<16xf32>
    %max3A = arith.constant 1.000000e+00 : f32
    %max3A_233 = vector.broadcast %max3A : f32 to vector<16xf32>
    %max3A_234 = arith.maximumf %stack3A_232, %max3A_233 : vector<16xf32>
    %broadcast_in_dim3A_235 = vector.shape_cast %max3A_234 : vector<16xf32> to vector<16x1xf32>
    %concatenate3A = tpu.concatenate %reduce_sum3A_3, %reduce_sum3A_9 in 1 : vector<16x128xf32>, vector<16x128xf32> -> vector<16x256xf32>
    %div3A = vector.broadcast %broadcast_in_dim3A_235 : vector<16x1xf32> to vector<16x256xf32>
    %div3A_236 = arith.divf %concatenate3A, %div3A : vector<16x256xf32>
    %swap3A = arith.constant 0 : index
    %swap3A_237 = arith.constant 0 : index
    %swap3A_238 = vector.load %arg3[%swap3A, %swap3A_237] : memref<16x256xf32, #tpu.memory_space<vmem>>, vector<16x256xf32>
    tpu.vector_store %arg3[%swap3A, %swap3A_237], %div3A_236 {strides = array<i32>} : memref<16x256xf32, #tpu.memory_space<vmem>>, vector<16x256xf32>,
    return
  }
}

</mosaic_0001>

<sc_bundles>
// kernel: kernel.5.cloned.1.call-start
scs
__scs_entry_jumppad:
0x0: {  	(pc) =	sbr.rel $0x88, $3  }
0x1: {  	(tag) =	ssettag $0x0;
	lr =	simm.s32 $0x1  }
0x2: {  	[smem:$0x3F9E] =	sst lr;
	_ =	strace $0xD0000000  }
0x3: {  	_ = 	snop  }
0x4: {  	_ = 	snop  }
0x5: {  	_ = 	snop  }
0x6: {  	_ = 	snop  }
0x7: {  	_ = 	snop  }
__scs_overlays_trampoline_lowered:
0x8: {  	[smem:$0x3FAD] =	sst s0  }
0x9: {  	[smem:$0x3FAE] =	sst s1  }
0xa: {  	[smem:$0x3FAF] =	sst s2  }
0xb: {  	[smem:$0x3FB0] =	sst s3  }
0xc: {  	[smem:$0x3FB1] =	sst s4  }
0xd: {  	[smem:$0x3FB2] =	sst s5  }
0xe: {  	[smem:$0x3FB3] =	sst s6  }
0xf: {  	[smem:$0x3FB4] =	sst s7  }
0x10: {  	[smem:$0x3FB5] =	sst s8  }
0x11: {  	[smem:$0x3FB6] =	sst s9;
	s0 =	simm.s32 @!p0 $0x0  }
0x12: {  	s1 =	sld [smem:$0x3F9C];
	s0 =	simm.s32 @p0 $0x1  }
0x13: {  	[smem:$0x3FB7] =	sst s0;
	s0 =	simm.s32 @!p1 $0x0  }
0x14: {  	s2 =	sld [smem:$0x3F9B];
	s0 =	simm.s32 @p1 $0x1  }
0x15: {  	[smem:$0x3FB8] =	sst s0;
	s0 =	simm.s32 @!p2 $0x0  }
0x16: {  	s3 =	sld [smem:$0x3FDB];
	s0 =	simm.s32 @p2 $0x1  }
0x17: {  	s4 =	simm.s32 $0x1BF5;
	[smem:$0x3FBA] =	sst s0  }
0x18: {  	s0 =	sld [smem:$0x3F9D];
	_ =	swait.ge [sflag:s4], $0x0  }
0x19: {  	s7 =	sld [smem:$0x3F9E]  }
0x1a: {  	s8 =	sadd.s32 $0xFFFFE003, lr  }
0x1b: {  	s9 =	sadd.s32 $0xFFFFFEF7, lr;
	s5 =	simm.s32 $0xFFFFFFFF;
	p2 =	slt.u32 s8, $0xFFFFF086  }
0x1c: {  	p1 =	slt.u32 s9, $0xF7A;
	s5 =	simm.s32 @!p2 $0x0  }
0x1d: {  	s5 =	simm.s32 @p1 $0x1;
	p0 =	seq.s32 s7, s2  }
0x1e: {  	s7 =	smul.u32 @!p0 $0xF7A, s2;
	p2 =	seq.s32 @!p0 s5, $0x0  }
0x1f: {  	s9 =	smul.u32 $0xF7A, s1;
	s8 =	simm.s32 @!p0 $0x1BF5;
	p2 =	por !p2, p0  }
0x20: {  	[sflag:s8] =	ssyncset.s32 @!p0 $0xFFFFF086;
	s6 =	sadd.s32 @!p0 s3, s7;
	s7 =	simm.s32 @!p0 $0x108  }
0x21: {  	s3 =	sadd.s32 s3, s9;
	s6 =	sadd.s32 @!p0 $0x88, s6;
	s7 =	simm.s32 @p2 $0x1082  }
0x22: {  	[simem:s7], [sflag:s8] =	dma.local @!p0 [hbm:s6], $0xF7A  }
0x23: {  	s9 =	sor.u32 $0xD0000000, s2;
	s6 =	simm.s32 $0x108;
	_ =	swait.ge @!p0 [sflag:s8], $0x0  }
0x24: {  	s3 =	sadd.s32 $0x88, s3;
	s6 =	simm.s32 @!p1 $0x1082;
	[sflag:s4] =	ssyncset.s32 $0xFFFFF086  }
0x25: {  	[simem:s6], [sflag:s4] =	dma.local [hbm:s3], $0xF7A  }
0x26: {  	[smem:$0x3F9E] =	sst s1;
	(tag) =	ssettag s2;
	_ =	strace s9  }
0x27: {  	s1 =	sld [smem:$0x3FAE]  }
0x28: {  	s2 =	sld [smem:$0x3FAF]  }
0x29: {  	s4 =	sld [smem:$0x3FB1]  }
0x2a: {  	p0 =	seq.s32 s5, $0x0;
	s5 =	sld [smem:$0x3FB2]  }
0x2b: {  	s6 =	sld [smem:$0x3FB3]  }
0x2c: {  	s7 =	sld [smem:$0x3FB4]  }
0x2d: {  	s3 =	simm.s32 $0x108;
	s8 =	sld [smem:$0x3FB5]  }
0x2e: {  	s3 =	simm.s32 @!p0 $0x1082;
	s9 =	sld [smem:$0x3FB6]  }
0x2f: {  	lr =	sadd.s32 s0, s3;
	s0 =	sld [smem:$0x3FAD]  }
0x30: {  	s3 =	sld [smem:$0x3FB0]  }
0x31: {  	[smem:$0x3FB9] =	sst s10  }
0x32: {  	s10 =	sld [smem:$0x3FB7];
	_ =	sdelay $0x3  }
0x33: {  	p0 =	seq.s32 s10, $0x1;
	s10 =	sld [smem:$0x3FB9];
	_ =	sdelay $0x3  }
0x34: {  	[smem:$0x3FB9] =	sst s10  }
0x35: {  	s10 =	sld [smem:$0x3FB8];
	_ =	sdelay $0x3  }
0x36: {  	p1 =	seq.s32 s10, $0x1;
	s10 =	sld [smem:$0x3FB9];
	_ =	sdelay $0x3  }
0x37: {  	[smem:$0x3FB9] =	sst s10  }
0x38: {  	s10 =	sld [smem:$0x3FBA]  }
0x39: {  	_ = 	snop;
	(pc) =	sbr.ind lr, $3  }
0x3a: {  	_ = 	snop  }
0x3b: {  	_ = 	snop  }
0x3c: {  	p2 =	seq.s32 s10, $0x1;
	s10 =	sld [smem:$0x3FB9]  }
0x3d: {  	_ =	shalt  }
0x3e: {  	_ =	shalt  }
0x3f: {  	_ =	shalt  }
0x40: {  	_ =	shalt  }
0x41: {  	_ =	shalt  }
0x42: {  	_ =	shalt  }
0x43: {  	_ =	shalt  }
0x44: {  	_ =	shalt  }
0x45: {  	_ =	shalt  }
0x46: {  	_ =	shalt  }
0x47: {  	_ =	shalt  }
0x48: {  	_ =	shalt  }
0x49: {  	_ =	shalt  }
0x4a: {  	_ =	shalt  }
0x4b: {  	_ =	shalt  }
0x4c: {  	_ =	shalt  }
0x4d: {  	_ =	shalt  }
0x4e: {  	_ =	shalt  }
0x4f: {  	_ =	shalt  }
0x50: {  	_ =	shalt  }
0x51: {  	_ =	shalt  }
0x52: {  	_ =	shalt  }
0x53: {  	_ =	shalt  }
0x54: {  	_ =	shalt  }
0x55: {  	_ =	shalt  }
0x56: {  	_ =	shalt  }
0x57: {  	_ =	shalt  }
0x58: {  	_ =	shalt  }
0x59: {  	_ =	shalt  }
0x5a: {  	_ =	shalt  }
0x5b: {  	_ =	shalt  }
0x5c: {  	_ =	shalt  }
0x5d: {  	_ =	shalt  }
0x5e: {  	_ =	shalt  }
0x5f: {  	_ =	shalt  }
0x60: {  	_ =	shalt  }
0x61: {  	_ =	shalt  }
0x62: {  	_ =	shalt  }
0x63: {  	_ =	shalt  }
0x64: {  	_ =	shalt  }
0x65: {  	_ =	shalt  }
0x66: {  	_ =	shalt  }
0x67: {  	_ =	shalt  }
0x68: {  	_ =	shalt  }
0x69: {  	_ =	shalt  }
0x6a: {  	_ =	shalt  }
0x6b: {  	_ =	shalt  }
0x6c: {  	_ =	shalt  }
0x6d: {  	_ =	shalt  }
0x6e: {  	_ =	shalt  }
0x6f: {  	_ =	shalt  }
0x70: {  	_ =	shalt  }
0x71: {  	_ =	shalt  }
0x72: {  	_ =	shalt  }
0x73: {  	_ =	shalt  }
0x74: {  	_ =	shalt  }
0x75: {  	_ =	shalt  }
0x76: {  	_ =	shalt  }
0x77: {  	_ =	shalt  }
0x78: {  	_ =	shalt  }
0x79: {  	_ =	shalt  }
0x7a: {  	_ =	shalt  }
0x7b: {  	_ =	shalt  }
0x7c: {  	_ =	shalt  }
0x7d: {  	_ =	shalt  }
0x7e: {  	_ =	shalt  }
0x7f: {  	_ =	shalt  }
0x80: {  	_ =	shalt  }
0x81: {  	_ =	shalt  }
0x82: {  	_ =	shalt  }
0x83: {  	_ =	shalt  }
0x84: {  	_ =	shalt  }
0x85: {  	_ =	shalt  }
0x86: {  	_ =	shalt  }
0x87: {  	_ =	shalt  }
.Lfunc_end0:
.L_simem_size_0:
called_computation_lowered:
.L_overlay_start_0:
0x88: {  	s2 =	sld [smem:$0x3FD9]  }
0x89: {  	s3 =	sld [smem:$0x3FFE];
	_ =	sdelay $0x1  }
0x8a: {  	s1 =	srdreg.scid  }
0x8b: {  	s0 =	sand.u32 $0x1, s1  }
0x8c: {  	s17 =	sshll.u32 s0, $0xA;
	s2 =	sadd.s32 s3, s2  }
0x8d: {  	s2 =	sadd.s32 s2, s17  }
0x8e: {  	[smem:$0x3FC5] =	sst s2  }
0x8f: {  	_ = 	snop  }
0x90: {  	s2 =	sld [smem:$0x3FC9];
	(tm) =	ssettm $0x1  }
0x91: {  	s18 =	sld [smem:$0x3FFB];
	_ =	sdelay $0x3  }
0x92: {  	_ =	strace s18  }
0x93: {  	s3 =	sld [smem:$0x3FFC];
	_ =	sdelay $0x3  }
0x94: {  	_ =	strace s3  }
0x95: {  	s3 =	sld [smem:$0x3FFD];
	_ =	sdelay $0x3  }
0x96: {  	_ =	strace s3  }
0x97: {  	_ =	strace $0x8FFFFFFF  }
0x98: {  	s19 =	sld [smem:$0x3FDB];
	_ =	sdelay $0x1  }
0x99: {  	s4 =	simm.s32 $_scs_section_size  }
0x9a: {  	s5 =	simm.s32 $_size__tile_overlayer_lowered;
	s6 =	simm.s32 $_tile_overlayer_lowered  }
0x9b: {  	s22 =	simm.s32 $0x1BFF;
	s21 =	sshll.u32 s6, $0x1;
	s3 =	sadd.s32 s4, s19  }
0x9c: {  	s7 =	simm.s32 $0x0;
	s20 =	sshll.u32 s5, $0x1;
	s5 =	sadd.s32 s21, s3  }
0x9d: {  	[timem:s7], [sflag:s22] =	dma.local [hbm:s5], s20  }
0x9e: {  	_ =	swait.ge [sflag:s22], s20  }
0x9f: {  	s4 =	ssub.s32 $0x0, s20;
	[sflag:s22] =	ssyncset.done $0x0  }
0xa0: {  	[sflag:s22] =	ssyncadd.s32 s4;
	_ =	sdelay $0x1  }
0xa1: {  	s23 =	simm.s32 $0x1B8B  }
0xa2: {  	_ =	swait.ge [sflag:s23], $0x1  }
0xa3: {  	[sflag:s23] =	ssyncset.done $0x0  }
0xa4: {  	s25 =	simm.s32 $0x1B8E;
	s24 =	sld [smem:$0x3FFE];
	[sflag:s23] =	ssyncadd.s32 $0xFFFFFFFF  }
0xa5: {  	s26 =	simm.s32 $execute0_lowered;
	[smem:$0x3FD2] =	sst s25  }
0xa6: {  	s5 =	sshll.u32 s26, $0x1;
	_ =	strace $0x80000046;
	[dreg:$0x1] =	wrdreg $0xFFFFFFFF  }
0xa7: {  	s28 =	simm.s32 $_size_execute0_lowered;
	s3 =	sadd.s32 s3, s5;
	[dreg:$0x0] =	wrdreg $0x0  }
0xa8: {  	s5 =	sshll.u32 s28, $0x1;
	[dreg:$0x2] =	wrdreg s3  }
0xa9: {  	[dreg:$0x3] =	wrdreg s5  }
0xaa: {  	[dreg:$0x4] =	wrdreg $0xC0  }
0xab: {  	_ =	task [dreg:s7], $0x5FFFF  }
0xac: {  	[dreg:$0x1] =	wrdreg $0xFFFFFFFF  }
0xad: {  	[dreg:$0x0] =	wrdreg $0x60  }
0xae: {  	[dreg:$0x2] =	wrdreg s2  }
0xaf: {  	[dreg:$0x3] =	wrdreg s24  }
0xb0: {  	[dreg:$0x4] =	wrdreg $0x10C000  }
0xb1: {  	[dreg:$0x5] =	wrdreg $0x114000  }
0xb2: {  	[dreg:$0x6] =	wrdreg $0x9  }
0xb3: {  	_ =	task.clear_ibuf [dreg:s7], $0x7FFFF;
	_ =	strace $0x90000046  }
0xb4: {  	s29 =	simm.s32 $0x9;
	_ =	strace $0x80000048  }
0xb5: {  	_ =	swait.ge [sflag:s29], $0x1  }
0xb6: {  	[sflag:s29] =	ssyncadd.s32 $0xFFFFFFFF  }
0xb7: {  	_ =	strace $0x90000048  }
0xb8: {  	_ =	sfence  }
0xb9: {  	s30 =	sld [smem:$0x0];
	_ =	sdelay $0x2  }
0xba: {  	s31 =	sshll.u32 s1, $0xD;
	s1 =	sshrl.u32 s1, $0x2  }
0xbb: {  	s3 =	sand.u32 $0x4000, s31;
	s1 =	sadd.s32 s1, s30  }
0xbc: {  	s0 =	sor.u32 s3, s0;
	s1 =	sshll.u32 s1, $0x11  }
0xbd: {  	s0 =	sor.u32 s1, s0  }
0xbe: {  	s0 =	sadd.s32 $0x8F2B, s0  }
0xbf: {  	[sflag:s0] =	ssyncadd.remote.s32 $0x1  }
0xc0: {  	_ =	sfence.sel $0xFFFF  }
0xc1: {  	[dreg:$0x0] =	wrdreg $0xFFFFFFFF;
	(pc) =	sbr.abs _section_cstart, $3  }
0xc2: {  	[dreg:$0x1] =	wrdreg $0xFFFFFFFF  }
0xc3: {  	_ =	task.clear_ibuf [dreg:s7], $0x2FFFF;
	_ =	strace $0x9FFFFFFF  }
0xc4: {  	(tm) =	ssettm $0x7FFFFFFF  }
0xc5: {  	_ =	shalt  }
tec
execute0_lowered:
.L_overlay_start_1:
0x0: {  	(tag) =	ssettag $0x1  }
0x1: {  	s0 =	rddreg [dreg:$0x0]  }
0x2: {  	s6 =	rddreg [dreg:$0x1]  }
0x3: {  	s2 =	rddreg [dreg:$0x2]  }
0x4: {  	s3 =	rddreg [dreg:$0x3]  }
0x5: {  	s5 =	srdreg.scid;
	s1 =	stileid.u32  }
0x6: {  	s4 =	simm.s32 $0x0;
	s28 =	simm.s32 $0x10180;
	s29 =	simm.s32 $0x10200  }
0x7: {  	s31 =	simm.s32 $0x10300;
	s7 =	sand.u32 $0x1, s5;
	s23 =	sshll.u32 s1, $0x1  }
0x8: {  	[smem:$0x7FF] =	sst s4;
	s5 =	sadd.s32 $0x1200, s6;
	s30 =	sshll.u32 s1, $0x4  }
0x9: {  	s8 =	sor.u32 s7, s23;
	_ =	strace $0x80000047;
	s7 =	ssub.s32 $0x2, s7  }
0xa: {  	v0 =	vmov s30;
	s30 =	simm.s32 $0x10280;
	s9 =	sshll.u32 s8, $0x7;
	s11 =	sshll.u32 s8, $0x8  }
0xb: {  	s12 =	sshll.u32 s8, $0x10;
	s8 =	sshll.u32 s8, $0xE;
	s10 =	sadd.s32 s9, s6  }
0xc: {  	s12 =	sadd.s32 s0, s12;
	s13 =	sor.u32 $0x10, s9;
	s8 =	sadd.s32 s5, s8  }
0xd: {  	s6 =	sadd.s32 s11, s6;
	s15 =	sor.u32 $0x20, s9;
	s17 =	sor.u32 $0x30, s9  }
0xe: {  	s23 =	sor.u32 $0x40, s9;
	s11 =	simm.s32 $0x4000;
	[dreg:$0x5] =	wrdreg s12  }
0xf: {  	s24 =	sshll.u32 s13, $0x9;
	[dreg:$0x6] =	wrdreg s8;
	s26 =	sshll.u32 s13, $0x7  }
0x10: {  	s14 =	sadd.s32 $0x81200, s10;
	s16 =	sshll.u32 s15, $0x9;
	s10 =	sshll.u32 s15, $0x7  }
0x11: {  	s19 =	sshll.u32 s17, $0x9;
	s25 =	sadd.s32 s0, s24;
	[dreg:$0x9] =	wrdreg s14  }
0x12: {  	s21 =	sshll.u32 s17, $0x7;
	s13 =	sadd.s32 s5, s26;
	[dreg:$0x7] =	wrdreg s25  }
0x13: {  	s12 =	simm.s32 $0xC000;
	s8 =	sadd.s32 s0, s16;
	[dreg:$0x8] =	wrdreg s13  }
0x14: {  	s18 =	sadd.s32 s5, s10;
	s20 =	sadd.s32 s0, s19;
	[dreg:$0xa] =	wrdreg s8  }
0x15: {  	s22 =	sadd.s32 s5, s21;
	s24 =	sshrl.u32 s7, $0x1;
	[dreg:$0xb] =	wrdreg s18  }
0x16: {  	s10 =	sshll.u32 s23, $0x7;
	s26 =	sor.u32 $0x50, s9;
	[dreg:$0xc] =	wrdreg s20  }
0x17: {  	[dreg:$0xd] =	wrdreg s22;
	s25 =	sshll.u32 s23, $0x9;
	s13 =	sadd.s32 s5, s10  }
0x18: {  	s14 =	sshll.u32 s26, $0x9;
	s16 =	sshll.u32 s26, $0x7;
	s18 =	sor.u32 $0x60, s9  }
0x19: {  	s7 =	ssub.s32 s7, s24;
	s9 =	sor.u32 $0x70, s9;
	s24 =	sshll.u32 s1, $0xB  }
0x1a: {  	s26 =	sadd.s32 $0x84200, s6;
	s8 =	sadd.s32 s0, s25;
	[dreg:$0xf] =	wrdreg s13  }
0x1b: {  	s15 =	sadd.s32 s0, s14;
	s17 =	sadd.s32 s5, s16;
	s19 =	sshll.u32 s18, $0x9  }
0x1c: {  	s10 =	sshll.u32 s18, $0x7;
	s21 =	sshll.u32 s9, $0x9;
	s22 =	sshll.u32 s9, $0x7  }
0x1d: {  	s25 =	sadd.s32 $0x82200, s6;
	s6 =	sadd.s32 s24, s3;
	[dreg:$0x17] =	wrdreg s26  }
0x1e: {  	s7 =	smax.u32 s7, $0x1;
	s9 =	simm.s32 $0x1000;
	s13 =	simm.s32 $0x10000  }
0x1f: {  	s14 =	simm.s32 $0x9;
	s16 =	simm.s32 $0x1;
	[dreg:$0xe] =	wrdreg s8  }
0x20: {  	s18 =	simm.s32 $0x3;
	s26 =	simm.s32 $0x10100;
	[dreg:$0x10] =	wrdreg s15  }
0x21: {  	[dreg:$0x11] =	wrdreg s17;
	s8 =	sadd.s32 s0, s19;
	s20 =	sadd.s32 s5, s10  }
0x22: {  	s0 =	sadd.s32 s0, s21;
	s23 =	sadd.s32 s5, s22;
	[dreg:$0x16] =	wrdreg s25  }
0x23: {  	s5 =	sadd.s32 s24, s2;
	s10 =	simm.s32 $0x8000;
	[dreg:$0x12] =	wrdreg s8  }
0x24: {  	s17 =	simm.s32 $0x80;
	s19 =	simm.s32 $0x5;
	[dreg:$0x13] =	wrdreg s20  }
0x25: {  	s21 =	simm.s32 $0x2;
	s24 =	simm.s32 $0x6;
	[dreg:$0x14] =	wrdreg s0  }
0x26: {  	s25 =	simm.s32 $0x8;
	[dreg:$0x15] =	wrdreg s23;
	s8 =	simm.s32 $0x400  }
0x27: {  	v1 =	vimm.f32 $0.0e+00;
	s20 =	simm.s32 $0x7;
	s23 =	simm.s32 $0x4;
	s0 =	simm.s32 $0x10380  }
.LBB2_1:
0x28: {  	s1 =	rddreg [dreg:$0x5]  }
0x29: {  	[tilespmem:s4], [sflag:$0x1] =	stream.strided.gather [hbm4b:s1+s8], $0x4000, s9, s8, $0x38;
	[tilespmem:$0x11C00] =	vst v63  }
0x2a: {  	s15 =	rddreg [dreg:$0x6]  }
0x2b: {  	[tilespmem:s10], [sflag:$0x3] =	stream.linear.gather [hbm4b:s15+s4], $0x4000, $0x38;
	[tilespmem:$0x11C00] =	vst v63  }
0x2c: {  	s22 =	rddreg [dreg:$0x7]  }
0x2d: {  	[tilespmem:s11], [sflag:$0x2] =	stream.strided.gather [hbm4b:s22+s8], $0x4000, s9, s8, $0x38;
	[tilespmem:$0x11C00] =	vst v63  }
0x2e: {  	s15 =	rddreg [dreg:$0x8]  }
0x2f: {  	[tilespmem:s12], [sflag:$0x4] =	stream.linear.gather [hbm4b:s15+s4], $0x4000, $0x38;
	[tilespmem:$0x11C00] =	vst v63  }
0x30: {  	s22 =	rddreg [dreg:$0x9]  }
0x31: {  	[tilespmem:s13], [sflag:$0x9] =	stream.linear.gather [hbm4b:s22+s4], $0x400, $0x38;
	[tilespmem:$0x11C00] =	vst v63  }
0x32: {  	_ =	swait.ge [sflag:s14], $0x400  }
0x33: {  	[sflag:s14] =	ssyncset.done $0x0  }
0x34: {  	[sflag:s14] =	ssyncadd.s32 $0xFFFFFC00  }
0x35: {  	[tilespmem:$0x10400] =	vst v1  }
0x36: {  	[tilespmem:$0x10410] =	vst v1  }
0x37: {  	[tilespmem:$0x10420] =	vst v1  }
0x38: {  	[tilespmem:$0x10430] =	vst v1  }
0x39: {  	[tilespmem:$0x10440] =	vst v1  }
0x3a: {  	[tilespmem:$0x10450] =	vst v1  }
0x3b: {  	[tilespmem:$0x10460] =	vst v1  }
0x3c: {  	[tilespmem:$0x10470] =	vst v1  }
0x3d: {  	[tilespmem:$0x10480] =	vst v1  }
0x3e: {  	[tilespmem:$0x10490] =	vst v1  }
0x3f: {  	[tilespmem:$0x104A0] =	vst v1  }
0x40: {  	[tilespmem:$0x104B0] =	vst v1  }
0x41: {  	[tilespmem:$0x104C0] =	vst v1  }
0x42: {  	[tilespmem:$0x104D0] =	vst v1  }
0x43: {  	[tilespmem:$0x104E0] =	vst v1  }
0x44: {  	[tilespmem:$0x104F0] =	vst v1  }
0x45: {  	[tilespmem:$0x10500] =	vst v1  }
0x46: {  	[tilespmem:$0x10510] =	vst v1  }
0x47: {  	[tilespmem:$0x10520] =	vst v1  }
0x48: {  	[tilespmem:$0x10530] =	vst v1  }
0x49: {  	[tilespmem:$0x10540] =	vst v1  }
0x4a: {  	[tilespmem:$0x10550] =	vst v1  }
0x4b: {  	[tilespmem:$0x10560] =	vst v1  }
0x4c: {  	[tilespmem:$0x10570] =	vst v1  }
0x4d: {  	[tilespmem:$0x10580] =	vst v1  }
0x4e: {  	[tilespmem:$0x10590] =	vst v1  }
0x4f: {  	[tilespmem:$0x105A0] =	vst v1  }
0x50: {  	[tilespmem:$0x105B0] =	vst v1  }
0x51: {  	[tilespmem:$0x105C0] =	vst v1  }
0x52: {  	[tilespmem:$0x105D0] =	vst v1  }
0x53: {  	[tilespmem:$0x105E0] =	vst v1  }
0x54: {  	[tilespmem:$0x105F0] =	vst v1  }
0x55: {  	[tilespmem:$0x10600] =	vst v1  }
0x56: {  	[tilespmem:$0x10610] =	vst v1  }
0x57: {  	[tilespmem:$0x10620] =	vst v1  }
0x58: {  	[tilespmem:$0x10630] =	vst v1  }
0x59: {  	[tilespmem:$0x10640] =	vst v1  }
0x5a: {  	[tilespmem:$0x10650] =	vst v1  }
0x5b: {  	[tilespmem:$0x10660] =	vst v1  }
0x5c: {  	[tilespmem:$0x10670] =	vst v1  }
0x5d: {  	[tilespmem:$0x10680] =	vst v1  }
0x5e: {  	[tilespmem:$0x10690] =	vst v1  }
0x5f: {  	[tilespmem:$0x106A0] =	vst v1  }
0x60: {  	[tilespmem:$0x106B0] =	vst v1  }
0x61: {  	[tilespmem:$0x106C0] =	vst v1  }
0x62: {  	[tilespmem:$0x106D0] =	vst v1  }
0x63: {  	[tilespmem:$0x106E0] =	vst v1  }
0x64: {  	[tilespmem:$0x106F0] =	vst v1  }
0x65: {  	[tilespmem:$0x10700] =	vst v1  }
0x66: {  	[tilespmem:$0x10710] =	vst v1  }
0x67: {  	[tilespmem:$0x10720] =	vst v1  }
0x68: {  	[tilespmem:$0x10730] =	vst v1  }
0x69: {  	[tilespmem:$0x10740] =	vst v1  }
0x6a: {  	[tilespmem:$0x10750] =	vst v1  }
0x6b: {  	[tilespmem:$0x10760] =	vst v1  }
0x6c: {  	[tilespmem:$0x10770] =	vst v1  }
0x6d: {  	[tilespmem:$0x10780] =	vst v1  }
0x6e: {  	[tilespmem:$0x10790] =	vst v1  }
0x6f: {  	[tilespmem:$0x107A0] =	vst v1  }
0x70: {  	[tilespmem:$0x107B0] =	vst v1  }
0x71: {  	[tilespmem:$0x107C0] =	vst v1  }
0x72: {  	[tilespmem:$0x107D0] =	vst v1  }
0x73: {  	[tilespmem:$0x107E0] =	vst v1  }
0x74: {  	[tilespmem:$0x107F0] =	vst v1  }
0x75: {  	[tilespmem:$0x10800] =	vst v1  }
0x76: {  	[tilespmem:$0x10810] =	vst v1  }
0x77: {  	[tilespmem:$0x10820] =	vst v1  }
0x78: {  	[tilespmem:$0x10830] =	vst v1  }
0x79: {  	[tilespmem:$0x10840] =	vst v1  }
0x7a: {  	[tilespmem:$0x10850] =	vst v1  }
0x7b: {  	[tilespmem:$0x10860] =	vst v1  }
0x7c: {  	[tilespmem:$0x10870] =	vst v1  }
0x7d: {  	[tilespmem:$0x10880] =	vst v1  }
0x7e: {  	[tilespmem:$0x10890] =	vst v1  }
0x7f: {  	[tilespmem:$0x108A0] =	vst v1  }
0x80: {  	[tilespmem:$0x108B0] =	vst v1  }
0x81: {  	[tilespmem:$0x108C0] =	vst v1  }
0x82: {  	[tilespmem:$0x108D0] =	vst v1  }
0x83: {  	[tilespmem:$0x108E0] =	vst v1  }
0x84: {  	[tilespmem:$0x108F0] =	vst v1  }
0x85: {  	[tilespmem:$0x10900] =	vst v1  }
0x86: {  	[tilespmem:$0x10910] =	vst v1  }
0x87: {  	[tilespmem:$0x10920] =	vst v1  }
0x88: {  	[tilespmem:$0x10930] =	vst v1  }
0x89: {  	[tilespmem:$0x10940] =	vst v1  }
0x8a: {  	[tilespmem:$0x10950] =	vst v1  }
0x8b: {  	[tilespmem:$0x10960] =	vst v1  }
0x8c: {  	[tilespmem:$0x10970] =	vst v1  }
0x8d: {  	[tilespmem:$0x10980] =	vst v1  }
0x8e: {  	[tilespmem:$0x10990] =	vst v1  }
0x8f: {  	[tilespmem:$0x109A0] =	vst v1  }
0x90: {  	[tilespmem:$0x109B0] =	vst v1  }
0x91: {  	[tilespmem:$0x109C0] =	vst v1  }
0x92: {  	[tilespmem:$0x109D0] =	vst v1  }
0x93: {  	[tilespmem:$0x109E0] =	vst v1  }
0x94: {  	[tilespmem:$0x109F0] =	vst v1  }
0x95: {  	[tilespmem:$0x10A00] =	vst v1  }
0x96: {  	[tilespmem:$0x10A10] =	vst v1  }
0x97: {  	[tilespmem:$0x10A20] =	vst v1  }
0x98: {  	[tilespmem:$0x10A30] =	vst v1  }
0x99: {  	[tilespmem:$0x10A40] =	vst v1  }
0x9a: {  	[tilespmem:$0x10A50] =	vst v1  }
0x9b: {  	[tilespmem:$0x10A60] =	vst v1  }
0x9c: {  	[tilespmem:$0x10A70] =	vst v1  }
0x9d: {  	[tilespmem:$0x10A80] =	vst v1  }
0x9e: {  	[tilespmem:$0x10A90] =	vst v1  }
0x9f: {  	[tilespmem:$0x10AA0] =	vst v1  }
0xa0: {  	[tilespmem:$0x10AB0] =	vst v1  }
0xa1: {  	[tilespmem:$0x10AC0] =	vst v1  }
0xa2: {  	[tilespmem:$0x10AD0] =	vst v1  }
0xa3: {  	[tilespmem:$0x10AE0] =	vst v1  }
0xa4: {  	[tilespmem:$0x10AF0] =	vst v1  }
0xa5: {  	[tilespmem:$0x10B00] =	vst v1  }
0xa6: {  	[tilespmem:$0x10B10] =	vst v1  }
0xa7: {  	[tilespmem:$0x10B20] =	vst v1  }
0xa8: {  	[tilespmem:$0x10B30] =	vst v1  }
0xa9: {  	[tilespmem:$0x10B40] =	vst v1  }
0xaa: {  	[tilespmem:$0x10B50] =	vst v1  }
0xab: {  	[tilespmem:$0x10B60] =	vst v1  }
0xac: {  	[tilespmem:$0x10B70] =	vst v1  }
0xad: {  	[tilespmem:$0x10B80] =	vst v1  }
0xae: {  	[tilespmem:$0x10B90] =	vst v1  }
0xaf: {  	v2 =	vld [tilespmem:$0x10000];
	[tilespmem:$0x10BA0] =	vst v1  }
0xb0: {  	v3 =	vld [tilespmem:$0x10010];
	[tilespmem:$0x10BB0] =	vst v1  }
0xb1: {  	v4 =	vld [tilespmem:$0x10020];
	[tilespmem:$0x10BC0] =	vst v1  }
0xb2: {  	v5 =	vld [tilespmem:$0x10030];
	[tilespmem:$0x10BD0] =	vst v1  }
0xb3: {  	v6 =	vld [tilespmem:$0x10040];
	[tilespmem:$0x10BE0] =	vst v1  }
0xb4: {  	v7 =	vld [tilespmem:$0x10050];
	[tilespmem:$0x10BF0] =	vst v1;
	v2 =	vadd.s32 v0, v2  }
0xb5: {  	[tilespmem:$0x10000] =	vst v2;
	v2 =	vadd.s32 v0, v3;
	v3 =	vld [tilespmem:$0x10060]  }
0xb6: {  	v18 =	vld [tilespmem:$0x10070];
	[tilespmem:$0x10010] =	vst v2;
	v2 =	vadd.s32 v0, v4  }
0xb7: {  	v19 =	vld [tilespmem:$0x10080];
	[tilespmem:$0x10020] =	vst v2;
	v2 =	vadd.s32 v0, v5  }
0xb8: {  	v20 =	vld [tilespmem:$0x10090];
	[tilespmem:$0x10030] =	vst v2;
	v2 =	vadd.s32 v0, v6  }
0xb9: {  	v21 =	vld [tilespmem:$0x100A0];
	[tilespmem:$0x10040] =	vst v2;
	v2 =	vadd.s32 v0, v7  }
0xba: {  	[tilespmem:$0x10050] =	vst v2;
	v2 =	vadd.s32 v0, v3;
	v3 =	vld [tilespmem:$0x100B0]  }
0xbb: {  	v22 =	vld [tilespmem:$0x100C0];
	[tilespmem:$0x10060] =	vst v2;
	v2 =	vadd.s32 v0, v18  }
0xbc: {  	v23 =	vld [tilespmem:$0x100D0];
	[tilespmem:$0x10070] =	vst v2;
	v2 =	vadd.s32 v0, v19  }
0xbd: {  	v24 =	vld [tilespmem:$0x100E0];
	[tilespmem:$0x10080] =	vst v2;
	v2 =	vadd.s32 v0, v20  }
0xbe: {  	v25 =	vld [tilespmem:$0x100F0];
	[tilespmem:$0x10090] =	vst v2;
	v2 =	vadd.s32 v0, v21  }
0xbf: {  	[tilespmem:$0x100A0] =	vst v2;
	v2 =	vadd.s32 v0, v3;
	v3 =	vld [tilespmem:$0x10100]  }
0xc0: {  	v26 =	vld [tilespmem:$0x10110];
	[tilespmem:$0x100B0] =	vst v2;
	v2 =	vadd.s32 v0, v22  }
0xc1: {  	v27 =	vld [tilespmem:$0x10120];
	[tilespmem:$0x100C0] =	vst v2;
	v2 =	vadd.s32 v0, v23  }
0xc2: {  	v28 =	vld [tilespmem:$0x10130];
	[tilespmem:$0x100D0] =	vst v2;
	v2 =	vadd.s32 v0, v24  }
0xc3: {  	v29 =	vld [tilespmem:$0x10140];
	[tilespmem:$0x100E0] =	vst v2;
	v2 =	vadd.s32 v0, v25  }
0xc4: {  	[tilespmem:$0x100F0] =	vst v2;
	v2 =	vadd.s32 v0, v3;
	v3 =	vld [tilespmem:$0x10150]  }
0xc5: {  	v30 =	vld [tilespmem:$0x10160];
	[tilespmem:$0x10100] =	vst v2;
	v2 =	vadd.s32 v0, v26  }
0xc6: {  	v31 =	vld [tilespmem:$0x10170];
	[tilespmem:$0x10110] =	vst v2;
	v2 =	vadd.s32 v0, v27  }
0xc7: {  	v32 =	vld [tilespmem:$0x10180];
	[tilespmem:$0x10120] =	vst v2;
	v2 =	vadd.s32 v0, v28  }
0xc8: {  	v33 =	vld [tilespmem:$0x10190];
	[tilespmem:$0x10130] =	vst v2;
	v2 =	vadd.s32 v0, v29  }
0xc9: {  	[tilespmem:$0x10140] =	vst v2;
	v2 =	vadd.s32 v0, v3;
	v3 =	vld [tilespmem:$0x101A0]  }
0xca: {  	v34 =	vld [tilespmem:$0x101B0];
	[tilespmem:$0x10150] =	vst v2;
	v2 =	vadd.s32 v0, v30  }
0xcb: {  	v35 =	vld [tilespmem:$0x101C0];
	[tilespmem:$0x10160] =	vst v2;
	v2 =	vadd.s32 v0, v31  }
0xcc: {  	v36 =	vld [tilespmem:$0x101D0];
	[tilespmem:$0x10170] =	vst v2;
	v2 =	vadd.s32 v0, v32  }
0xcd: {  	v37 =	vld [tilespmem:$0x101E0];
	[tilespmem:$0x10180] =	vst v2;
	v2 =	vadd.s32 v0, v33  }
0xce: {  	[tilespmem:$0x10190] =	vst v2;
	v2 =	vadd.s32 v0, v3;
	v3 =	vld [tilespmem:$0x101F0]  }
0xcf: {  	v38 =	vld [tilespmem:$0x10200];
	[tilespmem:$0x101A0] =	vst v2;
	v2 =	vadd.s32 v0, v34  }
0xd0: {  	v39 =	vld [tilespmem:$0x10210];
	[tilespmem:$0x101B0] =	vst v2;
	v2 =	vadd.s32 v0, v35  }
0xd1: {  	v40 =	vld [tilespmem:$0x10220];
	[tilespmem:$0x101C0] =	vst v2;
	v2 =	vadd.s32 v0, v36  }
0xd2: {  	v41 =	vld [tilespmem:$0x10230];
	[tilespmem:$0x101D0] =	vst v2;
	v2 =	vadd.s32 v0, v37  }
0xd3: {  	[tilespmem:$0x101E0] =	vst v2;
	v2 =	vadd.s32 v0, v3;
	v3 =	vld [tilespmem:$0x10240]  }
0xd4: {  	v42 =	vld [tilespmem:$0x10250];
	[tilespmem:$0x101F0] =	vst v2;
	v2 =	vadd.s32 v0, v38  }
0xd5: {  	v43 =	vld [tilespmem:$0x10260];
	[tilespmem:$0x10200] =	vst v2;
	v2 =	vadd.s32 v0, v39  }
0xd6: {  	v44 =	vld [tilespmem:$0x10270];
	[tilespmem:$0x10210] =	vst v2;
	v2 =	vadd.s32 v0, v40  }
0xd7: {  	v45 =	vld [tilespmem:$0x10280];
	[tilespmem:$0x10220] =	vst v2;
	v2 =	vadd.s32 v0, v41  }
0xd8: {  	[tilespmem:$0x10230] =	vst v2;
	v2 =	vadd.s32 v0, v3;
	v3 =	vld [tilespmem:$0x10290]  }
0xd9: {  	v46 =	vld [tilespmem:$0x102A0];
	[tilespmem:$0x10240] =	vst v2;
	v2 =	vadd.s32 v0, v42  }
0xda: {  	v47 =	vld [tilespmem:$0x102B0];
	[tilespmem:$0x10250] =	vst v2;
	v2 =	vadd.s32 v0, v43  }
0xdb: {  	v48 =	vld [tilespmem:$0x102C0];
	[tilespmem:$0x10260] =	vst v2;
	v2 =	vadd.s32 v0, v44  }
0xdc: {  	v49 =	vld [tilespmem:$0x102D0];
	[tilespmem:$0x10270] =	vst v2;
	v2 =	vadd.s32 v0, v45  }
0xdd: {  	[tilespmem:$0x10280] =	vst v2;
	v2 =	vadd.s32 v0, v3;
	v3 =	vld [tilespmem:$0x102E0]  }
0xde: {  	v50 =	vld [tilespmem:$0x102F0];
	[tilespmem:$0x10290] =	vst v2;
	v2 =	vadd.s32 v0, v46  }
0xdf: {  	v51 =	vld [tilespmem:$0x10300];
	[tilespmem:$0x102A0] =	vst v2;
	v2 =	vadd.s32 v0, v47  }
0xe0: {  	v52 =	vld [tilespmem:$0x10310];
	[tilespmem:$0x102B0] =	vst v2;
	v2 =	vadd.s32 v0, v48  }
0xe1: {  	v53 =	vld [tilespmem:$0x10320];
	[tilespmem:$0x102C0] =	vst v2;
	v2 =	vadd.s32 v0, v49  }
0xe2: {  	[tilespmem:$0x102D0] =	vst v2;
	v2 =	vadd.s32 v0, v3;
	v3 =	vld [tilespmem:$0x10330]  }
0xe3: {  	v54 =	vld [tilespmem:$0x10340];
	[tilespmem:$0x102E0] =	vst v2;
	v2 =	vadd.s32 v0, v50  }
0xe4: {  	v55 =	vld [tilespmem:$0x10350];
	[tilespmem:$0x102F0] =	vst v2;
	v2 =	vadd.s32 v0, v51  }
0xe5: {  	v56 =	vld [tilespmem:$0x10360];
	[tilespmem:$0x10300] =	vst v2;
	v2 =	vadd.s32 v0, v52  }
0xe6: {  	v57 =	vld [tilespmem:$0x10370];
	[tilespmem:$0x10310] =	vst v2;
	v2 =	vadd.s32 v0, v53  }
0xe7: {  	[tilespmem:$0x10320] =	vst v2;
	v2 =	vadd.s32 v0, v3;
	v3 =	vld [tilespmem:$0x10380]  }
0xe8: {  	v58 =	vld [tilespmem:$0x10390];
	[tilespmem:$0x10330] =	vst v2;
	v2 =	vadd.s32 v0, v54  }
0xe9: {  	v59 =	vld [tilespmem:$0x103A0];
	[tilespmem:$0x10340] =	vst v2;
	v2 =	vadd.s32 v0, v55  }
0xea: {  	v60 =	vld [tilespmem:$0x103B0];
	[tilespmem:$0x10350] =	vst v2;
	v2 =	vadd.s32 v0, v56  }
0xeb: {  	v61 =	vld [tilespmem:$0x103C0];
	[tilespmem:$0x10360] =	vst v2;
	v2 =	vadd.s32 v0, v57  }
0xec: {  	[tilespmem:$0x10370] =	vst v2;
	v2 =	vadd.s32 v0, v3;
	v3 =	vld [tilespmem:$0x103D0]  }
0xed: {  	v62 =	vld [tilespmem:$0x103E0];
	[tilespmem:$0x10380] =	vst v2;
	v2 =	vadd.s32 v0, v58  }
0xee: {  	v63 =	vld [tilespmem:$0x103F0];
	[tilespmem:$0x10390] =	vst v2;
	v2 =	vadd.s32 v0, v59  }
0xef: {  	[tilespmem:$0x103A0] =	vst v2;
	v2 =	vadd.s32 v0, v60  }
0xf0: {  	[tilespmem:$0x103B0] =	vst v2;
	v2 =	vadd.s32 v0, v61  }
0xf1: {  	[tilespmem:$0x103C0] =	vst v2;
	v2 =	vadd.s32 v0, v3  }
0xf2: {  	[tilespmem:$0x103D0] =	vst v2;
	v2 =	vadd.s32 v0, v62  }
0xf3: {  	[tilespmem:$0x103E0] =	vst v2;
	v2 =	vadd.s32 v0, v63  }
0xf4: {  	s22 =	simm.s32 $0x10400;
	[tilespmem:$0x103F0] =	vst v2  }
0xf5: {  	[spmem:s5] =	stream.linear.scatter [tilespmem:s22], [sflag:$0x9], $0x800, $0x38;
	[tilespmem:$0x11C00] =	vst v63  }
0xf6: {  	_ =	swait.ge [sflag:s14], $0x800  }
0xf7: {  	[sflag:s14] =	ssyncset.done $0x0  }
0xf8: {  	[sflag:s14] =	ssyncadd.s32 $0xFFFFF800  }
0xf9: {  	[spmem:s6] =	stream.linear.scatter [tilespmem:s22], [sflag:$0x9], $0x800, $0x38;
	[tilespmem:$0x11C00] =	vst v63  }
0xfa: {  	_ =	swait.ge [sflag:s14], $0x800  }
0xfb: {  	[sflag:s14] =	ssyncset.done $0x0  }
0xfc: {  	[sflag:s14] =	ssyncadd.s32 $0xFFFFF800  }
0xfd: {  	_ =	swait.ge [sflag:s16], $0x4000  }
0xfe: {  	[sflag:s16] =	ssyncset.done $0x0  }
0xff: {  	[sflag:s16] =	ssyncadd.s32 $0xFFFFC000  }
0x100: {  	[spmem:s2] =	stream.indirect.scatter.add.f32 [tilespmem:s4], [sflag:$0x5], $0x80, s13, s17, $0xb8;
	[tilespmem:$0x11C00] =	vst v63  }
0x101: {  	_ =	swait.ge [sflag:s18], $0x4000  }
0x102: {  	[sflag:s18] =	ssyncset.done $0x0  }
0x103: {  	[sflag:s18] =	ssyncadd.s32 $0xFFFFC000  }
0x104: {  	[spmem:s3] =	stream.indirect.scatter.add.f32 [tilespmem:s10], [sflag:$0x7], $0x80, s13, s17, $0xb8;
	[tilespmem:$0x11C00] =	vst v63  }
0x105: {  	_ =	swait.ge [sflag:s19], $0x4000  }
0x106: {  	[sflag:s19] =	ssyncset.done $0x0  }
0x107: {  	s15 =	rddreg [dreg:$0xa];
	[sflag:s19] =	ssyncadd.s32 $0xFFFFC000  }
0x108: {  	[tilespmem:s4], [sflag:$0x1] =	stream.strided.gather [hbm4b:s15+s8], $0x4000, s9, s8, $0x38;
	[tilespmem:$0x11C00] =	vst v63  }
0x109: {  	_ =	swait.ge [sflag:s20], $0x4000  }
0x10a: {  	[sflag:s20] =	ssyncset.done $0x0  }
0x10b: {  	s22 =	rddreg [dreg:$0xb];
	[sflag:s20] =	ssyncadd.s32 $0xFFFFC000  }
0x10c: {  	[tilespmem:s10], [sflag:$0x3] =	stream.linear.gather [hbm4b:s22+s4], $0x4000, $0x38;
	[tilespmem:$0x11C00] =	vst v63  }
0x10d: {  	_ =	swait.ge [sflag:s21], $0x4000  }
0x10e: {  	[sflag:s21] =	ssyncset.done $0x0  }
0x10f: {  	s15 =	simm.s32 $0x10080;
	[sflag:s21] =	ssyncadd.s32 $0xFFFFC000  }
0x110: {  	[spmem:s2] =	stream.indirect.scatter.add.f32 [tilespmem:s11], [sflag:$0x6], $0x80, s15, s17, $0xb8;
	[tilespmem:$0x11C00] =	vst v63  }
0x111: {  	_ =	swait.ge [sflag:s23], $0x4000  }
0x112: {  	[sflag:s23] =	ssyncset.done $0x0  }
0x113: {  	[sflag:s23] =	ssyncadd.s32 $0xFFFFC000  }
0x114: {  	[spmem:s3] =	stream.indirect.scatter.add.f32 [tilespmem:s12], [sflag:$0x8], $0x80, s15, s17, $0xb8;
	[tilespmem:$0x11C00] =	vst v63  }
0x115: {  	_ =	swait.ge [sflag:s24], $0x4000  }
0x116: {  	[sflag:s24] =	ssyncset.done $0x0  }
0x117: {  	s22 =	rddreg [dreg:$0xc];
	[sflag:s24] =	ssyncadd.s32 $0xFFFFC000  }
0x118: {  	[tilespmem:s11], [sflag:$0x2] =	stream.strided.gather [hbm4b:s22+s8], $0x4000, s9, s8, $0x38;
	[tilespmem:$0x11C00] =	vst v63  }
0x119: {  	_ =	swait.ge [sflag:s25], $0x4000  }
0x11a: {  	[sflag:s25] =	ssyncset.done $0x0  }
0x11b: {  	s15 =	rddreg [dreg:$0xd];
	[sflag:s25] =	ssyncadd.s32 $0xFFFFC000  }
0x11c: {  	[tilespmem:s12], [sflag:$0x4] =	stream.linear.gather [hbm4b:s15+s4], $0x4000, $0x38;
	[tilespmem:$0x11C00] =	vst v63  }
0x11d: {  	_ =	swait.ge [sflag:s16], $0x4000  }
0x11e: {  	[sflag:s16] =	ssyncset.done $0x0  }
0x11f: {  	[sflag:s16] =	ssyncadd.s32 $0xFFFFC000  }
0x120: {  	[spmem:s2] =	stream.indirect.scatter.add.f32 [tilespmem:s4], [sflag:$0x5], $0x80, s26, s17, $0xb8;
	[tilespmem:$0x11C00] =	vst v63  }
0x121: {  	_ =	swait.ge [sflag:s18], $0x4000  }
0x122: {  	[sflag:s18] =	ssyncset.done $0x0  }
0x123: {  	[sflag:s18] =	ssyncadd.s32 $0xFFFFC000  }
0x124: {  	[spmem:s3] =	stream.indirect.scatter.add.f32 [tilespmem:s10], [sflag:$0x7], $0x80, s26, s17, $0xb8;
	[tilespmem:$0x11C00] =	vst v63  }
0x125: {  	_ =	swait.ge [sflag:s19], $0x4000  }
0x126: {  	[sflag:s19] =	ssyncset.done $0x0  }
0x127: {  	s22 =	rddreg [dreg:$0xe];
	[sflag:s19] =	ssyncadd.s32 $0xFFFFC000  }
0x128: {  	[tilespmem:s4], [sflag:$0x1] =	stream.strided.gather [hbm4b:s22+s8], $0x4000, s9, s8, $0x38;
	[tilespmem:$0x11C00] =	vst v63  }
0x129: {  	_ =	swait.ge [sflag:s20], $0x4000  }
0x12a: {  	[sflag:s20] =	ssyncset.done $0x0  }
0x12b: {  	s15 =	rddreg [dreg:$0xf];
	[sflag:s20] =	ssyncadd.s32 $0xFFFFC000  }
0x12c: {  	[tilespmem:s10], [sflag:$0x3] =	stream.linear.gather [hbm4b:s15+s4], $0x4000, $0x38;
	[tilespmem:$0x11C00] =	vst v63  }
0x12d: {  	_ =	swait.ge [sflag:s21], $0x4000  }
0x12e: {  	[sflag:s21] =	ssyncset.done $0x0  }
0x12f: {  	[sflag:s21] =	ssyncadd.s32 $0xFFFFC000  }
0x130: {  	[spmem:s2] =	stream.indirect.scatter.add.f32 [tilespmem:s11], [sflag:$0x6], $0x80, s28, s17, $0xb8;
	[tilespmem:$0x11C00] =	vst v63  }
0x131: {  	_ =	swait.ge [sflag:s23], $0x4000  }
0x132: {  	[sflag:s23] =	ssyncset.done $0x0  }
0x133: {  	[sflag:s23] =	ssyncadd.s32 $0xFFFFC000  }
0x134: {  	[spmem:s3] =	stream.indirect.scatter.add.f32 [tilespmem:s12], [sflag:$0x8], $0x80, s28, s17, $0xb8;
	[tilespmem:$0x11C00] =	vst v63  }
0x135: {  	_ =	swait.ge [sflag:s24], $0x4000  }
0x136: {  	[sflag:s24] =	ssyncset.done $0x0  }
0x137: {  	s22 =	rddreg [dreg:$0x10];
	[sflag:s24] =	ssyncadd.s32 $0xFFFFC000  }
0x138: {  	[tilespmem:s11], [sflag:$0x2] =	stream.strided.gather [hbm4b:s22+s8], $0x4000, s9, s8, $0x38;
	[tilespmem:$0x11C00] =	vst v63  }
0x139: {  	_ =	swait.ge [sflag:s25], $0x4000  }
0x13a: {  	[sflag:s25] =	ssyncset.done $0x0  }
0x13b: {  	s15 =	rddreg [dreg:$0x11];
	[sflag:s25] =	ssyncadd.s32 $0xFFFFC000  }
0x13c: {  	[tilespmem:s12], [sflag:$0x4] =	stream.linear.gather [hbm4b:s15+s4], $0x4000, $0x38;
	[tilespmem:$0x11C00] =	vst v63  }
0x13d: {  	_ =	swait.ge [sflag:s16], $0x4000  }
0x13e: {  	[sflag:s16] =	ssyncset.done $0x0  }
0x13f: {  	[sflag:s16] =	ssyncadd.s32 $0xFFFFC000  }
0x140: {  	[spmem:s2] =	stream.indirect.scatter.add.f32 [tilespmem:s4], [sflag:$0x5], $0x80, s29, s17, $0xb8;
	[tilespmem:$0x11C00] =	vst v63  }
0x141: {  	_ =	swait.ge [sflag:s18], $0x4000  }
0x142: {  	[sflag:s18] =	ssyncset.done $0x0  }
0x143: {  	[sflag:s18] =	ssyncadd.s32 $0xFFFFC000  }
0x144: {  	[spmem:s3] =	stream.indirect.scatter.add.f32 [tilespmem:s10], [sflag:$0x7], $0x80, s29, s17, $0xb8;
	[tilespmem:$0x11C00] =	vst v63  }
0x145: {  	_ =	swait.ge [sflag:s19], $0x4000  }
0x146: {  	[sflag:s19] =	ssyncset.done $0x0  }
0x147: {  	s22 =	rddreg [dreg:$0x12];
	[sflag:s19] =	ssyncadd.s32 $0xFFFFC000  }
0x148: {  	[tilespmem:s4], [sflag:$0x1] =	stream.strided.gather [hbm4b:s22+s8], $0x4000, s9, s8, $0x38;
	[tilespmem:$0x11C00] =	vst v63  }
0x149: {  	_ =	swait.ge [sflag:s20], $0x4000  }
0x14a: {  	[sflag:s20] =	ssyncset.done $0x0  }
0x14b: {  	s15 =	rddreg [dreg:$0x13];
	[sflag:s20] =	ssyncadd.s32 $0xFFFFC000  }
0x14c: {  	[tilespmem:s10], [sflag:$0x3] =	stream.linear.gather [hbm4b:s15+s4], $0x4000, $0x38;
	[tilespmem:$0x11C00] =	vst v63  }
0x14d: {  	_ =	swait.ge [sflag:s21], $0x4000  }
0x14e: {  	[sflag:s21] =	ssyncset.done $0x0  }
0x14f: {  	[sflag:s21] =	ssyncadd.s32 $0xFFFFC000  }
0x150: {  	[spmem:s2] =	stream.indirect.scatter.add.f32 [tilespmem:s11], [sflag:$0x6], $0x80, s30, s17, $0xb8;
	[tilespmem:$0x11C00] =	vst v63  }
0x151: {  	_ =	swait.ge [sflag:s23], $0x4000  }
0x152: {  	[sflag:s23] =	ssyncset.done $0x0  }
0x153: {  	[sflag:s23] =	ssyncadd.s32 $0xFFFFC000  }
0x154: {  	[spmem:s3] =	stream.indirect.scatter.add.f32 [tilespmem:s12], [sflag:$0x8], $0x80, s30, s17, $0xb8;
	[tilespmem:$0x11C00] =	vst v63  }
0x155: {  	_ =	swait.ge [sflag:s24], $0x4000  }
0x156: {  	[sflag:s24] =	ssyncset.done $0x0  }
0x157: {  	s22 =	rddreg [dreg:$0x14];
	[sflag:s24] =	ssyncadd.s32 $0xFFFFC000  }
0x158: {  	[tilespmem:s11], [sflag:$0x2] =	stream.strided.gather [hbm4b:s22+s8], $0x4000, s9, s8, $0x38;
	[tilespmem:$0x11C00] =	vst v63  }
0x159: {  	_ =	swait.ge [sflag:s25], $0x4000  }
0x15a: {  	[sflag:s25] =	ssyncset.done $0x0  }
0x15b: {  	s15 =	rddreg [dreg:$0x15];
	[sflag:s25] =	ssyncadd.s32 $0xFFFFC000  }
0x15c: {  	[tilespmem:s12], [sflag:$0x4] =	stream.linear.gather [hbm4b:s15+s4], $0x4000, $0x38;
	[tilespmem:$0x11C00] =	vst v63  }
0x15d: {  	_ =	swait.ge [sflag:s16], $0x4000  }
0x15e: {  	[sflag:s16] =	ssyncset.done $0x0  }
0x15f: {  	[sflag:s16] =	ssyncadd.s32 $0xFFFFC000  }
0x160: {  	[spmem:s2] =	stream.indirect.scatter.add.f32 [tilespmem:s4], [sflag:$0x5], $0x80, s31, s17, $0xb8;
	[tilespmem:$0x11C00] =	vst v63  }
0x161: {  	_ =	swait.ge [sflag:s18], $0x4000  }
0x162: {  	[sflag:s18] =	ssyncset.done $0x0  }
0x163: {  	[sflag:s18] =	ssyncadd.s32 $0xFFFFC000  }
0x164: {  	[spmem:s3] =	stream.indirect.scatter.add.f32 [tilespmem:s10], [sflag:$0x7], $0x80, s31, s17, $0xb8;
	[tilespmem:$0x11C00] =	vst v63  }
0x165: {  	_ =	swait.ge [sflag:s19], $0x4000  }
0x166: {  	[sflag:s19] =	ssyncset.done $0x0  }
0x167: {  	[sflag:s19] =	ssyncadd.s32 $0xFFFFC000  }
0x168: {  	_ =	swait.ge [sflag:s20], $0x4000  }
0x169: {  	[sflag:s20] =	ssyncset.done $0x0  }
0x16a: {  	[sflag:s20] =	ssyncadd.s32 $0xFFFFC000  }
0x16b: {  	_ =	swait.ge [sflag:s21], $0x4000  }
0x16c: {  	[sflag:s21] =	ssyncset.done $0x0  }
0x16d: {  	[sflag:s21] =	ssyncadd.s32 $0xFFFFC000  }
0x16e: {  	[spmem:s2] =	stream.indirect.scatter.add.f32 [tilespmem:s11], [sflag:$0x6], $0x80, s0, s17, $0xb8;
	[tilespmem:$0x11C00] =	vst v63  }
0x16f: {  	_ =	swait.ge [sflag:s23], $0x4000  }
0x170: {  	[sflag:s23] =	ssyncset.done $0x0  }
0x171: {  	[sflag:s23] =	ssyncadd.s32 $0xFFFFC000  }
0x172: {  	[spmem:s3] =	stream.indirect.scatter.add.f32 [tilespmem:s12], [sflag:$0x8], $0x80, s0, s17, $0xb8;
	[tilespmem:$0x11C00] =	vst v63  }
0x173: {  	_ =	swait.ge [sflag:s24], $0x4000  }
0x174: {  	[sflag:s24] =	ssyncset.done $0x0  }
0x175: {  	[sflag:s24] =	ssyncadd.s32 $0xFFFFC000  }
0x176: {  	s22 =	stileid.u32;
	_ =	swait.ge [sflag:s25], $0x4000  }
0x177: {  	s15 =	sshll.u32 s22, $0x6;
	s22 =	sshrl.u32 s5, $0x3;
	[sflag:s25] =	ssyncset.done $0x0  }
0x178: {  	s15 =	sor.u32 $0x1C09, s15;
	s1 =	rddreg [dreg:$0x16];
	[sflag:s25] =	ssyncadd.s32 $0xFFFFC000  }
0x179: {  	[hbm:s1], [sflag:s15] =	dma.local [spmem:s22], $0x100  }
0x17a: {  	_ =	swait.ge [sflag:s14], $0x100  }
0x17b: {  	p0 =	sne.s32 s7, $0x1;
	s22 =	sshrl.u32 s6, $0x3;
	[sflag:s14] =	ssyncset.done $0x0  }
.Ltmp0:
0x17c: {  	s1 =	rddreg [dreg:$0x17];
	[sflag:s14] =	ssyncadd.s32 $0xFFFFFF00;
	(pc) =	sbr.rel @p0 .LBB2_1-.Ltmp0, $4  }
0x17d: {  	[hbm:s1], [sflag:s15] =	dma.local [spmem:s22], $0x100  }
0x17e: {  	_ =	swait.ge [sflag:s14], $0x100  }
0x17f: {  	[sflag:s14] =	ssyncset.done $0x0  }
0x180: {  	s7 =	sadd.s32 $0xFFFFFFFF, s7;
	[sflag:s14] =	ssyncadd.s32 $0xFFFFFF00  }
0x181: {  	_ =	sfence.sel $0x180000  }
0x182: {  	[bflag:$0x0] =	sbarrier.arrive $0xFFFF  }
0x183: {  	_ =	strace $0x90000047  }
0x184: {  	s0 =	stileid.u32;
	[bflag:$0x2] =	sbarrier.arrive $0xFFFF  }
0x185: {  	p0 =	sne.s32 s0, $0x0;
	s0 =	rddreg [dreg:$0x4]  }
0x186: {  	s0 =	sadd.s32 @!p0 $0x100000, s0  }
0x187: {  	[sflag:s0] =	ssyncadd.tile.s32 @!p0 $0x1;
	_ =	shalt  }
.Lfunc_end2:
_tile_overlayer_lowered:
.L_overlay_start_2:
0x188: {  	(tag) =	ssettag $0x2  }
0x189: {  	s0 =	rddreg [dreg:$0x0];
	s2 =	stileid.u32  }
0x18a: {  	s1 =	rddreg [dreg:$0x1];
	p0 =	sne.s32 s2, $0x0  }
0x18b: {  	s3 =	rddreg [dreg:$0x2];
	[bflag:$0x3] =	sbarrier.arrive $0xFFFF;
	s2 =	simm.s32 @!p0 $0x1C09  }
0x18c: {  	[timem:s3], [sflag:s2] =	dma.local @!p0 [hbm:s0], s1  }
0x18d: {  	s0 =	simm.s32 @!p0 $0x9  }
0x18e: {  	_ =	swait.ge @!p0 [sflag:s0], s1  }
0x18f: {  	s1 =	ssub.s32 @!p0 $0x0, s1;
	[sflag:s0] =	ssyncset.done @!p0 $0x0  }
0x190: {  	[sflag:s0] =	ssyncadd.s32 @!p0 s1  }
0x191: {  	[bflag:$0x3] =	sbarrier.arrive $0xFFFF  }
0x192: {  	_ =	shalt  }

</sc_bundles>
